<compile_context>
chip_gen: v7x
topology: tpu7x:2x2x1
jax: 0.10.2.dev20260603
libtpu: 0.0.44.dev20260713+nightly
codegen_flags: <defaults>
</compile_context>

<pallas_src>
import jax
import jax.numpy as jnp
from jax import lax
from jax.experimental import pallas as pl
from jax.experimental.pallas import tpu as pltpu
from jax.experimental.pallas import tpu_sc as plsc

N = 10000
E = 320000
D = 128
H = 16
F = 16

NC = 2
NS = 16
L = 16
NW = NC * NS

ZROWS = 640
ZROWS_LAST = N - (NS - 1) * ZROWS
EPW = E // NW
CH = 2000
NCH = EPW // CH
EPT_DEG = E // NS
NCH_DEG = EPT_DEG // CH

_MESH = plsc.VectorSubcoreMesh(core_axis_name="c", subcore_axis_name="s")


def _rsqrt_newton(x):
    i = lax.bitcast_convert_type(x, jnp.int32)
    y = lax.bitcast_convert_type(jnp.int32(0x5F3759DF) - (i >> 1), jnp.float32)
    for _ in range(3):
        y = y * (1.5 - 0.5 * x * y * y)
    return y


def _scA_body(h1_hbm, src_hbm, dst_hbm, agg_out, hs1_out, dis_out,
              src0_v, dst0_v, rows0_v, src1_v, dst1_v, rows1_v, zb,
              ones_v, zbd, deg_v, dis_v, stage_v, rv_v, agg_sh, hs_sh,
              deg_sh, sem0, sem1):
    c = lax.axis_index("c")
    s = lax.axis_index("s")
    wid = s * NC + c
    r0 = pl.multiple_of(s * ZROWS, 8)
    rlast = (NS - 1) * ZROWS

    def fill(i, _):
        ones_v[pl.ds(i * L, L)] = jnp.ones((L,), jnp.float32)
        zbd[pl.ds(i * L, L)] = jnp.zeros((L,), jnp.float32)
        return 0

    lax.fori_loop(0, CH // L, fill, 0)

    def fz(i, _):
        zb[i, :] = jnp.zeros((L,), jnp.float32)
        return 0

    lax.fori_loop(0, ZROWS, fz, 0)

    @pl.when(s < NS - 1)
    def _():
        pltpu.sync_copy(zb, agg_sh.at[pl.ds(r0, ZROWS)])
        pltpu.sync_copy(zbd.at[pl.ds(0, ZROWS)], deg_sh.at[pl.ds(r0, ZROWS)])

    @pl.when(s == NS - 1)
    def _():
        pltpu.sync_copy(zb.at[pl.ds(0, ZROWS_LAST)],
                        agg_sh.at[pl.ds(rlast, ZROWS_LAST)])
        pltpu.sync_copy(zbd.at[pl.ds(0, ZROWS_LAST)],
                        deg_sh.at[pl.ds(rlast, ZROWS_LAST)])

    plsc.subcore_barrier()

    def chunk_deg(g, _):
        base = pl.multiple_of(s * EPT_DEG + g * CH, 8)
        pltpu.sync_copy(dst_hbm.at[pl.ds(base, CH)], src0_v)
        pltpu.sync_copy(ones_v, deg_sh.at[src0_v], add=True)
        return 0

    lax.fori_loop(0, NCH_DEG, chunk_deg, 0)
    plsc.subcore_barrier()

    def scale_rows(nrows, base_row):
        pltpu.sync_copy(deg_sh.at[pl.ds(base_row, nrows)],
                        deg_v.at[pl.ds(0, nrows)])

        def vstep(k, _):
            v = deg_v[pl.ds(k * L, L)] + 1.0
            dis_v[pl.ds(k * L, L)] = _rsqrt_newton(v)
            return 0

        lax.fori_loop(0, nrows // L, vstep, 0)
        pltpu.sync_copy(h1_hbm.at[pl.ds(base_row, nrows)],
                        stage_v.at[pl.ds(0, nrows)])

        gdn = lax.GatherDimensionNumbers(
            offset_dims=(), collapsed_slice_dims=(0,), start_index_map=(0,))

        def rstep(k, _):
            dvals = dis_v[pl.ds(k * L, L)]
            for j in range(L):
                dj = lax.gather(
                    dvals, jnp.full((L, 1), j, jnp.int32), gdn,
                    slice_sizes=(1,),
                    mode=lax.GatherScatterMode.PROMISE_IN_BOUNDS)
                r = k * L + j
                stage_v[r, :] = stage_v[r, :] * dj
            return 0

        lax.fori_loop(0, nrows // L, rstep, 0)


        pltpu.sync_copy(stage_v.at[pl.ds(0, nrows)],
                        hs_sh.at[pl.ds(base_row, nrows)])

        @pl.when(c == 0)
        def _():
            pltpu.sync_copy(stage_v.at[pl.ds(0, nrows)],
                            hs1_out.at[pl.ds(base_row, nrows)])
            pltpu.sync_copy(dis_v.at[pl.ds(0, nrows)],
                            dis_out.at[pl.ds(base_row, nrows)])

    @pl.when(s < NS - 1)
    def _():
        scale_rows(ZROWS, r0)

    @pl.when(s == NS - 1)
    def _():
        scale_rows(ZROWS_LAST, rlast)

    plsc.subcore_barrier()

    bufs = ((src0_v, dst0_v, rows0_v, sem0), (src1_v, dst1_v, rows1_v, sem1))

    def load(buf, g):
        base = pl.multiple_of(wid * EPW + g * CH, 8)
        pltpu.sync_copy(src_hbm.at[pl.ds(base, CH)], buf[0])
        pltpu.sync_copy(dst_hbm.at[pl.ds(base, CH)], buf[1])
        return pltpu.async_copy(hs_sh.at[buf[0]], buf[2], buf[3])

    descs = [None, None]
    descs[0] = load(bufs[0], 0)
    for g in range(NCH):
        cur = bufs[g % 2]
        descs[g % 2].wait()
        if g + 1 < NCH:
            descs[(g + 1) % 2] = load(bufs[(g + 1) % 2], g + 1)
        pltpu.sync_copy(cur[2], agg_sh.at[cur[1]], add=True)
    plsc.subcore_barrier()

    @pl.when(s < NS - 1)
    def _():
        pltpu.sync_copy(agg_sh.at[pl.ds(r0, ZROWS)],
                        agg_out.at[c, pl.ds(r0, ZROWS)])

    @pl.when(s == NS - 1)
    def _():
        pltpu.sync_copy(agg_sh.at[pl.ds(rlast, ZROWS_LAST)],
                        agg_out.at[c, pl.ds(rlast, ZROWS_LAST)])


_scA_call = pl.kernel(
    _scA_body,
    out_type=(jax.ShapeDtypeStruct((NC, N, F), jnp.float32),
              jax.ShapeDtypeStruct((N, F), jnp.float32),
              jax.ShapeDtypeStruct((N,), jnp.float32)),
    mesh=_MESH,
    scratch_types=[
        pltpu.VMEM((CH,), jnp.int32),
        pltpu.VMEM((CH,), jnp.int32),
        pltpu.VMEM((CH, F), jnp.float32),
        pltpu.VMEM((CH,), jnp.int32),
        pltpu.VMEM((CH,), jnp.int32),
        pltpu.VMEM((CH, F), jnp.float32),
        pltpu.VMEM((ZROWS, F), jnp.float32),
        pltpu.VMEM((CH,), jnp.float32),
        pltpu.VMEM((CH,), jnp.float32),
        pltpu.VMEM((ZROWS,), jnp.float32),
        pltpu.VMEM((ZROWS,), jnp.float32),
        pltpu.VMEM((ZROWS, F), jnp.float32),
        pltpu.VMEM((L,), jnp.int32),
        pltpu.VMEM_SHARED((N, F), jnp.float32),
        pltpu.VMEM_SHARED((N, F), jnp.float32),
        pltpu.VMEM_SHARED((N,), jnp.float32),
        pltpu.SemaphoreType.DMA,
        pltpu.SemaphoreType.DMA,
    ],
    compiler_params=pltpu.CompilerParams(use_tc_tiling_on_sc=False),
)


def _agg_body(hs_hbm, src_hbm, dst_hbm, agg_out, src0_v, dst0_v, rows0_v,
              src1_v, dst1_v, rows1_v, zb, agg_sh, hs_sh, sem0, sem1):
    c = lax.axis_index("c")
    s = lax.axis_index("s")
    wid = s * NC + c

    def fz(i, _):
        zb[i, :] = jnp.zeros((L,), jnp.float32)
        return 0

    lax.fori_loop(0, ZROWS, fz, 0)
    r0 = pl.multiple_of(s * ZROWS, 8)

    @pl.when(s < NS - 1)
    def _():
        pltpu.sync_copy(zb, agg_sh.at[pl.ds(r0, ZROWS)])
        pltpu.sync_copy(hs_hbm.at[pl.ds(r0, ZROWS)],
                        hs_sh.at[pl.ds(r0, ZROWS)])

    @pl.when(s == NS - 1)
    def _():
        pltpu.sync_copy(zb.at[pl.ds(0, ZROWS_LAST)],
                        agg_sh.at[pl.ds((NS - 1) * ZROWS, ZROWS_LAST)])
        pltpu.sync_copy(hs_hbm.at[pl.ds((NS - 1) * ZROWS, ZROWS_LAST)],
                        hs_sh.at[pl.ds((NS - 1) * ZROWS, ZROWS_LAST)])

    plsc.subcore_barrier()

    base0 = wid * EPW
    bufs = ((src0_v, dst0_v, rows0_v, sem0), (src1_v, dst1_v, rows1_v, sem1))

    def load(buf, g):
        base = pl.multiple_of(base0 + g * CH, 8)
        pltpu.sync_copy(src_hbm.at[pl.ds(base, CH)], buf[0])
        pltpu.sync_copy(dst_hbm.at[pl.ds(base, CH)], buf[1])
        return pltpu.async_copy(hs_sh.at[buf[0]], buf[2], buf[3])

    descs = [None, None]
    descs[0] = load(bufs[0], 0)
    for g in range(NCH):
        cur = bufs[g % 2]
        descs[g % 2].wait()
        if g + 1 < NCH:
            descs[(g + 1) % 2] = load(bufs[(g + 1) % 2], g + 1)
        pltpu.sync_copy(cur[2], agg_sh.at[cur[1]], add=True)
    plsc.subcore_barrier()

    @pl.when(s < NS - 1)
    def _():
        pltpu.sync_copy(agg_sh.at[pl.ds(r0, ZROWS)],
                        agg_out.at[c, pl.ds(r0, ZROWS)])

    @pl.when(s == NS - 1)
    def _():
        pltpu.sync_copy(agg_sh.at[pl.ds((NS - 1) * ZROWS, ZROWS_LAST)],
                        agg_out.at[c, pl.ds((NS - 1) * ZROWS, ZROWS_LAST)])


_agg_call = pl.kernel(
    _agg_body,
    out_type=jax.ShapeDtypeStruct((NC, N, F), jnp.float32),
    mesh=_MESH,
    scratch_types=[
        pltpu.VMEM((CH,), jnp.int32),
        pltpu.VMEM((CH,), jnp.int32),
        pltpu.VMEM((CH, F), jnp.float32),
        pltpu.VMEM((CH,), jnp.int32),
        pltpu.VMEM((CH,), jnp.int32),
        pltpu.VMEM((CH, F), jnp.float32),
        pltpu.VMEM((ZROWS, F), jnp.float32),
        pltpu.VMEM_SHARED((N, F), jnp.float32),
        pltpu.VMEM_SHARED((N, F), jnp.float32),
        pltpu.SemaphoreType.DMA,
        pltpu.SemaphoreType.DMA,
    ],
    compiler_params=pltpu.CompilerParams(use_tc_tiling_on_sc=False),
)


_BN = 1000
_GRID = N // _BN


def _mm1_body(x_ref, w_ref, h_ref):
    h_ref[...] = jnp.dot(x_ref[...], w_ref[...],
                         preferred_element_type=jnp.float32)


_mm1 = pl.pallas_call(
    _mm1_body,
    grid=(_GRID,),
    in_specs=[
        pl.BlockSpec((_BN, D), lambda i: (i, 0)),
        pl.BlockSpec((D, H), lambda i: (0, 0)),
    ],
    out_specs=pl.BlockSpec((_BN, H), lambda i: (i, 0)),
    out_shape=jax.ShapeDtypeStruct((N, H), jnp.float32),
)


def _stage2_body(aggp_ref, hs1_ref, dis_ref, b1_ref, w2_ref, hs2_ref):
    dis = dis_ref[...]
    agg = aggp_ref[0] + aggp_ref[1] + hs1_ref[...]
    out1 = jnp.maximum(dis * agg + b1_ref[...], 0.0)
    h2 = jnp.dot(out1, w2_ref[...], preferred_element_type=jnp.float32)
    hs2_ref[...] = h2 * dis


_stage2 = pl.pallas_call(
    _stage2_body,
    grid=(_GRID,),
    in_specs=[
        pl.BlockSpec((NC, _BN, F), lambda i: (0, i, 0)),
        pl.BlockSpec((_BN, H), lambda i: (i, 0)),
        pl.BlockSpec((_BN, 1), lambda i: (i, 0)),
        pl.BlockSpec((1, H), lambda i: (0, 0)),
        pl.BlockSpec((H, F), lambda i: (0, 0)),
    ],
    out_specs=pl.BlockSpec((_BN, F), lambda i: (i, 0)),
    out_shape=jax.ShapeDtypeStruct((N, F), jnp.float32),
)


def _stage3_body(aggp_ref, hs2_ref, dis_ref, b2_ref, out_ref):
    dis = dis_ref[...]
    agg = aggp_ref[0] + aggp_ref[1] + hs2_ref[...]
    t = dis * agg + b2_ref[...]
    m = jnp.max(t, axis=1, keepdims=True)
    e = jnp.exp(t - m)
    lse = jnp.log(jnp.sum(e, axis=1, keepdims=True))
    out_ref[...] = t - m - lse


_stage3 = pl.pallas_call(
    _stage3_body,
    grid=(_GRID,),
    in_specs=[
        pl.BlockSpec((NC, _BN, F), lambda i: (0, i, 0)),
        pl.BlockSpec((_BN, F), lambda i: (i, 0)),
        pl.BlockSpec((_BN, 1), lambda i: (i, 0)),
        pl.BlockSpec((1, F), lambda i: (0, 0)),
    ],
    out_specs=pl.BlockSpec((_BN, F), lambda i: (i, 0)),
    out_shape=jax.ShapeDtypeStruct((N, F), jnp.float32),
)


@jax.jit
def kernel(x, edge_index, W1, b1, W2, b2):
    src = edge_index[0]
    dst = edge_index[1]
    h1 = _mm1(x, W1)
    agg1, hs1, dis = _scA_call(h1, src, dst)
    dis = dis.reshape(N, 1)
    hs2 = _stage2(agg1, hs1, dis, b1.reshape(1, H), W2)
    agg2 = _agg_call(hs2, src, dst)
    return _stage3(agg2, hs2, dis, b2.reshape(1, F))

# --- scband reference (transcript-rebuilt; emitter-appended) ---
"""Pipeline reference for scband-gcn-16501264351680 (READ-ONLY COPY).

The authoritative reference and input builder live on the scoring server;
editing this copy changes nothing except your own understanding.
"""

import jax, jax.numpy as jnp
import numpy as np

N = 10000
E = 320000
D = 128
H = 16
C = 16


def setup_inputs(seed: int = 0) -> dict:
    key = jax.random.key(seed)
    k1, k2, k3, k4 = jax.random.split(key, 4)
    x = jax.random.normal(k1, (N, D), dtype=jnp.float32)
    edge_index = jax.random.randint(k2, (2, E), 0, N)
    # GCNConv parameters (glorot-ish init)
    W1 = jax.random.normal(k3, (D, H), dtype=jnp.float32) * (1.0 / np.sqrt(D))
    b1 = jnp.zeros((H,), dtype=jnp.float32)
    W2 = jax.random.normal(k4, (H, C), dtype=jnp.float32) * (1.0 / np.sqrt(H))
    b2 = jnp.zeros((C,), dtype=jnp.float32)
    return {"x": x, "edge_index": edge_index, "W1": W1, "b1": b1, "W2": W2, "b2": b2}


def gcn_conv(x, edge_index, W, b, num_nodes):
    # PyG GCNConv: add self-loops, symmetric normalization D^-1/2 (A+I) D^-1/2 X W + b
    src = edge_index[0]
    dst = edge_index[1]
    loop = jnp.arange(num_nodes, dtype=src.dtype)
    src = jnp.concatenate([src, loop])
    dst = jnp.concatenate([dst, loop])
    ones = jnp.ones(src.shape[0], dtype=x.dtype)
    deg = jax.ops.segment_sum(ones, dst, num_segments=num_nodes)
    deg_inv_sqrt = jnp.where(deg > 0, jax.lax.rsqrt(jnp.maximum(deg, 1e-12)), 0.0)
    norm = deg_inv_sqrt[src] * deg_inv_sqrt[dst]
    h = x @ W
    msg = h[src] * norm[:, None]
    out = jax.ops.segment_sum(msg, dst, num_segments=num_nodes)
    return out + b


def reference(x, edge_index, W1, b1, W2, b2):
    num_nodes = x.shape[0]
    h = gcn_conv(x, edge_index, W1, b1, num_nodes)
    h = jax.nn.relu(h)
    # F.dropout(training=self.training) -> identity in eval mode
    h = gcn_conv(h, edge_index, W2, b2, num_nodes)
    return jax.nn.log_softmax(h, axis=1)

if __name__ == "__main__":
    import jax
    _d = setup_inputs()
    print(jax.jit(kernel)(*tuple(_d.values())))

</pallas_src>

<mosaic_0001>
#map = affine_map<(d0, d1) -> (0, 0)>
#map1 = affine_map<(d0, d1) -> (0)>
#map2 = affine_map<(d0, d1) -> (0, 0, 0)>
module attributes {stable_mosaic.version = 14 : i64} {
  func.func @_scA_body(%arg0: i32, %arg1: i32, %arg2: memref<10000x16xf32, #tpu.memory_space<hbm>>, %arg3: memref<320000xi32, #tpu.memory_space<hbm>>, %arg4: memref<320000xi32, #tpu.memory_space<hbm>>, %arg5: memref<2x10000x16xf32, #tpu.memory_space<hbm>>, %arg6: memref<10000x16xf32, #tpu.memory_space<hbm>>, %arg7: memref<10000xf32, #tpu.memory_space<hbm>>, %arg8: memref<2000xi32, #tpu.memory_space<vmem>>, %arg9: memref<2000xi32, #tpu.memory_space<vmem>>, %arg10: memref<2000x16xf32, #tpu.memory_space<vmem>>, %arg11: memref<2000xi32, #tpu.memory_space<vmem>>, %arg12: memref<2000xi32, #tpu.memory_space<vmem>>, %arg13: memref<2000x16xf32, #tpu.memory_space<vmem>>, %arg14: memref<640x16xf32, #tpu.memory_space<vmem>>, %arg15: memref<2000xf32, #tpu.memory_space<vmem>>, %arg16: memref<2000xf32, #tpu.memory_space<vmem>>, %arg17: memref<640xf32, #tpu.memory_space<vmem>>, %arg18: memref<640xf32, #tpu.memory_space<vmem>>, %arg19: memref<640x16xf32, #tpu.memory_space<vmem>>, %arg20: memref<16xi32, #tpu.memory_space<vmem>>, %arg21: memref<10000x16xf32, #tpu.memory_space<vmem_shared>>, %arg22: memref<10000x16xf32, #tpu.memory_space<vmem_shared>>, %arg23: memref<10000xf32, #tpu.memory_space<vmem_shared>>, %arg24: memref<!tpu.dma_semaphore, #tpu.memory_space<semaphore_mem>>, %arg25: memref<!tpu.dma_semaphore, #tpu.memory_space<semaphore_mem>>) attributes {dimension_semantics = [#tpu.dimension_semantics<core_parallel>, #tpu.dimension_semantics<subcore_parallel>], iteration_bounds = array<i64: 2, 16>, scalar_prefetch = 0 : i64, scratch_operands = 18 : i64, tpu.core_type = #tpu.core_type<sc_vector_subcore>, window_params = [{transform_indices = #map}, {transform_indices = #map1}, {transform_indices = #map1}, {transform_indices = #map2}, {transform_indices = #map}, {transform_indices = #map1}]} {
    %mul3A = arith.constant 2 : i32
    %mul3A_0 = arith.muli %arg1, %mul3A : i32
    %add3A = arith.addi %mul3A_0, %arg0 : i32
    %mul3A_1 = arith.constant 640 : i32
    %mul3A_2 = arith.muli %arg1, %mul3A_1 : i32
    %multiple_of3A = tpu.assume_multiple %mul3A_2, 8 : i32
    %scan3A = arith.constant 0 : i32
    %scan3A_3 = arith.constant 0 : i32
    %scan3A_4 = arith.constant 125 : i32
    %scan3A_5 = arith.addi %scan3A_3, %scan3A_4 : i32
    %scan3A_6 = arith.constant 1 : i32
    %scan3A_7 = scf.for %scan3A_105 = %scan3A_3 to %scan3A_5 step %scan3A_6 iter_args(%scan3A_106 = %scan3A) -> (i32)  : i32 {
      %broadcast_in_dim3A = arith.constant 1.000000e+00 : f32
      %broadcast_in_dim3A_107 = vector.broadcast %broadcast_in_dim3A : f32 to vector<16xf32>
      %mul3A_108 = arith.constant 16 : i32
      %mul3A_109 = arith.muli %scan3A_105, %mul3A_108 : i32
      %swap3A = arith.index_cast %mul3A_109 : i32 to index
      %swap3A_110 = tpu.vector_load %arg15[%swap3A] {strides = array<i32>} : memref<2000xf32, #tpu.memory_space<vmem>>, vector<16xf32>,
      %swap3A_111 = vector.shape_cast %swap3A_110 : vector<16xf32> to vector<16xf32>
      %swap3A_112 = vector.shape_cast %broadcast_in_dim3A_107 : vector<16xf32> to vector<16xf32>
      tpu.vector_store %arg15[%swap3A], %swap3A_112 {strides = array<i32>} : memref<2000xf32, #tpu.memory_space<vmem>>, vector<16xf32>,
      %broadcast_in_dim3A_113 = arith.constant 0.000000e+00 : f32
      %broadcast_in_dim3A_114 = vector.broadcast %broadcast_in_dim3A_113 : f32 to vector<16xf32>
      %mul3A_115 = arith.constant 16 : i32
      %mul3A_116 = arith.muli %scan3A_105, %mul3A_115 : i32
      %swap3A_117 = arith.index_cast %mul3A_116 : i32 to index
      %swap3A_118 = tpu.vector_load %arg16[%swap3A_117] {strides = array<i32>} : memref<2000xf32, #tpu.memory_space<vmem>>, vector<16xf32>,
      %swap3A_119 = vector.shape_cast %swap3A_118 : vector<16xf32> to vector<16xf32>
      %swap3A_120 = vector.shape_cast %broadcast_in_dim3A_114 : vector<16xf32> to vector<16xf32>
      tpu.vector_store %arg16[%swap3A_117], %swap3A_120 {strides = array<i32>} : memref<2000xf32, #tpu.memory_space<vmem>>, vector<16xf32>,
      %scan3A_121 = arith.constant 0 : i32
      scf.yield %scan3A_121 : i32
    }
    %scan3A_8 = arith.constant 125 : i32
    %scan3A_9 = arith.constant 0 : i32
    %scan3A_10 = arith.constant 0 : i32
    %scan3A_11 = arith.constant 640 : i32
    %scan3A_12 = arith.addi %scan3A_10, %scan3A_11 : i32
    %scan3A_13 = arith.constant 1 : i32
    %scan3A_14 = scf.for %scan3A_105 = %scan3A_10 to %scan3A_12 step %scan3A_13 iter_args(%scan3A_106 = %scan3A_9) -> (i32)  : i32 {
      %broadcast_in_dim3A = arith.constant 0.000000e+00 : f32
      %broadcast_in_dim3A_107 = vector.broadcast %broadcast_in_dim3A : f32 to vector<16xf32>
      %swap3A = arith.index_cast %scan3A_105 : i32 to index
      %swap3A_108 = arith.constant 0 : index
      %swap3A_109 = tpu.vector_load %arg14[%swap3A, %swap3A_108] {strides = array<i32>} : memref<640x16xf32, #tpu.memory_space<vmem>>, vector<1x16xf32>,
      %swap3A_110 = vector.shape_cast %swap3A_109 : vector<1x16xf32> to vector<16xf32>
      %swap3A_111 = vector.shape_cast %broadcast_in_dim3A_107 : vector<16xf32> to vector<1x16xf32>
      tpu.vector_store %arg14[%swap3A, %swap3A_108], %swap3A_111 {strides = array<i32>} : memref<640x16xf32, #tpu.memory_space<vmem>>, vector<1x16xf32>,
      %scan3A_112 = arith.constant 0 : i32
      scf.yield %scan3A_112 : i32
    }
    %scan3A_15 = arith.constant 640 : i32
    %lt3A = arith.constant 15 : i32
    %lt3A_16 = arith.cmpi slt, %arg1, %lt3A : i32
    %convert_element_type3A = arith.extui %lt3A_16 : i1 to i32
    %cond3A = arith.constant 0 : i32
    %cond3A_17 = arith.cmpi ne, %convert_element_type3A, %cond3A : i32
    scf.if %cond3A_17 {
      "tpu.region"() ({
        %run_scoped3A = tpu.sem_alloc : memref<!tpu.dma_semaphore, #tpu.memory_space<semaphore_mem>>
        %dma_start3A_105 = arith.constant 0 : i32
        %dma_start3A_106 = tpu.memref_slice %arg21[%multiple_of3A, %dma_start3A_105] : memref<10000x16xf32, #tpu.memory_space<vmem_shared>> -> memref<640x16xf32, #tpu.memory_space<vmem_shared>>
        %dma_start3A_107 = arith.constant 0 : i32
        %dma_start3A_108 = tpu.memref_slice %arg21[%multiple_of3A, %dma_start3A_107] : memref<10000x16xf32, #tpu.memory_space<vmem_shared>> -> memref<640x16xf32, #tpu.memory_space<vmem_shared>>
        tpu.enqueue_dma source(%arg14 : memref<640x16xf32, #tpu.memory_space<vmem>>) target(%dma_start3A_108 : memref<640x16xf32, #tpu.memory_space<vmem_shared>>) target_semaphore(%run_scoped3A : memref<!tpu.dma_semaphore, #tpu.memory_space<semaphore_mem>>)
        %dma_wait3A_109 = arith.constant 0 : i32
        %dma_wait3A_110 = tpu.memref_slice %arg21[%multiple_of3A, %dma_wait3A_109] : memref<10000x16xf32, #tpu.memory_space<vmem_shared>> -> memref<640x16xf32, #tpu.memory_space<vmem_shared>>
        %dma_wait3A_111 = arith.constant 0 : i32
        %dma_wait3A_112 = tpu.memref_slice %arg21[%multiple_of3A, %dma_wait3A_111] : memref<10000x16xf32, #tpu.memory_space<vmem_shared>> -> memref<640x16xf32, #tpu.memory_space<vmem_shared>>
        tpu.wait_dma2 semaphore(%run_scoped3A : memref<!tpu.dma_semaphore, #tpu.memory_space<semaphore_mem>>) src(%arg14 : memref<640x16xf32, #tpu.memory_space<vmem>>) dst(%dma_wait3A_112 : memref<640x16xf32, #tpu.memory_space<vmem_shared>>)
        tpu.yield
      }) : () -> ()
      "tpu.region"() ({
        %run_scoped3A = tpu.sem_alloc : memref<!tpu.dma_semaphore, #tpu.memory_space<semaphore_mem>>
        %dma_start3A_105 = arith.constant 0 : i32
        %dma_start3A_106 = tpu.memref_slice %arg16[%dma_start3A_105] : memref<2000xf32, #tpu.memory_space<vmem>> -> memref<640xf32, #tpu.memory_space<vmem>>
        %dma_start3A_107 = tpu.memref_slice %arg23[%multiple_of3A] : memref<10000xf32, #tpu.memory_space<vmem_shared>> -> memref<640xf32, #tpu.memory_space<vmem_shared>>
        %dma_start3A_108 = tpu.memref_slice %arg23[%multiple_of3A] : memref<10000xf32, #tpu.memory_space<vmem_shared>> -> memref<640xf32, #tpu.memory_space<vmem_shared>>
        %dma_start3A_109 = arith.constant 0 : i32
        %dma_start3A_110 = tpu.memref_slice %arg16[%dma_start3A_109] : memref<2000xf32, #tpu.memory_space<vmem>> -> memref<640xf32, #tpu.memory_space<vmem>>
        tpu.enqueue_dma source(%dma_start3A_110 : memref<640xf32, #tpu.memory_space<vmem>>) target(%dma_start3A_108 : memref<640xf32, #tpu.memory_space<vmem_shared>>) target_semaphore(%run_scoped3A : memref<!tpu.dma_semaphore, #tpu.memory_space<semaphore_mem>>)
        %dma_wait3A_111 = arith.constant 0 : i32
        %dma_wait3A_112 = tpu.memref_slice %arg16[%dma_wait3A_111] : memref<2000xf32, #tpu.memory_space<vmem>> -> memref<640xf32, #tpu.memory_space<vmem>>
        %dma_wait3A_113 = tpu.memref_slice %arg23[%multiple_of3A] : memref<10000xf32, #tpu.memory_space<vmem_shared>> -> memref<640xf32, #tpu.memory_space<vmem_shared>>
        %dma_wait3A_114 = tpu.memref_slice %arg23[%multiple_of3A] : memref<10000xf32, #tpu.memory_space<vmem_shared>> -> memref<640xf32, #tpu.memory_space<vmem_shared>>
        %dma_wait3A_115 = arith.constant 0 : i32
        %dma_wait3A_116 = tpu.memref_slice %arg16[%dma_wait3A_115] : memref<2000xf32, #tpu.memory_space<vmem>> -> memref<640xf32, #tpu.memory_space<vmem>>
        tpu.wait_dma2 semaphore(%run_scoped3A : memref<!tpu.dma_semaphore, #tpu.memory_space<semaphore_mem>>) src(%dma_wait3A_116 : memref<640xf32, #tpu.memory_space<vmem>>) dst(%dma_wait3A_114 : memref<640xf32, #tpu.memory_space<vmem_shared>>)
        tpu.yield
      }) : () -> ()
    } else {
    }
    %eq3A = arith.constant 15 : i32
    %eq3A_18 = arith.cmpi eq, %arg1, %eq3A : i32
    %convert_element_type3A_19 = arith.extui %eq3A_18 : i1 to i32
    %cond3A_20 = arith.constant 0 : i32
    %cond3A_21 = arith.cmpi ne, %convert_element_type3A_19, %cond3A_20 : i32
    scf.if %cond3A_21 {
      "tpu.region"() ({
        %run_scoped3A = tpu.sem_alloc : memref<!tpu.dma_semaphore, #tpu.memory_space<semaphore_mem>>
        %dma_start3A_105 = arith.constant 0 : i32
        %dma_start3A_106 = arith.constant 0 : i32
        %dma_start3A_107 = tpu.memref_slice %arg14[%dma_start3A_105, %dma_start3A_106] : memref<640x16xf32, #tpu.memory_space<vmem>> -> memref<400x16xf32, #tpu.memory_space<vmem>>
        %dma_start3A_108 = arith.constant 9600 : i32
        %dma_start3A_109 = arith.constant 0 : i32
        %dma_start3A_110 = tpu.memref_slice %arg21[%dma_start3A_108, %dma_start3A_109] : memref<10000x16xf32, #tpu.memory_space<vmem_shared>> -> memref<400x16xf32, #tpu.memory_space<vmem_shared>>
        %dma_start3A_111 = arith.constant 9600 : i32
        %dma_start3A_112 = arith.constant 0 : i32
        %dma_start3A_113 = tpu.memref_slice %arg21[%dma_start3A_111, %dma_start3A_112] : memref<10000x16xf32, #tpu.memory_space<vmem_shared>> -> memref<400x16xf32, #tpu.memory_space<vmem_shared>>
        %dma_start3A_114 = arith.constant 0 : i32
        %dma_start3A_115 = arith.constant 0 : i32
        %dma_start3A_116 = tpu.memref_slice %arg14[%dma_start3A_114, %dma_start3A_115] : memref<640x16xf32, #tpu.memory_space<vmem>> -> memref<400x16xf32, #tpu.memory_space<vmem>>
        tpu.enqueue_dma source(%dma_start3A_116 : memref<400x16xf32, #tpu.memory_space<vmem>>) target(%dma_start3A_113 : memref<400x16xf32, #tpu.memory_space<vmem_shared>>) target_semaphore(%run_scoped3A : memref<!tpu.dma_semaphore, #tpu.memory_space<semaphore_mem>>)
        %dma_wait3A_117 = arith.constant 0 : i32
        %dma_wait3A_118 = arith.constant 0 : i32
        %dma_wait3A_119 = tpu.memref_slice %arg14[%dma_wait3A_117, %dma_wait3A_118] : memref<640x16xf32, #tpu.memory_space<vmem>> -> memref<400x16xf32, #tpu.memory_space<vmem>>
        %dma_wait3A_120 = arith.constant 9600 : i32
        %dma_wait3A_121 = arith.constant 0 : i32
        %dma_wait3A_122 = tpu.memref_slice %arg21[%dma_wait3A_120, %dma_wait3A_121] : memref<10000x16xf32, #tpu.memory_space<vmem_shared>> -> memref<400x16xf32, #tpu.memory_space<vmem_shared>>
        %dma_wait3A_123 = arith.constant 9600 : i32
        %dma_wait3A_124 = arith.constant 0 : i32
        %dma_wait3A_125 = tpu.memref_slice %arg21[%dma_wait3A_123, %dma_wait3A_124] : memref<10000x16xf32, #tpu.memory_space<vmem_shared>> -> memref<400x16xf32, #tpu.memory_space<vmem_shared>>
        %dma_wait3A_126 = arith.constant 0 : i32
        %dma_wait3A_127 = arith.constant 0 : i32
        %dma_wait3A_128 = tpu.memref_slice %arg14[%dma_wait3A_126, %dma_wait3A_127] : memref<640x16xf32, #tpu.memory_space<vmem>> -> memref<400x16xf32, #tpu.memory_space<vmem>>
        tpu.wait_dma2 semaphore(%run_scoped3A : memref<!tpu.dma_semaphore, #tpu.memory_space<semaphore_mem>>) src(%dma_wait3A_128 : memref<400x16xf32, #tpu.memory_space<vmem>>) dst(%dma_wait3A_125 : memref<400x16xf32, #tpu.memory_space<vmem_shared>>)
        tpu.yield
      }) : () -> ()
      "tpu.region"() ({
        %run_scoped3A = tpu.sem_alloc : memref<!tpu.dma_semaphore, #tpu.memory_space<semaphore_mem>>
        %dma_start3A_105 = arith.constant 0 : i32
        %dma_start3A_106 = tpu.memref_slice %arg16[%dma_start3A_105] : memref<2000xf32, #tpu.memory_space<vmem>> -> memref<400xf32, #tpu.memory_space<vmem>>
        %dma_start3A_107 = arith.constant 9600 : i32
        %dma_start3A_108 = tpu.memref_slice %arg23[%dma_start3A_107] : memref<10000xf32, #tpu.memory_space<vmem_shared>> -> memref<400xf32, #tpu.memory_space<vmem_shared>>
        %dma_start3A_109 = arith.constant 9600 : i32
        %dma_start3A_110 = tpu.memref_slice %arg23[%dma_start3A_109] : memref<10000xf32, #tpu.memory_space<vmem_shared>> -> memref<400xf32, #tpu.memory_space<vmem_shared>>
        %dma_start3A_111 = arith.constant 0 : i32
        %dma_start3A_112 = tpu.memref_slice %arg16[%dma_start3A_111] : memref<2000xf32, #tpu.memory_space<vmem>> -> memref<400xf32, #tpu.memory_space<vmem>>
        tpu.enqueue_dma source(%dma_start3A_112 : memref<400xf32, #tpu.memory_space<vmem>>) target(%dma_start3A_110 : memref<400xf32, #tpu.memory_space<vmem_shared>>) target_semaphore(%run_scoped3A : memref<!tpu.dma_semaphore, #tpu.memory_space<semaphore_mem>>)
        %dma_wait3A_113 = arith.constant 0 : i32
        %dma_wait3A_114 = tpu.memref_slice %arg16[%dma_wait3A_113] : memref<2000xf32, #tpu.memory_space<vmem>> -> memref<400xf32, #tpu.memory_space<vmem>>
        %dma_wait3A_115 = arith.constant 9600 : i32
        %dma_wait3A_116 = tpu.memref_slice %arg23[%dma_wait3A_115] : memref<10000xf32, #tpu.memory_space<vmem_shared>> -> memref<400xf32, #tpu.memory_space<vmem_shared>>
        %dma_wait3A_117 = arith.constant 9600 : i32
        %dma_wait3A_118 = tpu.memref_slice %arg23[%dma_wait3A_117] : memref<10000xf32, #tpu.memory_space<vmem_shared>> -> memref<400xf32, #tpu.memory_space<vmem_shared>>
        %dma_wait3A_119 = arith.constant 0 : i32
        %dma_wait3A_120 = tpu.memref_slice %arg16[%dma_wait3A_119] : memref<2000xf32, #tpu.memory_space<vmem>> -> memref<400xf32, #tpu.memory_space<vmem>>
        tpu.wait_dma2 semaphore(%run_scoped3A : memref<!tpu.dma_semaphore, #tpu.memory_space<semaphore_mem>>) src(%dma_wait3A_120 : memref<400xf32, #tpu.memory_space<vmem>>) dst(%dma_wait3A_118 : memref<400xf32, #tpu.memory_space<vmem_shared>>)
        tpu.yield
      }) : () -> ()
    } else {
    }
    %barrier3A = arith.constant 0 : index
    tpu.barrier barrier_id(%barrier3A)
    %scan3A_22 = arith.constant 0 : i32
    %scan3A_23 = arith.constant 0 : i32
    %scan3A_24 = arith.constant 10 : i32
    %scan3A_25 = arith.addi %scan3A_23, %scan3A_24 : i32
    %scan3A_26 = arith.constant 1 : i32
    %scan3A_27 = scf.for %scan3A_105 = %scan3A_23 to %scan3A_25 step %scan3A_26 iter_args(%scan3A_106 = %scan3A_22) -> (i32)  : i32 {
      %mul3A_107 = arith.constant 20000 : i32
      %mul3A_108 = arith.muli %arg1, %mul3A_107 : i32
      %mul3A_109 = arith.constant 2000 : i32
      %mul3A_110 = arith.muli %scan3A_105, %mul3A_109 : i32
      %add3A_111 = arith.addi %mul3A_108, %mul3A_110 : i32
      %multiple_of3A_112 = tpu.assume_multiple %add3A_111, 8 : i32
      "tpu.region"() ({
        %run_scoped3A = tpu.sem_alloc : memref<!tpu.dma_semaphore, #tpu.memory_space<semaphore_mem>>
        %dma_start3A_114 = tpu.memref_slice %arg4[%multiple_of3A_112] : memref<320000xi32, #tpu.memory_space<hbm>> -> memref<2000xi32, #tpu.memory_space<hbm>>
        %dma_start3A_115 = tpu.memref_slice %arg4[%multiple_of3A_112] : memref<320000xi32, #tpu.memory_space<hbm>> -> memref<2000xi32, #tpu.memory_space<hbm>>
        tpu.enqueue_dma source(%dma_start3A_115 : memref<2000xi32, #tpu.memory_space<hbm>>) target(%arg8 : memref<2000xi32, #tpu.memory_space<vmem>>) target_semaphore(%run_scoped3A : memref<!tpu.dma_semaphore, #tpu.memory_space<semaphore_mem>>)
        %dma_wait3A_116 = tpu.memref_slice %arg4[%multiple_of3A_112] : memref<320000xi32, #tpu.memory_space<hbm>> -> memref<2000xi32, #tpu.memory_space<hbm>>
        %dma_wait3A_117 = tpu.memref_slice %arg4[%multiple_of3A_112] : memref<320000xi32, #tpu.memory_space<hbm>> -> memref<2000xi32, #tpu.memory_space<hbm>>
        tpu.wait_dma2 semaphore(%run_scoped3A : memref<!tpu.dma_semaphore, #tpu.memory_space<semaphore_mem>>) src(%dma_wait3A_117 : memref<2000xi32, #tpu.memory_space<hbm>>) dst(%arg8 : memref<2000xi32, #tpu.memory_space<vmem>>)
        tpu.yield
      }) : () -> ()
      "tpu.region"() ({
        %run_scoped3A = tpu.sem_alloc : memref<!tpu.dma_semaphore, #tpu.memory_space<semaphore_mem>>
        %dma_start3A_114 = arith.constant 0 : i32
        %dma_start3A_115 = tpu.memref_slice %arg23[%dma_start3A_114] : memref<10000xf32, #tpu.memory_space<vmem_shared>> -> memref<10000xf32, #tpu.memory_space<vmem_shared>>
        tpu.enqueue_indirect_dma source(%arg15 : memref<2000xf32, #tpu.memory_space<vmem>>) target(%dma_start3A_115 : memref<10000xf32, #tpu.memory_space<vmem_shared>>) offsets(%arg8 : memref<2000xi32, #tpu.memory_space<vmem>>) semaphore(%run_scoped3A : memref<!tpu.dma_semaphore, #tpu.memory_space<semaphore_mem>>) {add = true}
        %dma_wait3A_116 = arith.constant 0 : i32
        %dma_wait3A_117 = tpu.memref_slice %arg23[%dma_wait3A_116] : memref<10000xf32, #tpu.memory_space<vmem_shared>> -> memref<10000xf32, #tpu.memory_space<vmem_shared>>
        tpu.wait_indirect_dma semaphore(%run_scoped3A : memref<!tpu.dma_semaphore, #tpu.memory_space<semaphore_mem>>) src(%arg15 : memref<2000xf32, #tpu.memory_space<vmem>>) dst(%dma_wait3A_117 : memref<10000xf32, #tpu.memory_space<vmem_shared>>)
        tpu.yield
      }) : () -> ()
      %scan3A_113 = arith.constant 0 : i32
      scf.yield %scan3A_113 : i32
    }
    %scan3A_28 = arith.constant 10 : i32
    %barrier3A_29 = arith.constant 0 : index
    tpu.barrier barrier_id(%barrier3A_29)
    %lt3A_30 = arith.constant 15 : i32
    %lt3A_31 = arith.cmpi slt, %arg1, %lt3A_30 : i32
    %convert_element_type3A_32 = arith.extui %lt3A_31 : i1 to i32
    %cond3A_33 = arith.constant 0 : i32
    %cond3A_34 = arith.cmpi ne, %convert_element_type3A_32, %cond3A_33 : i32
    scf.if %cond3A_34 {
      "tpu.region"() ({
        %run_scoped3A = tpu.sem_alloc : memref<!tpu.dma_semaphore, #tpu.memory_space<semaphore_mem>>
        %dma_start3A_124 = arith.constant 0 : i32
        %dma_start3A_125 = tpu.memref_slice %arg17[%dma_start3A_124] : memref<640xf32, #tpu.memory_space<vmem>> -> memref<640xf32, #tpu.memory_space<vmem>>
        %dma_start3A_126 = tpu.memref_slice %arg23[%multiple_of3A] : memref<10000xf32, #tpu.memory_space<vmem_shared>> -> memref<640xf32, #tpu.memory_space<vmem_shared>>
        %dma_start3A_127 = arith.constant 0 : i32
        %dma_start3A_128 = tpu.memref_slice %arg17[%dma_start3A_127] : memref<640xf32, #tpu.memory_space<vmem>> -> memref<640xf32, #tpu.memory_space<vmem>>
        %dma_start3A_129 = tpu.memref_slice %arg23[%multiple_of3A] : memref<10000xf32, #tpu.memory_space<vmem_shared>> -> memref<640xf32, #tpu.memory_space<vmem_shared>>
        tpu.enqueue_dma source(%dma_start3A_129 : memref<640xf32, #tpu.memory_space<vmem_shared>>) target(%dma_start3A_128 : memref<640xf32, #tpu.memory_space<vmem>>) target_semaphore(%run_scoped3A : memref<!tpu.dma_semaphore, #tpu.memory_space<semaphore_mem>>)
        %dma_wait3A_130 = arith.constant 0 : i32
        %dma_wait3A_131 = tpu.memref_slice %arg17[%dma_wait3A_130] : memref<640xf32, #tpu.memory_space<vmem>> -> memref<640xf32, #tpu.memory_space<vmem>>
        %dma_wait3A_132 = tpu.memref_slice %arg23[%multiple_of3A] : memref<10000xf32, #tpu.memory_space<vmem_shared>> -> memref<640xf32, #tpu.memory_space<vmem_shared>>
        %dma_wait3A_133 = arith.constant 0 : i32
        %dma_wait3A_134 = tpu.memref_slice %arg17[%dma_wait3A_133] : memref<640xf32, #tpu.memory_space<vmem>> -> memref<640xf32, #tpu.memory_space<vmem>>
        %dma_wait3A_135 = tpu.memref_slice %arg23[%multiple_of3A] : memref<10000xf32, #tpu.memory_space<vmem_shared>> -> memref<640xf32, #tpu.memory_space<vmem_shared>>
        tpu.wait_dma2 semaphore(%run_scoped3A : memref<!tpu.dma_semaphore, #tpu.memory_space<semaphore_mem>>) src(%dma_wait3A_135 : memref<640xf32, #tpu.memory_space<vmem_shared>>) dst(%dma_wait3A_134 : memref<640xf32, #tpu.memory_space<vmem>>)
        tpu.yield
      }) : () -> ()
      %scan3A_105 = arith.constant 0 : i32
      %scan3A_106 = arith.constant 0 : i32
      %scan3A_107 = arith.constant 40 : i32
      %scan3A_108 = arith.addi %scan3A_106, %scan3A_107 : i32
      %scan3A_109 = arith.constant 1 : i32
      %scan3A_110 = scf.for %scan3A_124 = %scan3A_106 to %scan3A_108 step %scan3A_109 iter_args(%scan3A_125 = %scan3A_105) -> (i32)  : i32 {
        %mul3A_126 = arith.constant 16 : i32
        %mul3A_127 = arith.muli %scan3A_124, %mul3A_126 : i32
        %get3A = arith.index_cast %mul3A_127 : i32 to index
        %get3A_128 = tpu.vector_load %arg17[%get3A] {strides = array<i32>} : memref<640xf32, #tpu.memory_space<vmem>>, vector<16xf32>,
        %get3A_129 = vector.shape_cast %get3A_128 : vector<16xf32> to vector<16xf32>
        %add3A_130 = arith.constant 1.000000e+00 : f32
        %add3A_131 = vector.broadcast %add3A_130 : f32 to vector<16xf32>
        %add3A_132 = arith.addf %get3A_129, %add3A_131 : vector<16xf32>
        %bitcast_convert_type3A = tpu.bitcast %add3A_132 : vector<16xf32> -> vector<16xi32>
        %shift_right_arithmetic3A = arith.constant 1 : i32
        %shift_right_arithmetic3A_133 = vector.broadcast %shift_right_arithmetic3A : i32 to vector<16xi32>
        %shift_right_arithmetic3A_134 = arith.shrsi %bitcast_convert_type3A, %shift_right_arithmetic3A_133 : vector<16xi32>
        %sub3A = arith.constant 1597463007 : i32
        %sub3A_135 = vector.broadcast %sub3A : i32 to vector<16xi32>
        %sub3A_136 = arith.subi %sub3A_135, %shift_right_arithmetic3A_134 : vector<16xi32>
        %bitcast_convert_type3A_137 = tpu.bitcast %sub3A_136 : vector<16xi32> -> vector<16xf32>
        %mul3A_138 = arith.constant 5.000000e-01 : f32
        %mul3A_139 = vector.broadcast %mul3A_138 : f32 to vector<16xf32>
        %mul3A_140 = arith.mulf %mul3A_139, %add3A_132 : vector<16xf32>
        %mul3A_141 = arith.mulf %mul3A_140, %bitcast_convert_type3A_137 : vector<16xf32>
        %mul3A_142 = arith.mulf %mul3A_141, %bitcast_convert_type3A_137 : vector<16xf32>
        %sub3A_143 = arith.constant 1.500000e+00 : f32
        %sub3A_144 = vector.broadcast %sub3A_143 : f32 to vector<16xf32>
        %sub3A_145 = arith.subf %sub3A_144, %mul3A_142 : vector<16xf32>
        %mul3A_146 = arith.mulf %bitcast_convert_type3A_137, %sub3A_145 : vector<16xf32>
        %mul3A_147 = arith.constant 5.000000e-01 : f32
        %mul3A_148 = vector.broadcast %mul3A_147 : f32 to vector<16xf32>
        %mul3A_149 = arith.mulf %mul3A_148, %add3A_132 : vector<16xf32>
        %mul3A_150 = arith.mulf %mul3A_149, %mul3A_146 : vector<16xf32>
        %mul3A_151 = arith.mulf %mul3A_150, %mul3A_146 : vector<16xf32>
        %sub3A_152 = arith.constant 1.500000e+00 : f32
        %sub3A_153 = vector.broadcast %sub3A_152 : f32 to vector<16xf32>
        %sub3A_154 = arith.subf %sub3A_153, %mul3A_151 : vector<16xf32>
        %mul3A_155 = arith.mulf %mul3A_146, %sub3A_154 : vector<16xf32>
        %mul3A_156 = arith.constant 5.000000e-01 : f32
        %mul3A_157 = vector.broadcast %mul3A_156 : f32 to vector<16xf32>
        %mul3A_158 = arith.mulf %mul3A_157, %add3A_132 : vector<16xf32>
        %mul3A_159 = arith.mulf %mul3A_158, %mul3A_155 : vector<16xf32>
        %mul3A_160 = arith.mulf %mul3A_159, %mul3A_155 : vector<16xf32>
        %sub3A_161 = arith.constant 1.500000e+00 : f32
        %sub3A_162 = vector.broadcast %sub3A_161 : f32 to vector<16xf32>
        %sub3A_163 = arith.subf %sub3A_162, %mul3A_160 : vector<16xf32>
        %mul3A_164 = arith.mulf %mul3A_155, %sub3A_163 : vector<16xf32>
        %mul3A_165 = arith.constant 16 : i32
        %mul3A_166 = arith.muli %scan3A_124, %mul3A_165 : i32
        %swap3A = arith.index_cast %mul3A_166 : i32 to index
        %swap3A_167 = tpu.vector_load %arg18[%swap3A] {strides = array<i32>} : memref<640xf32, #tpu.memory_space<vmem>>, vector<16xf32>,
        %swap3A_168 = vector.shape_cast %swap3A_167 : vector<16xf32> to vector<16xf32>
        %swap3A_169 = vector.shape_cast %mul3A_164 : vector<16xf32> to vector<16xf32>
        tpu.vector_store %arg18[%swap3A], %swap3A_169 {strides = array<i32>} : memref<640xf32, #tpu.memory_space<vmem>>, vector<16xf32>,
        %scan3A_170 = arith.constant 0 : i32
        scf.yield %scan3A_170 : i32
      }
      %scan3A_111 = arith.constant 40 : i32
      "tpu.region"() ({
        %run_scoped3A = tpu.sem_alloc : memref<!tpu.dma_semaphore, #tpu.memory_space<semaphore_mem>>
        %dma_start3A_124 = arith.constant 0 : i32
        %dma_start3A_125 = arith.constant 0 : i32
        %dma_start3A_126 = tpu.memref_slice %arg19[%dma_start3A_124, %dma_start3A_125] : memref<640x16xf32, #tpu.memory_space<vmem>> -> memref<640x16xf32, #tpu.memory_space<vmem>>
        %dma_start3A_127 = arith.constant 0 : i32
        %dma_start3A_128 = tpu.memref_slice %arg2[%multiple_of3A, %dma_start3A_127] : memref<10000x16xf32, #tpu.memory_space<hbm>> -> memref<640x16xf32, #tpu.memory_space<hbm>>
        %dma_start3A_129 = arith.constant 0 : i32
        %dma_start3A_130 = arith.constant 0 : i32
        %dma_start3A_131 = tpu.memref_slice %arg19[%dma_start3A_129, %dma_start3A_130] : memref<640x16xf32, #tpu.memory_space<vmem>> -> memref<640x16xf32, #tpu.memory_space<vmem>>
        %dma_start3A_132 = arith.constant 0 : i32
        %dma_start3A_133 = tpu.memref_slice %arg2[%multiple_of3A, %dma_start3A_132] : memref<10000x16xf32, #tpu.memory_space<hbm>> -> memref<640x16xf32, #tpu.memory_space<hbm>>
        tpu.enqueue_dma source(%dma_start3A_133 : memref<640x16xf32, #tpu.memory_space<hbm>>) target(%dma_start3A_131 : memref<640x16xf32, #tpu.memory_space<vmem>>) target_semaphore(%run_scoped3A : memref<!tpu.dma_semaphore, #tpu.memory_space<semaphore_mem>>)
        %dma_wait3A_134 = arith.constant 0 : i32
        %dma_wait3A_135 = arith.constant 0 : i32
        %dma_wait3A_136 = tpu.memref_slice %arg19[%dma_wait3A_134, %dma_wait3A_135] : memref<640x16xf32, #tpu.memory_space<vmem>> -> memref<640x16xf32, #tpu.memory_space<vmem>>
        %dma_wait3A_137 = arith.constant 0 : i32
        %dma_wait3A_138 = tpu.memref_slice %arg2[%multiple_of3A, %dma_wait3A_137] : memref<10000x16xf32, #tpu.memory_space<hbm>> -> memref<640x16xf32, #tpu.memory_space<hbm>>
        %dma_wait3A_139 = arith.constant 0 : i32
        %dma_wait3A_140 = arith.constant 0 : i32
        %dma_wait3A_141 = tpu.memref_slice %arg19[%dma_wait3A_139, %dma_wait3A_140] : memref<640x16xf32, #tpu.memory_space<vmem>> -> memref<640x16xf32, #tpu.memory_space<vmem>>
        %dma_wait3A_142 = arith.constant 0 : i32
        %dma_wait3A_143 = tpu.memref_slice %arg2[%multiple_of3A, %dma_wait3A_142] : memref<10000x16xf32, #tpu.memory_space<hbm>> -> memref<640x16xf32, #tpu.memory_space<hbm>>
        tpu.wait_dma2 semaphore(%run_scoped3A : memref<!tpu.dma_semaphore, #tpu.memory_space<semaphore_mem>>) src(%dma_wait3A_143 : memref<640x16xf32, #tpu.memory_space<hbm>>) dst(%dma_wait3A_141 : memref<640x16xf32, #tpu.memory_space<vmem>>)
        tpu.yield
      }) : () -> ()
      %scan3A_112 = arith.constant 0 : i32
      %scan3A_113 = arith.constant 0 : i32
      %scan3A_114 = arith.constant 40 : i32
      %scan3A_115 = arith.addi %scan3A_113, %scan3A_114 : i32
      %scan3A_116 = arith.constant 1 : i32
      %scan3A_117 = scf.for %scan3A_124 = %scan3A_113 to %scan3A_115 step %scan3A_116 iter_args(%scan3A_125 = %scan3A_112) -> (i32)  : i32 {
        %mul3A_126 = arith.constant 16 : i32
        %mul3A_127 = arith.muli %scan3A_124, %mul3A_126 : i32
        %get3A = arith.index_cast %mul3A_127 : i32 to index
        %get3A_128 = tpu.vector_load %arg18[%get3A] {strides = array<i32>} : memref<640xf32, #tpu.memory_space<vmem>>, vector<16xf32>,
        %get3A_129 = vector.shape_cast %get3A_128 : vector<16xf32> to vector<16xf32>
        %broadcast_in_dim3A = arith.constant 0 : i32
        %broadcast_in_dim3A_130 = vector.broadcast %broadcast_in_dim3A : i32 to vector<16x1xi32>
        %gather3A = vector.shape_cast %broadcast_in_dim3A_130 : vector<16x1xi32> to vector<16xi32>
        %gather3A_131 = tpu.dynamic_gather %get3A_129[%gather3A] in [0] : vector<16xf32>, vector<16xi32> -> vector<16xf32>
        %mul3A_132 = arith.constant 16 : i32
        %mul3A_133 = arith.muli %scan3A_124, %mul3A_132 : i32
        %add3A_134 = arith.constant 0 : i32
        %add3A_135 = arith.addi %mul3A_133, %add3A_134 : i32
        %get3A_136 = arith.index_cast %add3A_135 : i32 to index
        %get3A_137 = arith.constant 0 : index
        %get3A_138 = tpu.vector_load %arg19[%get3A_136, %get3A_137] {strides = array<i32>} : memref<640x16xf32, #tpu.memory_space<vmem>>, vector<1x16xf32>,
        %get3A_139 = vector.shape_cast %get3A_138 : vector<1x16xf32> to vector<16xf32>
        %mul3A_140 = arith.mulf %get3A_139, %gather3A_131 : vector<16xf32>
        %swap3A = arith.index_cast %add3A_135 : i32 to index
        %swap3A_141 = arith.constant 0 : index
        %swap3A_142 = tpu.vector_load %arg19[%swap3A, %swap3A_141] {strides = array<i32>} : memref<640x16xf32, #tpu.memory_space<vmem>>, vector<1x16xf32>,
        %swap3A_143 = vector.shape_cast %swap3A_142 : vector<1x16xf32> to vector<16xf32>
        %swap3A_144 = vector.shape_cast %mul3A_140 : vector<16xf32> to vector<1x16xf32>
        tpu.vector_store %arg19[%swap3A, %swap3A_141], %swap3A_144 {strides = array<i32>} : memref<640x16xf32, #tpu.memory_space<vmem>>, vector<1x16xf32>,
        %broadcast_in_dim3A_145 = arith.constant 1 : i32
        %broadcast_in_dim3A_146 = vector.broadcast %broadcast_in_dim3A_145 : i32 to vector<16x1xi32>
        %gather3A_147 = vector.shape_cast %broadcast_in_dim3A_146 : vector<16x1xi32> to vector<16xi32>
        %gather3A_148 = tpu.dynamic_gather %get3A_129[%gather3A_147] in [0] : vector<16xf32>, vector<16xi32> -> vector<16xf32>
        %mul3A_149 = arith.constant 16 : i32
        %mul3A_150 = arith.muli %scan3A_124, %mul3A_149 : i32
        %add3A_151 = arith.constant 1 : i32
        %add3A_152 = arith.addi %mul3A_150, %add3A_151 : i32
        %get3A_153 = arith.index_cast %add3A_152 : i32 to index
        %get3A_154 = arith.constant 0 : index
        %get3A_155 = tpu.vector_load %arg19[%get3A_153, %get3A_154] {strides = array<i32>} : memref<640x16xf32, #tpu.memory_space<vmem>>, vector<1x16xf32>,
        %get3A_156 = vector.shape_cast %get3A_155 : vector<1x16xf32> to vector<16xf32>
        %mul3A_157 = arith.mulf %get3A_156, %gather3A_148 : vector<16xf32>
        %swap3A_158 = arith.index_cast %add3A_152 : i32 to index
        %swap3A_159 = arith.constant 0 : index
        %swap3A_160 = tpu.vector_load %arg19[%swap3A_158, %swap3A_159] {strides = array<i32>} : memref<640x16xf32, #tpu.memory_space<vmem>>, vector<1x16xf32>,
        %swap3A_161 = vector.shape_cast %swap3A_160 : vector<1x16xf32> to vector<16xf32>
        %swap3A_162 = vector.shape_cast %mul3A_157 : vector<16xf32> to vector<1x16xf32>
        tpu.vector_store %arg19[%swap3A_158, %swap3A_159], %swap3A_162 {strides = array<i32>} : memref<640x16xf32, #tpu.memory_space<vmem>>, vector<1x16xf32>,
        %broadcast_in_dim3A_163 = arith.constant 2 : i32
        %broadcast_in_dim3A_164 = vector.broadcast %broadcast_in_dim3A_163 : i32 to vector<16x1xi32>
        %gather3A_165 = vector.shape_cast %broadcast_in_dim3A_164 : vector<16x1xi32> to vector<16xi32>
        %gather3A_166 = tpu.dynamic_gather %get3A_129[%gather3A_165] in [0] : vector<16xf32>, vector<16xi32> -> vector<16xf32>
        %mul3A_167 = arith.constant 16 : i32
        %mul3A_168 = arith.muli %scan3A_124, %mul3A_167 : i32
        %add3A_169 = arith.constant 2 : i32
        %add3A_170 = arith.addi %mul3A_168, %add3A_169 : i32
        %get3A_171 = arith.index_cast %add3A_170 : i32 to index
        %get3A_172 = arith.constant 0 : index
        %get3A_173 = tpu.vector_load %arg19[%get3A_171, %get3A_172] {strides = array<i32>} : memref<640x16xf32, #tpu.memory_space<vmem>>, vector<1x16xf32>,
        %get3A_174 = vector.shape_cast %get3A_173 : vector<1x16xf32> to vector<16xf32>
        %mul3A_175 = arith.mulf %get3A_174, %gather3A_166 : vector<16xf32>
        %swap3A_176 = arith.index_cast %add3A_170 : i32 to index
        %swap3A_177 = arith.constant 0 : index
        %swap3A_178 = tpu.vector_load %arg19[%swap3A_176, %swap3A_177] {strides = array<i32>} : memref<640x16xf32, #tpu.memory_space<vmem>>, vector<1x16xf32>,
        %swap3A_179 = vector.shape_cast %swap3A_178 : vector<1x16xf32> to vector<16xf32>
        %swap3A_180 = vector.shape_cast %mul3A_175 : vector<16xf32> to vector<1x16xf32>
        tpu.vector_store %arg19[%swap3A_176, %swap3A_177], %swap3A_180 {strides = array<i32>} : memref<640x16xf32, #tpu.memory_space<vmem>>, vector<1x16xf32>,
        %broadcast_in_dim3A_181 = arith.constant 3 : i32
        %broadcast_in_dim3A_182 = vector.broadcast %broadcast_in_dim3A_181 : i32 to vector<16x1xi32>
        %gather3A_183 = vector.shape_cast %broadcast_in_dim3A_182 : vector<16x1xi32> to vector<16xi32>
        %gather3A_184 = tpu.dynamic_gather %get3A_129[%gather3A_183] in [0] : vector<16xf32>, vector<16xi32> -> vector<16xf32>
        %mul3A_185 = arith.constant 16 : i32
        %mul3A_186 = arith.muli %scan3A_124, %mul3A_185 : i32
        %add3A_187 = arith.constant 3 : i32
        %add3A_188 = arith.addi %mul3A_186, %add3A_187 : i32
        %get3A_189 = arith.index_cast %add3A_188 : i32 to index
        %get3A_190 = arith.constant 0 : index
        %get3A_191 = tpu.vector_load %arg19[%get3A_189, %get3A_190] {strides = array<i32>} : memref<640x16xf32, #tpu.memory_space<vmem>>, vector<1x16xf32>,
        %get3A_192 = vector.shape_cast %get3A_191 : vector<1x16xf32> to vector<16xf32>
        %mul3A_193 = arith.mulf %get3A_192, %gather3A_184 : vector<16xf32>
        %swap3A_194 = arith.index_cast %add3A_188 : i32 to index
        %swap3A_195 = arith.constant 0 : index
        %swap3A_196 = tpu.vector_load %arg19[%swap3A_194, %swap3A_195] {strides = array<i32>} : memref<640x16xf32, #tpu.memory_space<vmem>>, vector<1x16xf32>,
        %swap3A_197 = vector.shape_cast %swap3A_196 : vector<1x16xf32> to vector<16xf32>
        %swap3A_198 = vector.shape_cast %mul3A_193 : vector<16xf32> to vector<1x16xf32>
        tpu.vector_store %arg19[%swap3A_194, %swap3A_195], %swap3A_198 {strides = array<i32>} : memref<640x16xf32, #tpu.memory_space<vmem>>, vector<1x16xf32>,
        %broadcast_in_dim3A_199 = arith.constant 4 : i32
        %broadcast_in_dim3A_200 = vector.broadcast %broadcast_in_dim3A_199 : i32 to vector<16x1xi32>
        %gather3A_201 = vector.shape_cast %broadcast_in_dim3A_200 : vector<16x1xi32> to vector<16xi32>
        %gather3A_202 = tpu.dynamic_gather %get3A_129[%gather3A_201] in [0] : vector<16xf32>, vector<16xi32> -> vector<16xf32>
        %mul3A_203 = arith.constant 16 : i32
        %mul3A_204 = arith.muli %scan3A_124, %mul3A_203 : i32
        %add3A_205 = arith.constant 4 : i32
        %add3A_206 = arith.addi %mul3A_204, %add3A_205 : i32
        %get3A_207 = arith.index_cast %add3A_206 : i32 to index
        %get3A_208 = arith.constant 0 : index
        %get3A_209 = tpu.vector_load %arg19[%get3A_207, %get3A_208] {strides = array<i32>} : memref<640x16xf32, #tpu.memory_space<vmem>>, vector<1x16xf32>,
        %get3A_210 = vector.shape_cast %get3A_209 : vector<1x16xf32> to vector<16xf32>
        %mul3A_211 = arith.mulf %get3A_210, %gather3A_202 : vector<16xf32>
        %swap3A_212 = arith.index_cast %add3A_206 : i32 to index
        %swap3A_213 = arith.constant 0 : index
        %swap3A_214 = tpu.vector_load %arg19[%swap3A_212, %swap3A_213] {strides = array<i32>} : memref<640x16xf32, #tpu.memory_space<vmem>>, vector<1x16xf32>,
        %swap3A_215 = vector.shape_cast %swap3A_214 : vector<1x16xf32> to vector<16xf32>
        %swap3A_216 = vector.shape_cast %mul3A_211 : vector<16xf32> to vector<1x16xf32>
        tpu.vector_store %arg19[%swap3A_212, %swap3A_213], %swap3A_216 {strides = array<i32>} : memref<640x16xf32, #tpu.memory_space<vmem>>, vector<1x16xf32>,
        %broadcast_in_dim3A_217 = arith.constant 5 : i32
        %broadcast_in_dim3A_218 = vector.broadcast %broadcast_in_dim3A_217 : i32 to vector<16x1xi32>
        %gather3A_219 = vector.shape_cast %broadcast_in_dim3A_218 : vector<16x1xi32> to vector<16xi32>
        %gather3A_220 = tpu.dynamic_gather %get3A_129[%gather3A_219] in [0] : vector<16xf32>, vector<16xi32> -> vector<16xf32>
        %mul3A_221 = arith.constant 16 : i32
        %mul3A_222 = arith.muli %scan3A_124, %mul3A_221 : i32
        %add3A_223 = arith.constant 5 : i32
        %add3A_224 = arith.addi %mul3A_222, %add3A_223 : i32
        %get3A_225 = arith.index_cast %add3A_224 : i32 to index
        %get3A_226 = arith.constant 0 : index
        %get3A_227 = tpu.vector_load %arg19[%get3A_225, %get3A_226] {strides = array<i32>} : memref<640x16xf32, #tpu.memory_space<vmem>>, vector<1x16xf32>,
        %get3A_228 = vector.shape_cast %get3A_227 : vector<1x16xf32> to vector<16xf32>
        %mul3A_229 = arith.mulf %get3A_228, %gather3A_220 : vector<16xf32>
        %swap3A_230 = arith.index_cast %add3A_224 : i32 to index
        %swap3A_231 = arith.constant 0 : index
        %swap3A_232 = tpu.vector_load %arg19[%swap3A_230, %swap3A_231] {strides = array<i32>} : memref<640x16xf32, #tpu.memory_space<vmem>>, vector<1x16xf32>,
        %swap3A_233 = vector.shape_cast %swap3A_232 : vector<1x16xf32> to vector<16xf32>
        %swap3A_234 = vector.shape_cast %mul3A_229 : vector<16xf32> to vector<1x16xf32>
        tpu.vector_store %arg19[%swap3A_230, %swap3A_231], %swap3A_234 {strides = array<i32>} : memref<640x16xf32, #tpu.memory_space<vmem>>, vector<1x16xf32>,
        %broadcast_in_dim3A_235 = arith.constant 6 : i32
        %broadcast_in_dim3A_236 = vector.broadcast %broadcast_in_dim3A_235 : i32 to vector<16x1xi32>
        %gather3A_237 = vector.shape_cast %broadcast_in_dim3A_236 : vector<16x1xi32> to vector<16xi32>
        %gather3A_238 = tpu.dynamic_gather %get3A_129[%gather3A_237] in [0] : vector<16xf32>, vector<16xi32> -> vector<16xf32>
        %mul3A_239 = arith.constant 16 : i32
        %mul3A_240 = arith.muli %scan3A_124, %mul3A_239 : i32
        %add3A_241 = arith.constant 6 : i32
        %add3A_242 = arith.addi %mul3A_240, %add3A_241 : i32
        %get3A_243 = arith.index_cast %add3A_242 : i32 to index
        %get3A_244 = arith.constant 0 : index
        %get3A_245 = tpu.vector_load %arg19[%get3A_243, %get3A_244] {strides = array<i32>} : memref<640x16xf32, #tpu.memory_space<vmem>>, vector<1x16xf32>,
        %get3A_246 = vector.shape_cast %get3A_245 : vector<1x16xf32> to vector<16xf32>
        %mul3A_247 = arith.mulf %get3A_246, %gather3A_238 : vector<16xf32>
        %swap3A_248 = arith.index_cast %add3A_242 : i32 to index
        %swap3A_249 = arith.constant 0 : index
        %swap3A_250 = tpu.vector_load %arg19[%swap3A_248, %swap3A_249] {strides = array<i32>} : memref<640x16xf32, #tpu.memory_space<vmem>>, vector<1x16xf32>,
        %swap3A_251 = vector.shape_cast %swap3A_250 : vector<1x16xf32> to vector<16xf32>
        %swap3A_252 = vector.shape_cast %mul3A_247 : vector<16xf32> to vector<1x16xf32>
        tpu.vector_store %arg19[%swap3A_248, %swap3A_249], %swap3A_252 {strides = array<i32>} : memref<640x16xf32, #tpu.memory_space<vmem>>, vector<1x16xf32>,
        %broadcast_in_dim3A_253 = arith.constant 7 : i32
        %broadcast_in_dim3A_254 = vector.broadcast %broadcast_in_dim3A_253 : i32 to vector<16x1xi32>
        %gather3A_255 = vector.shape_cast %broadcast_in_dim3A_254 : vector<16x1xi32> to vector<16xi32>
        %gather3A_256 = tpu.dynamic_gather %get3A_129[%gather3A_255] in [0] : vector<16xf32>, vector<16xi32> -> vector<16xf32>
        %mul3A_257 = arith.constant 16 : i32
        %mul3A_258 = arith.muli %scan3A_124, %mul3A_257 : i32
        %add3A_259 = arith.constant 7 : i32
        %add3A_260 = arith.addi %mul3A_258, %add3A_259 : i32
        %get3A_261 = arith.index_cast %add3A_260 : i32 to index
        %get3A_262 = arith.constant 0 : index
        %get3A_263 = tpu.vector_load %arg19[%get3A_261, %get3A_262] {strides = array<i32>} : memref<640x16xf32, #tpu.memory_space<vmem>>, vector<1x16xf32>,
        %get3A_264 = vector.shape_cast %get3A_263 : vector<1x16xf32> to vector<16xf32>
        %mul3A_265 = arith.mulf %get3A_264, %gather3A_256 : vector<16xf32>
        %swap3A_266 = arith.index_cast %add3A_260 : i32 to index
        %swap3A_267 = arith.constant 0 : index
        %swap3A_268 = tpu.vector_load %arg19[%swap3A_266, %swap3A_267] {strides = array<i32>} : memref<640x16xf32, #tpu.memory_space<vmem>>, vector<1x16xf32>,
        %swap3A_269 = vector.shape_cast %swap3A_268 : vector<1x16xf32> to vector<16xf32>
        %swap3A_270 = vector.shape_cast %mul3A_265 : vector<16xf32> to vector<1x16xf32>
        tpu.vector_store %arg19[%swap3A_266, %swap3A_267], %swap3A_270 {strides = array<i32>} : memref<640x16xf32, #tpu.memory_space<vmem>>, vector<1x16xf32>,
        %broadcast_in_dim3A_271 = arith.constant 8 : i32
        %broadcast_in_dim3A_272 = vector.broadcast %broadcast_in_dim3A_271 : i32 to vector<16x1xi32>
        %gather3A_273 = vector.shape_cast %broadcast_in_dim3A_272 : vector<16x1xi32> to vector<16xi32>
        %gather3A_274 = tpu.dynamic_gather %get3A_129[%gather3A_273] in [0] : vector<16xf32>, vector<16xi32> -> vector<16xf32>
        %mul3A_275 = arith.constant 16 : i32
        %mul3A_276 = arith.muli %scan3A_124, %mul3A_275 : i32
        %add3A_277 = arith.constant 8 : i32
        %add3A_278 = arith.addi %mul3A_276, %add3A_277 : i32
        %get3A_279 = arith.index_cast %add3A_278 : i32 to index
        %get3A_280 = arith.constant 0 : index
        %get3A_281 = tpu.vector_load %arg19[%get3A_279, %get3A_280] {strides = array<i32>} : memref<640x16xf32, #tpu.memory_space<vmem>>, vector<1x16xf32>,
        %get3A_282 = vector.shape_cast %get3A_281 : vector<1x16xf32> to vector<16xf32>
        %mul3A_283 = arith.mulf %get3A_282, %gather3A_274 : vector<16xf32>
        %swap3A_284 = arith.index_cast %add3A_278 : i32 to index
        %swap3A_285 = arith.constant 0 : index
        %swap3A_286 = tpu.vector_load %arg19[%swap3A_284, %swap3A_285] {strides = array<i32>} : memref<640x16xf32, #tpu.memory_space<vmem>>, vector<1x16xf32>,
        %swap3A_287 = vector.shape_cast %swap3A_286 : vector<1x16xf32> to vector<16xf32>
        %swap3A_288 = vector.shape_cast %mul3A_283 : vector<16xf32> to vector<1x16xf32>
        tpu.vector_store %arg19[%swap3A_284, %swap3A_285], %swap3A_288 {strides = array<i32>} : memref<640x16xf32, #tpu.memory_space<vmem>>, vector<1x16xf32>,
        %broadcast_in_dim3A_289 = arith.constant 9 : i32
        %broadcast_in_dim3A_290 = vector.broadcast %broadcast_in_dim3A_289 : i32 to vector<16x1xi32>
        %gather3A_291 = vector.shape_cast %broadcast_in_dim3A_290 : vector<16x1xi32> to vector<16xi32>
        %gather3A_292 = tpu.dynamic_gather %get3A_129[%gather3A_291] in [0] : vector<16xf32>, vector<16xi32> -> vector<16xf32>
        %mul3A_293 = arith.constant 16 : i32
        %mul3A_294 = arith.muli %scan3A_124, %mul3A_293 : i32
        %add3A_295 = arith.constant 9 : i32
        %add3A_296 = arith.addi %mul3A_294, %add3A_295 : i32
        %get3A_297 = arith.index_cast %add3A_296 : i32 to index
        %get3A_298 = arith.constant 0 : index
        %get3A_299 = tpu.vector_load %arg19[%get3A_297, %get3A_298] {strides = array<i32>} : memref<640x16xf32, #tpu.memory_space<vmem>>, vector<1x16xf32>,
        %get3A_300 = vector.shape_cast %get3A_299 : vector<1x16xf32> to vector<16xf32>
        %mul3A_301 = arith.mulf %get3A_300, %gather3A_292 : vector<16xf32>
        %swap3A_302 = arith.index_cast %add3A_296 : i32 to index
        %swap3A_303 = arith.constant 0 : index
        %swap3A_304 = tpu.vector_load %arg19[%swap3A_302, %swap3A_303] {strides = array<i32>} : memref<640x16xf32, #tpu.memory_space<vmem>>, vector<1x16xf32>,
        %swap3A_305 = vector.shape_cast %swap3A_304 : vector<1x16xf32> to vector<16xf32>
        %swap3A_306 = vector.shape_cast %mul3A_301 : vector<16xf32> to vector<1x16xf32>
        tpu.vector_store %arg19[%swap3A_302, %swap3A_303], %swap3A_306 {strides = array<i32>} : memref<640x16xf32, #tpu.memory_space<vmem>>, vector<1x16xf32>,
        %broadcast_in_dim3A_307 = arith.constant 10 : i32
        %broadcast_in_dim3A_308 = vector.broadcast %broadcast_in_dim3A_307 : i32 to vector<16x1xi32>
        %gather3A_309 = vector.shape_cast %broadcast_in_dim3A_308 : vector<16x1xi32> to vector<16xi32>
        %gather3A_310 = tpu.dynamic_gather %get3A_129[%gather3A_309] in [0] : vector<16xf32>, vector<16xi32> -> vector<16xf32>
        %mul3A_311 = arith.constant 16 : i32
        %mul3A_312 = arith.muli %scan3A_124, %mul3A_311 : i32
        %add3A_313 = arith.constant 10 : i32
        %add3A_314 = arith.addi %mul3A_312, %add3A_313 : i32
        %get3A_315 = arith.index_cast %add3A_314 : i32 to index
        %get3A_316 = arith.constant 0 : index
        %get3A_317 = tpu.vector_load %arg19[%get3A_315, %get3A_316] {strides = array<i32>} : memref<640x16xf32, #tpu.memory_space<vmem>>, vector<1x16xf32>,
        %get3A_318 = vector.shape_cast %get3A_317 : vector<1x16xf32> to vector<16xf32>
        %mul3A_319 = arith.mulf %get3A_318, %gather3A_310 : vector<16xf32>
        %swap3A_320 = arith.index_cast %add3A_314 : i32 to index
        %swap3A_321 = arith.constant 0 : index
        %swap3A_322 = tpu.vector_load %arg19[%swap3A_320, %swap3A_321] {strides = array<i32>} : memref<640x16xf32, #tpu.memory_space<vmem>>, vector<1x16xf32>,
        %swap3A_323 = vector.shape_cast %swap3A_322 : vector<1x16xf32> to vector<16xf32>
        %swap3A_324 = vector.shape_cast %mul3A_319 : vector<16xf32> to vector<1x16xf32>
        tpu.vector_store %arg19[%swap3A_320, %swap3A_321], %swap3A_324 {strides = array<i32>} : memref<640x16xf32, #tpu.memory_space<vmem>>, vector<1x16xf32>,
        %broadcast_in_dim3A_325 = arith.constant 11 : i32
        %broadcast_in_dim3A_326 = vector.broadcast %broadcast_in_dim3A_325 : i32 to vector<16x1xi32>
        %gather3A_327 = vector.shape_cast %broadcast_in_dim3A_326 : vector<16x1xi32> to vector<16xi32>
        %gather3A_328 = tpu.dynamic_gather %get3A_129[%gather3A_327] in [0] : vector<16xf32>, vector<16xi32> -> vector<16xf32>
        %mul3A_329 = arith.constant 16 : i32
        %mul3A_330 = arith.muli %scan3A_124, %mul3A_329 : i32
        %add3A_331 = arith.constant 11 : i32
        %add3A_332 = arith.addi %mul3A_330, %add3A_331 : i32
        %get3A_333 = arith.index_cast %add3A_332 : i32 to index
        %get3A_334 = arith.constant 0 : index
        %get3A_335 = tpu.vector_load %arg19[%get3A_333, %get3A_334] {strides = array<i32>} : memref<640x16xf32, #tpu.memory_space<vmem>>, vector<1x16xf32>,
        %get3A_336 = vector.shape_cast %get3A_335 : vector<1x16xf32> to vector<16xf32>
        %mul3A_337 = arith.mulf %get3A_336, %gather3A_328 : vector<16xf32>
        %swap3A_338 = arith.index_cast %add3A_332 : i32 to index
        %swap3A_339 = arith.constant 0 : index
        %swap3A_340 = tpu.vector_load %arg19[%swap3A_338, %swap3A_339] {strides = array<i32>} : memref<640x16xf32, #tpu.memory_space<vmem>>, vector<1x16xf32>,
        %swap3A_341 = vector.shape_cast %swap3A_340 : vector<1x16xf32> to vector<16xf32>
        %swap3A_342 = vector.shape_cast %mul3A_337 : vector<16xf32> to vector<1x16xf32>
        tpu.vector_store %arg19[%swap3A_338, %swap3A_339], %swap3A_342 {strides = array<i32>} : memref<640x16xf32, #tpu.memory_space<vmem>>, vector<1x16xf32>,
        %broadcast_in_dim3A_343 = arith.constant 12 : i32
        %broadcast_in_dim3A_344 = vector.broadcast %broadcast_in_dim3A_343 : i32 to vector<16x1xi32>
        %gather3A_345 = vector.shape_cast %broadcast_in_dim3A_344 : vector<16x1xi32> to vector<16xi32>
        %gather3A_346 = tpu.dynamic_gather %get3A_129[%gather3A_345] in [0] : vector<16xf32>, vector<16xi32> -> vector<16xf32>
        %mul3A_347 = arith.constant 16 : i32
        %mul3A_348 = arith.muli %scan3A_124, %mul3A_347 : i32
        %add3A_349 = arith.constant 12 : i32
        %add3A_350 = arith.addi %mul3A_348, %add3A_349 : i32
        %get3A_351 = arith.index_cast %add3A_350 : i32 to index
        %get3A_352 = arith.constant 0 : index
        %get3A_353 = tpu.vector_load %arg19[%get3A_351, %get3A_352] {strides = array<i32>} : memref<640x16xf32, #tpu.memory_space<vmem>>, vector<1x16xf32>,
        %get3A_354 = vector.shape_cast %get3A_353 : vector<1x16xf32> to vector<16xf32>
        %mul3A_355 = arith.mulf %get3A_354, %gather3A_346 : vector<16xf32>
        %swap3A_356 = arith.index_cast %add3A_350 : i32 to index
        %swap3A_357 = arith.constant 0 : index
        %swap3A_358 = tpu.vector_load %arg19[%swap3A_356, %swap3A_357] {strides = array<i32>} : memref<640x16xf32, #tpu.memory_space<vmem>>, vector<1x16xf32>,
        %swap3A_359 = vector.shape_cast %swap3A_358 : vector<1x16xf32> to vector<16xf32>
        %swap3A_360 = vector.shape_cast %mul3A_355 : vector<16xf32> to vector<1x16xf32>
        tpu.vector_store %arg19[%swap3A_356, %swap3A_357], %swap3A_360 {strides = array<i32>} : memref<640x16xf32, #tpu.memory_space<vmem>>, vector<1x16xf32>,
        %broadcast_in_dim3A_361 = arith.constant 13 : i32
        %broadcast_in_dim3A_362 = vector.broadcast %broadcast_in_dim3A_361 : i32 to vector<16x1xi32>
        %gather3A_363 = vector.shape_cast %broadcast_in_dim3A_362 : vector<16x1xi32> to vector<16xi32>
        %gather3A_364 = tpu.dynamic_gather %get3A_129[%gather3A_363] in [0] : vector<16xf32>, vector<16xi32> -> vector<16xf32>
        %mul3A_365 = arith.constant 16 : i32
        %mul3A_366 = arith.muli %scan3A_124, %mul3A_365 : i32
        %add3A_367 = arith.constant 13 : i32
        %add3A_368 = arith.addi %mul3A_366, %add3A_367 : i32
        %get3A_369 = arith.index_cast %add3A_368 : i32 to index
        %get3A_370 = arith.constant 0 : index
        %get3A_371 = tpu.vector_load %arg19[%get3A_369, %get3A_370] {strides = array<i32>} : memref<640x16xf32, #tpu.memory_space<vmem>>, vector<1x16xf32>,
        %get3A_372 = vector.shape_cast %get3A_371 : vector<1x16xf32> to vector<16xf32>
        %mul3A_373 = arith.mulf %get3A_372, %gather3A_364 : vector<16xf32>
        %swap3A_374 = arith.index_cast %add3A_368 : i32 to index
        %swap3A_375 = arith.constant 0 : index
        %swap3A_376 = tpu.vector_load %arg19[%swap3A_374, %swap3A_375] {strides = array<i32>} : memref<640x16xf32, #tpu.memory_space<vmem>>, vector<1x16xf32>,
        %swap3A_377 = vector.shape_cast %swap3A_376 : vector<1x16xf32> to vector<16xf32>
        %swap3A_378 = vector.shape_cast %mul3A_373 : vector<16xf32> to vector<1x16xf32>
        tpu.vector_store %arg19[%swap3A_374, %swap3A_375], %swap3A_378 {strides = array<i32>} : memref<640x16xf32, #tpu.memory_space<vmem>>, vector<1x16xf32>,
        %broadcast_in_dim3A_379 = arith.constant 14 : i32
        %broadcast_in_dim3A_380 = vector.broadcast %broadcast_in_dim3A_379 : i32 to vector<16x1xi32>
        %gather3A_381 = vector.shape_cast %broadcast_in_dim3A_380 : vector<16x1xi32> to vector<16xi32>
        %gather3A_382 = tpu.dynamic_gather %get3A_129[%gather3A_381] in [0] : vector<16xf32>, vector<16xi32> -> vector<16xf32>
        %mul3A_383 = arith.constant 16 : i32
        %mul3A_384 = arith.muli %scan3A_124, %mul3A_383 : i32
        %add3A_385 = arith.constant 14 : i32
        %add3A_386 = arith.addi %mul3A_384, %add3A_385 : i32
        %get3A_387 = arith.index_cast %add3A_386 : i32 to index
        %get3A_388 = arith.constant 0 : index
        %get3A_389 = tpu.vector_load %arg19[%get3A_387, %get3A_388] {strides = array<i32>} : memref<640x16xf32, #tpu.memory_space<vmem>>, vector<1x16xf32>,
        %get3A_390 = vector.shape_cast %get3A_389 : vector<1x16xf32> to vector<16xf32>
        %mul3A_391 = arith.mulf %get3A_390, %gather3A_382 : vector<16xf32>
        %swap3A_392 = arith.index_cast %add3A_386 : i32 to index
        %swap3A_393 = arith.constant 0 : index
        %swap3A_394 = tpu.vector_load %arg19[%swap3A_392, %swap3A_393] {strides = array<i32>} : memref<640x16xf32, #tpu.memory_space<vmem>>, vector<1x16xf32>,
        %swap3A_395 = vector.shape_cast %swap3A_394 : vector<1x16xf32> to vector<16xf32>
        %swap3A_396 = vector.shape_cast %mul3A_391 : vector<16xf32> to vector<1x16xf32>
        tpu.vector_store %arg19[%swap3A_392, %swap3A_393], %swap3A_396 {strides = array<i32>} : memref<640x16xf32, #tpu.memory_space<vmem>>, vector<1x16xf32>,
        %broadcast_in_dim3A_397 = arith.constant 15 : i32
        %broadcast_in_dim3A_398 = vector.broadcast %broadcast_in_dim3A_397 : i32 to vector<16x1xi32>
        %gather3A_399 = vector.shape_cast %broadcast_in_dim3A_398 : vector<16x1xi32> to vector<16xi32>
        %gather3A_400 = tpu.dynamic_gather %get3A_129[%gather3A_399] in [0] : vector<16xf32>, vector<16xi32> -> vector<16xf32>
        %mul3A_401 = arith.constant 16 : i32
        %mul3A_402 = arith.muli %scan3A_124, %mul3A_401 : i32
        %add3A_403 = arith.constant 15 : i32
        %add3A_404 = arith.addi %mul3A_402, %add3A_403 : i32
        %get3A_405 = arith.index_cast %add3A_404 : i32 to index
        %get3A_406 = arith.constant 0 : index
        %get3A_407 = tpu.vector_load %arg19[%get3A_405, %get3A_406] {strides = array<i32>} : memref<640x16xf32, #tpu.memory_space<vmem>>, vector<1x16xf32>,
        %get3A_408 = vector.shape_cast %get3A_407 : vector<1x16xf32> to vector<16xf32>
        %mul3A_409 = arith.mulf %get3A_408, %gather3A_400 : vector<16xf32>
        %swap3A_410 = arith.index_cast %add3A_404 : i32 to index
        %swap3A_411 = arith.constant 0 : index
        %swap3A_412 = tpu.vector_load %arg19[%swap3A_410, %swap3A_411] {strides = array<i32>} : memref<640x16xf32, #tpu.memory_space<vmem>>, vector<1x16xf32>,
        %swap3A_413 = vector.shape_cast %swap3A_412 : vector<1x16xf32> to vector<16xf32>
        %swap3A_414 = vector.shape_cast %mul3A_409 : vector<16xf32> to vector<1x16xf32>
        tpu.vector_store %arg19[%swap3A_410, %swap3A_411], %swap3A_414 {strides = array<i32>} : memref<640x16xf32, #tpu.memory_space<vmem>>, vector<1x16xf32>,
        %scan3A_415 = arith.constant 0 : i32
        scf.yield %scan3A_415 : i32
      }
      %scan3A_118 = arith.constant 40 : i32
      "tpu.region"() ({
        %run_scoped3A = tpu.sem_alloc : memref<!tpu.dma_semaphore, #tpu.memory_space<semaphore_mem>>
        %dma_start3A_124 = arith.constant 0 : i32
        %dma_start3A_125 = arith.constant 0 : i32
        %dma_start3A_126 = tpu.memref_slice %arg19[%dma_start3A_124, %dma_start3A_125] : memref<640x16xf32, #tpu.memory_space<vmem>> -> memref<640x16xf32, #tpu.memory_space<vmem>>
        %dma_start3A_127 = arith.constant 0 : i32
        %dma_start3A_128 = tpu.memref_slice %arg22[%multiple_of3A, %dma_start3A_127] : memref<10000x16xf32, #tpu.memory_space<vmem_shared>> -> memref<640x16xf32, #tpu.memory_space<vmem_shared>>
        %dma_start3A_129 = arith.constant 0 : i32
        %dma_start3A_130 = tpu.memref_slice %arg22[%multiple_of3A, %dma_start3A_129] : memref<10000x16xf32, #tpu.memory_space<vmem_shared>> -> memref<640x16xf32, #tpu.memory_space<vmem_shared>>
        %dma_start3A_131 = arith.constant 0 : i32
        %dma_start3A_132 = arith.constant 0 : i32
        %dma_start3A_133 = tpu.memref_slice %arg19[%dma_start3A_131, %dma_start3A_132] : memref<640x16xf32, #tpu.memory_space<vmem>> -> memref<640x16xf32, #tpu.memory_space<vmem>>
        tpu.enqueue_dma source(%dma_start3A_133 : memref<640x16xf32, #tpu.memory_space<vmem>>) target(%dma_start3A_130 : memref<640x16xf32, #tpu.memory_space<vmem_shared>>) target_semaphore(%run_scoped3A : memref<!tpu.dma_semaphore, #tpu.memory_space<semaphore_mem>>)
        %dma_wait3A_134 = arith.constant 0 : i32
        %dma_wait3A_135 = arith.constant 0 : i32
        %dma_wait3A_136 = tpu.memref_slice %arg19[%dma_wait3A_134, %dma_wait3A_135] : memref<640x16xf32, #tpu.memory_space<vmem>> -> memref<640x16xf32, #tpu.memory_space<vmem>>
        %dma_wait3A_137 = arith.constant 0 : i32
        %dma_wait3A_138 = tpu.memref_slice %arg22[%multiple_of3A, %dma_wait3A_137] : memref<10000x16xf32, #tpu.memory_space<vmem_shared>> -> memref<640x16xf32, #tpu.memory_space<vmem_shared>>
        %dma_wait3A_139 = arith.constant 0 : i32
        %dma_wait3A_140 = tpu.memref_slice %arg22[%multiple_of3A, %dma_wait3A_139] : memref<10000x16xf32, #tpu.memory_space<vmem_shared>> -> memref<640x16xf32, #tpu.memory_space<vmem_shared>>
        %dma_wait3A_141 = arith.constant 0 : i32
        %dma_wait3A_142 = arith.constant 0 : i32
        %dma_wait3A_143 = tpu.memref_slice %arg19[%dma_wait3A_141, %dma_wait3A_142] : memref<640x16xf32, #tpu.memory_space<vmem>> -> memref<640x16xf32, #tpu.memory_space<vmem>>
        tpu.wait_dma2 semaphore(%run_scoped3A : memref<!tpu.dma_semaphore, #tpu.memory_space<semaphore_mem>>) src(%dma_wait3A_143 : memref<640x16xf32, #tpu.memory_space<vmem>>) dst(%dma_wait3A_140 : memref<640x16xf32, #tpu.memory_space<vmem_shared>>)
        tpu.yield
      }) : () -> ()
      %eq3A_119 = arith.constant 0 : i32
      %eq3A_120 = arith.cmpi eq, %arg0, %eq3A_119 : i32
      %convert_element_type3A_121 = arith.extui %eq3A_120 : i1 to i32
      %cond3A_122 = arith.constant 0 : i32
      %cond3A_123 = arith.cmpi ne, %convert_element_type3A_121, %cond3A_122 : i32
      scf.if %cond3A_123 {
        "tpu.region"() ({
          %run_scoped3A = tpu.sem_alloc : memref<!tpu.dma_semaphore, #tpu.memory_space<semaphore_mem>>
          %dma_start3A_124 = arith.constant 0 : i32
          %dma_start3A_125 = arith.constant 0 : i32
          %dma_start3A_126 = tpu.memref_slice %arg19[%dma_start3A_124, %dma_start3A_125] : memref<640x16xf32, #tpu.memory_space<vmem>> -> memref<640x16xf32, #tpu.memory_space<vmem>>
          %dma_start3A_127 = arith.constant 0 : i32
          %dma_start3A_128 = tpu.memref_slice %arg6[%multiple_of3A, %dma_start3A_127] : memref<10000x16xf32, #tpu.memory_space<hbm>> -> memref<640x16xf32, #tpu.memory_space<hbm>>
          %dma_start3A_129 = arith.constant 0 : i32
          %dma_start3A_130 = tpu.memref_slice %arg6[%multiple_of3A, %dma_start3A_129] : memref<10000x16xf32, #tpu.memory_space<hbm>> -> memref<640x16xf32, #tpu.memory_space<hbm>>
          %dma_start3A_131 = arith.constant 0 : i32
          %dma_start3A_132 = arith.constant 0 : i32
          %dma_start3A_133 = tpu.memref_slice %arg19[%dma_start3A_131, %dma_start3A_132] : memref<640x16xf32, #tpu.memory_space<vmem>> -> memref<640x16xf32, #tpu.memory_space<vmem>>
          tpu.enqueue_dma source(%dma_start3A_133 : memref<640x16xf32, #tpu.memory_space<vmem>>) target(%dma_start3A_130 : memref<640x16xf32, #tpu.memory_space<hbm>>) target_semaphore(%run_scoped3A : memref<!tpu.dma_semaphore, #tpu.memory_space<semaphore_mem>>)
          %dma_wait3A_134 = arith.constant 0 : i32
          %dma_wait3A_135 = arith.constant 0 : i32
          %dma_wait3A_136 = tpu.memref_slice %arg19[%dma_wait3A_134, %dma_wait3A_135] : memref<640x16xf32, #tpu.memory_space<vmem>> -> memref<640x16xf32, #tpu.memory_space<vmem>>
          %dma_wait3A_137 = arith.constant 0 : i32
          %dma_wait3A_138 = tpu.memref_slice %arg6[%multiple_of3A, %dma_wait3A_137] : memref<10000x16xf32, #tpu.memory_space<hbm>> -> memref<640x16xf32, #tpu.memory_space<hbm>>
          %dma_wait3A_139 = arith.constant 0 : i32
          %dma_wait3A_140 = tpu.memref_slice %arg6[%multiple_of3A, %dma_wait3A_139] : memref<10000x16xf32, #tpu.memory_space<hbm>> -> memref<640x16xf32, #tpu.memory_space<hbm>>
          %dma_wait3A_141 = arith.constant 0 : i32
          %dma_wait3A_142 = arith.constant 0 : i32
          %dma_wait3A_143 = tpu.memref_slice %arg19[%dma_wait3A_141, %dma_wait3A_142] : memref<640x16xf32, #tpu.memory_space<vmem>> -> memref<640x16xf32, #tpu.memory_space<vmem>>
          tpu.wait_dma2 semaphore(%run_scoped3A : memref<!tpu.dma_semaphore, #tpu.memory_space<semaphore_mem>>) src(%dma_wait3A_143 : memref<640x16xf32, #tpu.memory_space<vmem>>) dst(%dma_wait3A_140 : memref<640x16xf32, #tpu.memory_space<hbm>>)
          tpu.yield
        }) : () -> ()
        "tpu.region"() ({
          %run_scoped3A = tpu.sem_alloc : memref<!tpu.dma_semaphore, #tpu.memory_space<semaphore_mem>>
          %dma_start3A_124 = arith.constant 0 : i32
          %dma_start3A_125 = tpu.memref_slice %arg18[%dma_start3A_124] : memref<640xf32, #tpu.memory_space<vmem>> -> memref<640xf32, #tpu.memory_space<vmem>>
          %dma_start3A_126 = tpu.memref_slice %arg7[%multiple_of3A] : memref<10000xf32, #tpu.memory_space<hbm>> -> memref<640xf32, #tpu.memory_space<hbm>>
          %dma_start3A_127 = tpu.memref_slice %arg7[%multiple_of3A] : memref<10000xf32, #tpu.memory_space<hbm>> -> memref<640xf32, #tpu.memory_space<hbm>>
          %dma_start3A_128 = arith.constant 0 : i32
          %dma_start3A_129 = tpu.memref_slice %arg18[%dma_start3A_128] : memref<640xf32, #tpu.memory_space<vmem>> -> memref<640xf32, #tpu.memory_space<vmem>>
          tpu.enqueue_dma source(%dma_start3A_129 : memref<640xf32, #tpu.memory_space<vmem>>) target(%dma_start3A_127 : memref<640xf32, #tpu.memory_space<hbm>>) target_semaphore(%run_scoped3A : memref<!tpu.dma_semaphore, #tpu.memory_space<semaphore_mem>>)
          %dma_wait3A_130 = arith.constant 0 : i32
          %dma_wait3A_131 = tpu.memref_slice %arg18[%dma_wait3A_130] : memref<640xf32, #tpu.memory_space<vmem>> -> memref<640xf32, #tpu.memory_space<vmem>>
          %dma_wait3A_132 = tpu.memref_slice %arg7[%multiple_of3A] : memref<10000xf32, #tpu.memory_space<hbm>> -> memref<640xf32, #tpu.memory_space<hbm>>
          %dma_wait3A_133 = tpu.memref_slice %arg7[%multiple_of3A] : memref<10000xf32, #tpu.memory_space<hbm>> -> memref<640xf32, #tpu.memory_space<hbm>>
          %dma_wait3A_134 = arith.constant 0 : i32
          %dma_wait3A_135 = tpu.memref_slice %arg18[%dma_wait3A_134] : memref<640xf32, #tpu.memory_space<vmem>> -> memref<640xf32, #tpu.memory_space<vmem>>
          tpu.wait_dma2 semaphore(%run_scoped3A : memref<!tpu.dma_semaphore, #tpu.memory_space<semaphore_mem>>) src(%dma_wait3A_135 : memref<640xf32, #tpu.memory_space<vmem>>) dst(%dma_wait3A_133 : memref<640xf32, #tpu.memory_space<hbm>>)
          tpu.yield
        }) : () -> ()
      } else {
      }
    } else {
    }
    %eq3A_35 = arith.constant 15 : i32
    %eq3A_36 = arith.cmpi eq, %arg1, %eq3A_35 : i32
    %convert_element_type3A_37 = arith.extui %eq3A_36 : i1 to i32
    %cond3A_38 = arith.constant 0 : i32
    %cond3A_39 = arith.cmpi ne, %convert_element_type3A_37, %cond3A_38 : i32
    scf.if %cond3A_39 {
      "tpu.region"() ({
        %run_scoped3A = tpu.sem_alloc : memref<!tpu.dma_semaphore, #tpu.memory_space<semaphore_mem>>
        %dma_start3A_124 = arith.constant 0 : i32
        %dma_start3A_125 = tpu.memref_slice %arg17[%dma_start3A_124] : memref<640xf32, #tpu.memory_space<vmem>> -> memref<400xf32, #tpu.memory_space<vmem>>
        %dma_start3A_126 = arith.constant 9600 : i32
        %dma_start3A_127 = tpu.memref_slice %arg23[%dma_start3A_126] : memref<10000xf32, #tpu.memory_space<vmem_shared>> -> memref<400xf32, #tpu.memory_space<vmem_shared>>
        %dma_start3A_128 = arith.constant 0 : i32
        %dma_start3A_129 = tpu.memref_slice %arg17[%dma_start3A_128] : memref<640xf32, #tpu.memory_space<vmem>> -> memref<400xf32, #tpu.memory_space<vmem>>
        %dma_start3A_130 = arith.constant 9600 : i32
        %dma_start3A_131 = tpu.memref_slice %arg23[%dma_start3A_130] : memref<10000xf32, #tpu.memory_space<vmem_shared>> -> memref<400xf32, #tpu.memory_space<vmem_shared>>
        tpu.enqueue_dma source(%dma_start3A_131 : memref<400xf32, #tpu.memory_space<vmem_shared>>) target(%dma_start3A_129 : memref<400xf32, #tpu.memory_space<vmem>>) target_semaphore(%run_scoped3A : memref<!tpu.dma_semaphore, #tpu.memory_space<semaphore_mem>>)
        %dma_wait3A_132 = arith.constant 0 : i32
        %dma_wait3A_133 = tpu.memref_slice %arg17[%dma_wait3A_132] : memref<640xf32, #tpu.memory_space<vmem>> -> memref<400xf32, #tpu.memory_space<vmem>>
        %dma_wait3A_134 = arith.constant 9600 : i32
        %dma_wait3A_135 = tpu.memref_slice %arg23[%dma_wait3A_134] : memref<10000xf32, #tpu.memory_space<vmem_shared>> -> memref<400xf32, #tpu.memory_space<vmem_shared>>
        %dma_wait3A_136 = arith.constant 0 : i32
        %dma_wait3A_137 = tpu.memref_slice %arg17[%dma_wait3A_136] : memref<640xf32, #tpu.memory_space<vmem>> -> memref<400xf32, #tpu.memory_space<vmem>>
        %dma_wait3A_138 = arith.constant 9600 : i32
        %dma_wait3A_139 = tpu.memref_slice %arg23[%dma_wait3A_138] : memref<10000xf32, #tpu.memory_space<vmem_shared>> -> memref<400xf32, #tpu.memory_space<vmem_shared>>
        tpu.wait_dma2 semaphore(%run_scoped3A : memref<!tpu.dma_semaphore, #tpu.memory_space<semaphore_mem>>) src(%dma_wait3A_139 : memref<400xf32, #tpu.memory_space<vmem_shared>>) dst(%dma_wait3A_137 : memref<400xf32, #tpu.memory_space<vmem>>)
        tpu.yield
      }) : () -> ()
      %scan3A_105 = arith.constant 0 : i32
      %scan3A_106 = arith.constant 0 : i32
      %scan3A_107 = arith.constant 25 : i32
      %scan3A_108 = arith.addi %scan3A_106, %scan3A_107 : i32
      %scan3A_109 = arith.constant 1 : i32
      %scan3A_110 = scf.for %scan3A_124 = %scan3A_106 to %scan3A_108 step %scan3A_109 iter_args(%scan3A_125 = %scan3A_105) -> (i32)  : i32 {
        %mul3A_126 = arith.constant 16 : i32
        %mul3A_127 = arith.muli %scan3A_124, %mul3A_126 : i32
        %get3A = arith.index_cast %mul3A_127 : i32 to index
        %get3A_128 = tpu.vector_load %arg17[%get3A] {strides = array<i32>} : memref<640xf32, #tpu.memory_space<vmem>>, vector<16xf32>,
        %get3A_129 = vector.shape_cast %get3A_128 : vector<16xf32> to vector<16xf32>
        %add3A_130 = arith.constant 1.000000e+00 : f32
        %add3A_131 = vector.broadcast %add3A_130 : f32 to vector<16xf32>
        %add3A_132 = arith.addf %get3A_129, %add3A_131 : vector<16xf32>
        %bitcast_convert_type3A = tpu.bitcast %add3A_132 : vector<16xf32> -> vector<16xi32>
        %shift_right_arithmetic3A = arith.constant 1 : i32
        %shift_right_arithmetic3A_133 = vector.broadcast %shift_right_arithmetic3A : i32 to vector<16xi32>
        %shift_right_arithmetic3A_134 = arith.shrsi %bitcast_convert_type3A, %shift_right_arithmetic3A_133 : vector<16xi32>
        %sub3A = arith.constant 1597463007 : i32
        %sub3A_135 = vector.broadcast %sub3A : i32 to vector<16xi32>
        %sub3A_136 = arith.subi %sub3A_135, %shift_right_arithmetic3A_134 : vector<16xi32>
        %bitcast_convert_type3A_137 = tpu.bitcast %sub3A_136 : vector<16xi32> -> vector<16xf32>
        %mul3A_138 = arith.constant 5.000000e-01 : f32
        %mul3A_139 = vector.broadcast %mul3A_138 : f32 to vector<16xf32>
        %mul3A_140 = arith.mulf %mul3A_139, %add3A_132 : vector<16xf32>
        %mul3A_141 = arith.mulf %mul3A_140, %bitcast_convert_type3A_137 : vector<16xf32>
        %mul3A_142 = arith.mulf %mul3A_141, %bitcast_convert_type3A_137 : vector<16xf32>
        %sub3A_143 = arith.constant 1.500000e+00 : f32
        %sub3A_144 = vector.broadcast %sub3A_143 : f32 to vector<16xf32>
        %sub3A_145 = arith.subf %sub3A_144, %mul3A_142 : vector<16xf32>
        %mul3A_146 = arith.mulf %bitcast_convert_type3A_137, %sub3A_145 : vector<16xf32>
        %mul3A_147 = arith.constant 5.000000e-01 : f32
        %mul3A_148 = vector.broadcast %mul3A_147 : f32 to vector<16xf32>
        %mul3A_149 = arith.mulf %mul3A_148, %add3A_132 : vector<16xf32>
        %mul3A_150 = arith.mulf %mul3A_149, %mul3A_146 : vector<16xf32>
        %mul3A_151 = arith.mulf %mul3A_150, %mul3A_146 : vector<16xf32>
        %sub3A_152 = arith.constant 1.500000e+00 : f32
        %sub3A_153 = vector.broadcast %sub3A_152 : f32 to vector<16xf32>
        %sub3A_154 = arith.subf %sub3A_153, %mul3A_151 : vector<16xf32>
        %mul3A_155 = arith.mulf %mul3A_146, %sub3A_154 : vector<16xf32>
        %mul3A_156 = arith.constant 5.000000e-01 : f32
        %mul3A_157 = vector.broadcast %mul3A_156 : f32 to vector<16xf32>
        %mul3A_158 = arith.mulf %mul3A_157, %add3A_132 : vector<16xf32>
        %mul3A_159 = arith.mulf %mul3A_158, %mul3A_155 : vector<16xf32>
        %mul3A_160 = arith.mulf %mul3A_159, %mul3A_155 : vector<16xf32>
        %sub3A_161 = arith.constant 1.500000e+00 : f32
        %sub3A_162 = vector.broadcast %sub3A_161 : f32 to vector<16xf32>
        %sub3A_163 = arith.subf %sub3A_162, %mul3A_160 : vector<16xf32>
        %mul3A_164 = arith.mulf %mul3A_155, %sub3A_163 : vector<16xf32>
        %mul3A_165 = arith.constant 16 : i32
        %mul3A_166 = arith.muli %scan3A_124, %mul3A_165 : i32
        %swap3A = arith.index_cast %mul3A_166 : i32 to index
        %swap3A_167 = tpu.vector_load %arg18[%swap3A] {strides = array<i32>} : memref<640xf32, #tpu.memory_space<vmem>>, vector<16xf32>,
        %swap3A_168 = vector.shape_cast %swap3A_167 : vector<16xf32> to vector<16xf32>
        %swap3A_169 = vector.shape_cast %mul3A_164 : vector<16xf32> to vector<16xf32>
        tpu.vector_store %arg18[%swap3A], %swap3A_169 {strides = array<i32>} : memref<640xf32, #tpu.memory_space<vmem>>, vector<16xf32>,
        %scan3A_170 = arith.constant 0 : i32
        scf.yield %scan3A_170 : i32
      }
      %scan3A_111 = arith.constant 25 : i32
      "tpu.region"() ({
        %run_scoped3A = tpu.sem_alloc : memref<!tpu.dma_semaphore, #tpu.memory_space<semaphore_mem>>
        %dma_start3A_124 = arith.constant 0 : i32
        %dma_start3A_125 = arith.constant 0 : i32
        %dma_start3A_126 = tpu.memref_slice %arg19[%dma_start3A_124, %dma_start3A_125] : memref<640x16xf32, #tpu.memory_space<vmem>> -> memref<400x16xf32, #tpu.memory_space<vmem>>
        %dma_start3A_127 = arith.constant 9600 : i32
        %dma_start3A_128 = arith.constant 0 : i32
        %dma_start3A_129 = tpu.memref_slice %arg2[%dma_start3A_127, %dma_start3A_128] : memref<10000x16xf32, #tpu.memory_space<hbm>> -> memref<400x16xf32, #tpu.memory_space<hbm>>
        %dma_start3A_130 = arith.constant 0 : i32
        %dma_start3A_131 = arith.constant 0 : i32
        %dma_start3A_132 = tpu.memref_slice %arg19[%dma_start3A_130, %dma_start3A_131] : memref<640x16xf32, #tpu.memory_space<vmem>> -> memref<400x16xf32, #tpu.memory_space<vmem>>
        %dma_start3A_133 = arith.constant 9600 : i32
        %dma_start3A_134 = arith.constant 0 : i32
        %dma_start3A_135 = tpu.memref_slice %arg2[%dma_start3A_133, %dma_start3A_134] : memref<10000x16xf32, #tpu.memory_space<hbm>> -> memref<400x16xf32, #tpu.memory_space<hbm>>
        tpu.enqueue_dma source(%dma_start3A_135 : memref<400x16xf32, #tpu.memory_space<hbm>>) target(%dma_start3A_132 : memref<400x16xf32, #tpu.memory_space<vmem>>) target_semaphore(%run_scoped3A : memref<!tpu.dma_semaphore, #tpu.memory_space<semaphore_mem>>)
        %dma_wait3A_136 = arith.constant 0 : i32
        %dma_wait3A_137 = arith.constant 0 : i32
        %dma_wait3A_138 = tpu.memref_slice %arg19[%dma_wait3A_136, %dma_wait3A_137] : memref<640x16xf32, #tpu.memory_space<vmem>> -> memref<400x16xf32, #tpu.memory_space<vmem>>
        %dma_wait3A_139 = arith.constant 9600 : i32
        %dma_wait3A_140 = arith.constant 0 : i32
        %dma_wait3A_141 = tpu.memref_slice %arg2[%dma_wait3A_139, %dma_wait3A_140] : memref<10000x16xf32, #tpu.memory_space<hbm>> -> memref<400x16xf32, #tpu.memory_space<hbm>>
        %dma_wait3A_142 = arith.constant 0 : i32
        %dma_wait3A_143 = arith.constant 0 : i32
        %dma_wait3A_144 = tpu.memref_slice %arg19[%dma_wait3A_142, %dma_wait3A_143] : memref<640x16xf32, #tpu.memory_space<vmem>> -> memref<400x16xf32, #tpu.memory_space<vmem>>
        %dma_wait3A_145 = arith.constant 9600 : i32
        %dma_wait3A_146 = arith.constant 0 : i32
        %dma_wait3A_147 = tpu.memref_slice %arg2[%dma_wait3A_145, %dma_wait3A_146] : memref<10000x16xf32, #tpu.memory_space<hbm>> -> memref<400x16xf32, #tpu.memory_space<hbm>>
        tpu.wait_dma2 semaphore(%run_scoped3A : memref<!tpu.dma_semaphore, #tpu.memory_space<semaphore_mem>>) src(%dma_wait3A_147 : memref<400x16xf32, #tpu.memory_space<hbm>>) dst(%dma_wait3A_144 : memref<400x16xf32, #tpu.memory_space<vmem>>)
        tpu.yield
      }) : () -> ()
      %scan3A_112 = arith.constant 0 : i32
      %scan3A_113 = arith.constant 0 : i32
      %scan3A_114 = arith.constant 25 : i32
      %scan3A_115 = arith.addi %scan3A_113, %scan3A_114 : i32
      %scan3A_116 = arith.constant 1 : i32
      %scan3A_117 = scf.for %scan3A_124 = %scan3A_113 to %scan3A_115 step %scan3A_116 iter_args(%scan3A_125 = %scan3A_112) -> (i32)  : i32 {
        %mul3A_126 = arith.constant 16 : i32
        %mul3A_127 = arith.muli %scan3A_124, %mul3A_126 : i32
        %get3A = arith.index_cast %mul3A_127 : i32 to index
        %get3A_128 = tpu.vector_load %arg18[%get3A] {strides = array<i32>} : memref<640xf32, #tpu.memory_space<vmem>>, vector<16xf32>,
        %get3A_129 = vector.shape_cast %get3A_128 : vector<16xf32> to vector<16xf32>
        %broadcast_in_dim3A = arith.constant 0 : i32
        %broadcast_in_dim3A_130 = vector.broadcast %broadcast_in_dim3A : i32 to vector<16x1xi32>
        %gather3A = vector.shape_cast %broadcast_in_dim3A_130 : vector<16x1xi32> to vector<16xi32>
        %gather3A_131 = tpu.dynamic_gather %get3A_129[%gather3A] in [0] : vector<16xf32>, vector<16xi32> -> vector<16xf32>
        %mul3A_132 = arith.constant 16 : i32
        %mul3A_133 = arith.muli %scan3A_124, %mul3A_132 : i32
        %add3A_134 = arith.constant 0 : i32
        %add3A_135 = arith.addi %mul3A_133, %add3A_134 : i32
        %get3A_136 = arith.index_cast %add3A_135 : i32 to index
        %get3A_137 = arith.constant 0 : index
        %get3A_138 = tpu.vector_load %arg19[%get3A_136, %get3A_137] {strides = array<i32>} : memref<640x16xf32, #tpu.memory_space<vmem>>, vector<1x16xf32>,
        %get3A_139 = vector.shape_cast %get3A_138 : vector<1x16xf32> to vector<16xf32>
        %mul3A_140 = arith.mulf %get3A_139, %gather3A_131 : vector<16xf32>
        %swap3A = arith.index_cast %add3A_135 : i32 to index
        %swap3A_141 = arith.constant 0 : index
        %swap3A_142 = tpu.vector_load %arg19[%swap3A, %swap3A_141] {strides = array<i32>} : memref<640x16xf32, #tpu.memory_space<vmem>>, vector<1x16xf32>,
        %swap3A_143 = vector.shape_cast %swap3A_142 : vector<1x16xf32> to vector<16xf32>
        %swap3A_144 = vector.shape_cast %mul3A_140 : vector<16xf32> to vector<1x16xf32>
        tpu.vector_store %arg19[%swap3A, %swap3A_141], %swap3A_144 {strides = array<i32>} : memref<640x16xf32, #tpu.memory_space<vmem>>, vector<1x16xf32>,
        %broadcast_in_dim3A_145 = arith.constant 1 : i32
        %broadcast_in_dim3A_146 = vector.broadcast %broadcast_in_dim3A_145 : i32 to vector<16x1xi32>
        %gather3A_147 = vector.shape_cast %broadcast_in_dim3A_146 : vector<16x1xi32> to vector<16xi32>
        %gather3A_148 = tpu.dynamic_gather %get3A_129[%gather3A_147] in [0] : vector<16xf32>, vector<16xi32> -> vector<16xf32>
        %mul3A_149 = arith.constant 16 : i32
        %mul3A_150 = arith.muli %scan3A_124, %mul3A_149 : i32
        %add3A_151 = arith.constant 1 : i32
        %add3A_152 = arith.addi %mul3A_150, %add3A_151 : i32
        %get3A_153 = arith.index_cast %add3A_152 : i32 to index
        %get3A_154 = arith.constant 0 : index
        %get3A_155 = tpu.vector_load %arg19[%get3A_153, %get3A_154] {strides = array<i32>} : memref<640x16xf32, #tpu.memory_space<vmem>>, vector<1x16xf32>,
        %get3A_156 = vector.shape_cast %get3A_155 : vector<1x16xf32> to vector<16xf32>
        %mul3A_157 = arith.mulf %get3A_156, %gather3A_148 : vector<16xf32>
        %swap3A_158 = arith.index_cast %add3A_152 : i32 to index
        %swap3A_159 = arith.constant 0 : index
        %swap3A_160 = tpu.vector_load %arg19[%swap3A_158, %swap3A_159] {strides = array<i32>} : memref<640x16xf32, #tpu.memory_space<vmem>>, vector<1x16xf32>,
        %swap3A_161 = vector.shape_cast %swap3A_160 : vector<1x16xf32> to vector<16xf32>
        %swap3A_162 = vector.shape_cast %mul3A_157 : vector<16xf32> to vector<1x16xf32>
        tpu.vector_store %arg19[%swap3A_158, %swap3A_159], %swap3A_162 {strides = array<i32>} : memref<640x16xf32, #tpu.memory_space<vmem>>, vector<1x16xf32>,
        %broadcast_in_dim3A_163 = arith.constant 2 : i32
        %broadcast_in_dim3A_164 = vector.broadcast %broadcast_in_dim3A_163 : i32 to vector<16x1xi32>
        %gather3A_165 = vector.shape_cast %broadcast_in_dim3A_164 : vector<16x1xi32> to vector<16xi32>
        %gather3A_166 = tpu.dynamic_gather %get3A_129[%gather3A_165] in [0] : vector<16xf32>, vector<16xi32> -> vector<16xf32>
        %mul3A_167 = arith.constant 16 : i32
        %mul3A_168 = arith.muli %scan3A_124, %mul3A_167 : i32
        %add3A_169 = arith.constant 2 : i32
        %add3A_170 = arith.addi %mul3A_168, %add3A_169 : i32
        %get3A_171 = arith.index_cast %add3A_170 : i32 to index
        %get3A_172 = arith.constant 0 : index
        %get3A_173 = tpu.vector_load %arg19[%get3A_171, %get3A_172] {strides = array<i32>} : memref<640x16xf32, #tpu.memory_space<vmem>>, vector<1x16xf32>,
        %get3A_174 = vector.shape_cast %get3A_173 : vector<1x16xf32> to vector<16xf32>
        %mul3A_175 = arith.mulf %get3A_174, %gather3A_166 : vector<16xf32>
        %swap3A_176 = arith.index_cast %add3A_170 : i32 to index
        %swap3A_177 = arith.constant 0 : index
        %swap3A_178 = tpu.vector_load %arg19[%swap3A_176, %swap3A_177] {strides = array<i32>} : memref<640x16xf32, #tpu.memory_space<vmem>>, vector<1x16xf32>,
        %swap3A_179 = vector.shape_cast %swap3A_178 : vector<1x16xf32> to vector<16xf32>
        %swap3A_180 = vector.shape_cast %mul3A_175 : vector<16xf32> to vector<1x16xf32>
        tpu.vector_store %arg19[%swap3A_176, %swap3A_177], %swap3A_180 {strides = array<i32>} : memref<640x16xf32, #tpu.memory_space<vmem>>, vector<1x16xf32>,
        %broadcast_in_dim3A_181 = arith.constant 3 : i32
        %broadcast_in_dim3A_182 = vector.broadcast %broadcast_in_dim3A_181 : i32 to vector<16x1xi32>
        %gather3A_183 = vector.shape_cast %broadcast_in_dim3A_182 : vector<16x1xi32> to vector<16xi32>
        %gather3A_184 = tpu.dynamic_gather %get3A_129[%gather3A_183] in [0] : vector<16xf32>, vector<16xi32> -> vector<16xf32>
        %mul3A_185 = arith.constant 16 : i32
        %mul3A_186 = arith.muli %scan3A_124, %mul3A_185 : i32
        %add3A_187 = arith.constant 3 : i32
        %add3A_188 = arith.addi %mul3A_186, %add3A_187 : i32
        %get3A_189 = arith.index_cast %add3A_188 : i32 to index
        %get3A_190 = arith.constant 0 : index
        %get3A_191 = tpu.vector_load %arg19[%get3A_189, %get3A_190] {strides = array<i32>} : memref<640x16xf32, #tpu.memory_space<vmem>>, vector<1x16xf32>,
        %get3A_192 = vector.shape_cast %get3A_191 : vector<1x16xf32> to vector<16xf32>
        %mul3A_193 = arith.mulf %get3A_192, %gather3A_184 : vector<16xf32>
        %swap3A_194 = arith.index_cast %add3A_188 : i32 to index
        %swap3A_195 = arith.constant 0 : index
        %swap3A_196 = tpu.vector_load %arg19[%swap3A_194, %swap3A_195] {strides = array<i32>} : memref<640x16xf32, #tpu.memory_space<vmem>>, vector<1x16xf32>,
        %swap3A_197 = vector.shape_cast %swap3A_196 : vector<1x16xf32> to vector<16xf32>
        %swap3A_198 = vector.shape_cast %mul3A_193 : vector<16xf32> to vector<1x16xf32>
        tpu.vector_store %arg19[%swap3A_194, %swap3A_195], %swap3A_198 {strides = array<i32>} : memref<640x16xf32, #tpu.memory_space<vmem>>, vector<1x16xf32>,
        %broadcast_in_dim3A_199 = arith.constant 4 : i32
        %broadcast_in_dim3A_200 = vector.broadcast %broadcast_in_dim3A_199 : i32 to vector<16x1xi32>
        %gather3A_201 = vector.shape_cast %broadcast_in_dim3A_200 : vector<16x1xi32> to vector<16xi32>
        %gather3A_202 = tpu.dynamic_gather %get3A_129[%gather3A_201] in [0] : vector<16xf32>, vector<16xi32> -> vector<16xf32>
        %mul3A_203 = arith.constant 16 : i32
        %mul3A_204 = arith.muli %scan3A_124, %mul3A_203 : i32
        %add3A_205 = arith.constant 4 : i32
        %add3A_206 = arith.addi %mul3A_204, %add3A_205 : i32
        %get3A_207 = arith.index_cast %add3A_206 : i32 to index
        %get3A_208 = arith.constant 0 : index
        %get3A_209 = tpu.vector_load %arg19[%get3A_207, %get3A_208] {strides = array<i32>} : memref<640x16xf32, #tpu.memory_space<vmem>>, vector<1x16xf32>,
        %get3A_210 = vector.shape_cast %get3A_209 : vector<1x16xf32> to vector<16xf32>
        %mul3A_211 = arith.mulf %get3A_210, %gather3A_202 : vector<16xf32>
        %swap3A_212 = arith.index_cast %add3A_206 : i32 to index
        %swap3A_213 = arith.constant 0 : index
        %swap3A_214 = tpu.vector_load %arg19[%swap3A_212, %swap3A_213] {strides = array<i32>} : memref<640x16xf32, #tpu.memory_space<vmem>>, vector<1x16xf32>,
        %swap3A_215 = vector.shape_cast %swap3A_214 : vector<1x16xf32> to vector<16xf32>
        %swap3A_216 = vector.shape_cast %mul3A_211 : vector<16xf32> to vector<1x16xf32>
        tpu.vector_store %arg19[%swap3A_212, %swap3A_213], %swap3A_216 {strides = array<i32>} : memref<640x16xf32, #tpu.memory_space<vmem>>, vector<1x16xf32>,
        %broadcast_in_dim3A_217 = arith.constant 5 : i32
        %broadcast_in_dim3A_218 = vector.broadcast %broadcast_in_dim3A_217 : i32 to vector<16x1xi32>
        %gather3A_219 = vector.shape_cast %broadcast_in_dim3A_218 : vector<16x1xi32> to vector<16xi32>
        %gather3A_220 = tpu.dynamic_gather %get3A_129[%gather3A_219] in [0] : vector<16xf32>, vector<16xi32> -> vector<16xf32>
        %mul3A_221 = arith.constant 16 : i32
        %mul3A_222 = arith.muli %scan3A_124, %mul3A_221 : i32
        %add3A_223 = arith.constant 5 : i32
        %add3A_224 = arith.addi %mul3A_222, %add3A_223 : i32
        %get3A_225 = arith.index_cast %add3A_224 : i32 to index
        %get3A_226 = arith.constant 0 : index
        %get3A_227 = tpu.vector_load %arg19[%get3A_225, %get3A_226] {strides = array<i32>} : memref<640x16xf32, #tpu.memory_space<vmem>>, vector<1x16xf32>,
        %get3A_228 = vector.shape_cast %get3A_227 : vector<1x16xf32> to vector<16xf32>
        %mul3A_229 = arith.mulf %get3A_228, %gather3A_220 : vector<16xf32>
        %swap3A_230 = arith.index_cast %add3A_224 : i32 to index
        %swap3A_231 = arith.constant 0 : index
        %swap3A_232 = tpu.vector_load %arg19[%swap3A_230, %swap3A_231] {strides = array<i32>} : memref<640x16xf32, #tpu.memory_space<vmem>>, vector<1x16xf32>,
        %swap3A_233 = vector.shape_cast %swap3A_232 : vector<1x16xf32> to vector<16xf32>
        %swap3A_234 = vector.shape_cast %mul3A_229 : vector<16xf32> to vector<1x16xf32>
        tpu.vector_store %arg19[%swap3A_230, %swap3A_231], %swap3A_234 {strides = array<i32>} : memref<640x16xf32, #tpu.memory_space<vmem>>, vector<1x16xf32>,
        %broadcast_in_dim3A_235 = arith.constant 6 : i32
        %broadcast_in_dim3A_236 = vector.broadcast %broadcast_in_dim3A_235 : i32 to vector<16x1xi32>
        %gather3A_237 = vector.shape_cast %broadcast_in_dim3A_236 : vector<16x1xi32> to vector<16xi32>
        %gather3A_238 = tpu.dynamic_gather %get3A_129[%gather3A_237] in [0] : vector<16xf32>, vector<16xi32> -> vector<16xf32>
        %mul3A_239 = arith.constant 16 : i32
        %mul3A_240 = arith.muli %scan3A_124, %mul3A_239 : i32
        %add3A_241 = arith.constant 6 : i32
        %add3A_242 = arith.addi %mul3A_240, %add3A_241 : i32
        %get3A_243 = arith.index_cast %add3A_242 : i32 to index
        %get3A_244 = arith.constant 0 : index
        %get3A_245 = tpu.vector_load %arg19[%get3A_243, %get3A_244] {strides = array<i32>} : memref<640x16xf32, #tpu.memory_space<vmem>>, vector<1x16xf32>,
        %get3A_246 = vector.shape_cast %get3A_245 : vector<1x16xf32> to vector<16xf32>
        %mul3A_247 = arith.mulf %get3A_246, %gather3A_238 : vector<16xf32>
        %swap3A_248 = arith.index_cast %add3A_242 : i32 to index
        %swap3A_249 = arith.constant 0 : index
        %swap3A_250 = tpu.vector_load %arg19[%swap3A_248, %swap3A_249] {strides = array<i32>} : memref<640x16xf32, #tpu.memory_space<vmem>>, vector<1x16xf32>,
        %swap3A_251 = vector.shape_cast %swap3A_250 : vector<1x16xf32> to vector<16xf32>
        %swap3A_252 = vector.shape_cast %mul3A_247 : vector<16xf32> to vector<1x16xf32>
        tpu.vector_store %arg19[%swap3A_248, %swap3A_249], %swap3A_252 {strides = array<i32>} : memref<640x16xf32, #tpu.memory_space<vmem>>, vector<1x16xf32>,
        %broadcast_in_dim3A_253 = arith.constant 7 : i32
        %broadcast_in_dim3A_254 = vector.broadcast %broadcast_in_dim3A_253 : i32 to vector<16x1xi32>
        %gather3A_255 = vector.shape_cast %broadcast_in_dim3A_254 : vector<16x1xi32> to vector<16xi32>
        %gather3A_256 = tpu.dynamic_gather %get3A_129[%gather3A_255] in [0] : vector<16xf32>, vector<16xi32> -> vector<16xf32>
        %mul3A_257 = arith.constant 16 : i32
        %mul3A_258 = arith.muli %scan3A_124, %mul3A_257 : i32
        %add3A_259 = arith.constant 7 : i32
        %add3A_260 = arith.addi %mul3A_258, %add3A_259 : i32
        %get3A_261 = arith.index_cast %add3A_260 : i32 to index
        %get3A_262 = arith.constant 0 : index
        %get3A_263 = tpu.vector_load %arg19[%get3A_261, %get3A_262] {strides = array<i32>} : memref<640x16xf32, #tpu.memory_space<vmem>>, vector<1x16xf32>,
        %get3A_264 = vector.shape_cast %get3A_263 : vector<1x16xf32> to vector<16xf32>
        %mul3A_265 = arith.mulf %get3A_264, %gather3A_256 : vector<16xf32>
        %swap3A_266 = arith.index_cast %add3A_260 : i32 to index
        %swap3A_267 = arith.constant 0 : index
        %swap3A_268 = tpu.vector_load %arg19[%swap3A_266, %swap3A_267] {strides = array<i32>} : memref<640x16xf32, #tpu.memory_space<vmem>>, vector<1x16xf32>,
        %swap3A_269 = vector.shape_cast %swap3A_268 : vector<1x16xf32> to vector<16xf32>
        %swap3A_270 = vector.shape_cast %mul3A_265 : vector<16xf32> to vector<1x16xf32>
        tpu.vector_store %arg19[%swap3A_266, %swap3A_267], %swap3A_270 {strides = array<i32>} : memref<640x16xf32, #tpu.memory_space<vmem>>, vector<1x16xf32>,
        %broadcast_in_dim3A_271 = arith.constant 8 : i32
        %broadcast_in_dim3A_272 = vector.broadcast %broadcast_in_dim3A_271 : i32 to vector<16x1xi32>
        %gather3A_273 = vector.shape_cast %broadcast_in_dim3A_272 : vector<16x1xi32> to vector<16xi32>
        %gather3A_274 = tpu.dynamic_gather %get3A_129[%gather3A_273] in [0] : vector<16xf32>, vector<16xi32> -> vector<16xf32>
        %mul3A_275 = arith.constant 16 : i32
        %mul3A_276 = arith.muli %scan3A_124, %mul3A_275 : i32
        %add3A_277 = arith.constant 8 : i32
        %add3A_278 = arith.addi %mul3A_276, %add3A_277 : i32
        %get3A_279 = arith.index_cast %add3A_278 : i32 to index
        %get3A_280 = arith.constant 0 : index
        %get3A_281 = tpu.vector_load %arg19[%get3A_279, %get3A_280] {strides = array<i32>} : memref<640x16xf32, #tpu.memory_space<vmem>>, vector<1x16xf32>,
        %get3A_282 = vector.shape_cast %get3A_281 : vector<1x16xf32> to vector<16xf32>
        %mul3A_283 = arith.mulf %get3A_282, %gather3A_274 : vector<16xf32>
        %swap3A_284 = arith.index_cast %add3A_278 : i32 to index
        %swap3A_285 = arith.constant 0 : index
        %swap3A_286 = tpu.vector_load %arg19[%swap3A_284, %swap3A_285] {strides = array<i32>} : memref<640x16xf32, #tpu.memory_space<vmem>>, vector<1x16xf32>,
        %swap3A_287 = vector.shape_cast %swap3A_286 : vector<1x16xf32> to vector<16xf32>
        %swap3A_288 = vector.shape_cast %mul3A_283 : vector<16xf32> to vector<1x16xf32>
        tpu.vector_store %arg19[%swap3A_284, %swap3A_285], %swap3A_288 {strides = array<i32>} : memref<640x16xf32, #tpu.memory_space<vmem>>, vector<1x16xf32>,
        %broadcast_in_dim3A_289 = arith.constant 9 : i32
        %broadcast_in_dim3A_290 = vector.broadcast %broadcast_in_dim3A_289 : i32 to vector<16x1xi32>
        %gather3A_291 = vector.shape_cast %broadcast_in_dim3A_290 : vector<16x1xi32> to vector<16xi32>
        %gather3A_292 = tpu.dynamic_gather %get3A_129[%gather3A_291] in [0] : vector<16xf32>, vector<16xi32> -> vector<16xf32>
        %mul3A_293 = arith.constant 16 : i32
        %mul3A_294 = arith.muli %scan3A_124, %mul3A_293 : i32
        %add3A_295 = arith.constant 9 : i32
        %add3A_296 = arith.addi %mul3A_294, %add3A_295 : i32
        %get3A_297 = arith.index_cast %add3A_296 : i32 to index
        %get3A_298 = arith.constant 0 : index
        %get3A_299 = tpu.vector_load %arg19[%get3A_297, %get3A_298] {strides = array<i32>} : memref<640x16xf32, #tpu.memory_space<vmem>>, vector<1x16xf32>,
        %get3A_300 = vector.shape_cast %get3A_299 : vector<1x16xf32> to vector<16xf32>
        %mul3A_301 = arith.mulf %get3A_300, %gather3A_292 : vector<16xf32>
        %swap3A_302 = arith.index_cast %add3A_296 : i32 to index
        %swap3A_303 = arith.constant 0 : index
        %swap3A_304 = tpu.vector_load %arg19[%swap3A_302, %swap3A_303] {strides = array<i32>} : memref<640x16xf32, #tpu.memory_space<vmem>>, vector<1x16xf32>,
        %swap3A_305 = vector.shape_cast %swap3A_304 : vector<1x16xf32> to vector<16xf32>
        %swap3A_306 = vector.shape_cast %mul3A_301 : vector<16xf32> to vector<1x16xf32>
        tpu.vector_store %arg19[%swap3A_302, %swap3A_303], %swap3A_306 {strides = array<i32>} : memref<640x16xf32, #tpu.memory_space<vmem>>, vector<1x16xf32>,
        %broadcast_in_dim3A_307 = arith.constant 10 : i32
        %broadcast_in_dim3A_308 = vector.broadcast %broadcast_in_dim3A_307 : i32 to vector<16x1xi32>
        %gather3A_309 = vector.shape_cast %broadcast_in_dim3A_308 : vector<16x1xi32> to vector<16xi32>
        %gather3A_310 = tpu.dynamic_gather %get3A_129[%gather3A_309] in [0] : vector<16xf32>, vector<16xi32> -> vector<16xf32>
        %mul3A_311 = arith.constant 16 : i32
        %mul3A_312 = arith.muli %scan3A_124, %mul3A_311 : i32
        %add3A_313 = arith.constant 10 : i32
        %add3A_314 = arith.addi %mul3A_312, %add3A_313 : i32
        %get3A_315 = arith.index_cast %add3A_314 : i32 to index
        %get3A_316 = arith.constant 0 : index
        %get3A_317 = tpu.vector_load %arg19[%get3A_315, %get3A_316] {strides = array<i32>} : memref<640x16xf32, #tpu.memory_space<vmem>>, vector<1x16xf32>,
        %get3A_318 = vector.shape_cast %get3A_317 : vector<1x16xf32> to vector<16xf32>
        %mul3A_319 = arith.mulf %get3A_318, %gather3A_310 : vector<16xf32>
        %swap3A_320 = arith.index_cast %add3A_314 : i32 to index
        %swap3A_321 = arith.constant 0 : index
        %swap3A_322 = tpu.vector_load %arg19[%swap3A_320, %swap3A_321] {strides = array<i32>} : memref<640x16xf32, #tpu.memory_space<vmem>>, vector<1x16xf32>,
        %swap3A_323 = vector.shape_cast %swap3A_322 : vector<1x16xf32> to vector<16xf32>
        %swap3A_324 = vector.shape_cast %mul3A_319 : vector<16xf32> to vector<1x16xf32>
        tpu.vector_store %arg19[%swap3A_320, %swap3A_321], %swap3A_324 {strides = array<i32>} : memref<640x16xf32, #tpu.memory_space<vmem>>, vector<1x16xf32>,
        %broadcast_in_dim3A_325 = arith.constant 11 : i32
        %broadcast_in_dim3A_326 = vector.broadcast %broadcast_in_dim3A_325 : i32 to vector<16x1xi32>
        %gather3A_327 = vector.shape_cast %broadcast_in_dim3A_326 : vector<16x1xi32> to vector<16xi32>
        %gather3A_328 = tpu.dynamic_gather %get3A_129[%gather3A_327] in [0] : vector<16xf32>, vector<16xi32> -> vector<16xf32>
        %mul3A_329 = arith.constant 16 : i32
        %mul3A_330 = arith.muli %scan3A_124, %mul3A_329 : i32
        %add3A_331 = arith.constant 11 : i32
        %add3A_332 = arith.addi %mul3A_330, %add3A_331 : i32
        %get3A_333 = arith.index_cast %add3A_332 : i32 to index
        %get3A_334 = arith.constant 0 : index
        %get3A_335 = tpu.vector_load %arg19[%get3A_333, %get3A_334] {strides = array<i32>} : memref<640x16xf32, #tpu.memory_space<vmem>>, vector<1x16xf32>,
        %get3A_336 = vector.shape_cast %get3A_335 : vector<1x16xf32> to vector<16xf32>
        %mul3A_337 = arith.mulf %get3A_336, %gather3A_328 : vector<16xf32>
        %swap3A_338 = arith.index_cast %add3A_332 : i32 to index
        %swap3A_339 = arith.constant 0 : index
        %swap3A_340 = tpu.vector_load %arg19[%swap3A_338, %swap3A_339] {strides = array<i32>} : memref<640x16xf32, #tpu.memory_space<vmem>>, vector<1x16xf32>,
        %swap3A_341 = vector.shape_cast %swap3A_340 : vector<1x16xf32> to vector<16xf32>
        %swap3A_342 = vector.shape_cast %mul3A_337 : vector<16xf32> to vector<1x16xf32>
        tpu.vector_store %arg19[%swap3A_338, %swap3A_339], %swap3A_342 {strides = array<i32>} : memref<640x16xf32, #tpu.memory_space<vmem>>, vector<1x16xf32>,
        %broadcast_in_dim3A_343 = arith.constant 12 : i32
        %broadcast_in_dim3A_344 = vector.broadcast %broadcast_in_dim3A_343 : i32 to vector<16x1xi32>
        %gather3A_345 = vector.shape_cast %broadcast_in_dim3A_344 : vector<16x1xi32> to vector<16xi32>
        %gather3A_346 = tpu.dynamic_gather %get3A_129[%gather3A_345] in [0] : vector<16xf32>, vector<16xi32> -> vector<16xf32>
        %mul3A_347 = arith.constant 16 : i32
        %mul3A_348 = arith.muli %scan3A_124, %mul3A_347 : i32
        %add3A_349 = arith.constant 12 : i32
        %add3A_350 = arith.addi %mul3A_348, %add3A_349 : i32
        %get3A_351 = arith.index_cast %add3A_350 : i32 to index
        %get3A_352 = arith.constant 0 : index
        %get3A_353 = tpu.vector_load %arg19[%get3A_351, %get3A_352] {strides = array<i32>} : memref<640x16xf32, #tpu.memory_space<vmem>>, vector<1x16xf32>,
        %get3A_354 = vector.shape_cast %get3A_353 : vector<1x16xf32> to vector<16xf32>
        %mul3A_355 = arith.mulf %get3A_354, %gather3A_346 : vector<16xf32>
        %swap3A_356 = arith.index_cast %add3A_350 : i32 to index
        %swap3A_357 = arith.constant 0 : index
        %swap3A_358 = tpu.vector_load %arg19[%swap3A_356, %swap3A_357] {strides = array<i32>} : memref<640x16xf32, #tpu.memory_space<vmem>>, vector<1x16xf32>,
        %swap3A_359 = vector.shape_cast %swap3A_358 : vector<1x16xf32> to vector<16xf32>
        %swap3A_360 = vector.shape_cast %mul3A_355 : vector<16xf32> to vector<1x16xf32>
        tpu.vector_store %arg19[%swap3A_356, %swap3A_357], %swap3A_360 {strides = array<i32>} : memref<640x16xf32, #tpu.memory_space<vmem>>, vector<1x16xf32>,
        %broadcast_in_dim3A_361 = arith.constant 13 : i32
        %broadcast_in_dim3A_362 = vector.broadcast %broadcast_in_dim3A_361 : i32 to vector<16x1xi32>
        %gather3A_363 = vector.shape_cast %broadcast_in_dim3A_362 : vector<16x1xi32> to vector<16xi32>
        %gather3A_364 = tpu.dynamic_gather %get3A_129[%gather3A_363] in [0] : vector<16xf32>, vector<16xi32> -> vector<16xf32>
        %mul3A_365 = arith.constant 16 : i32
        %mul3A_366 = arith.muli %scan3A_124, %mul3A_365 : i32
        %add3A_367 = arith.constant 13 : i32
        %add3A_368 = arith.addi %mul3A_366, %add3A_367 : i32
        %get3A_369 = arith.index_cast %add3A_368 : i32 to index
        %get3A_370 = arith.constant 0 : index
        %get3A_371 = tpu.vector_load %arg19[%get3A_369, %get3A_370] {strides = array<i32>} : memref<640x16xf32, #tpu.memory_space<vmem>>, vector<1x16xf32>,
        %get3A_372 = vector.shape_cast %get3A_371 : vector<1x16xf32> to vector<16xf32>
        %mul3A_373 = arith.mulf %get3A_372, %gather3A_364 : vector<16xf32>
        %swap3A_374 = arith.index_cast %add3A_368 : i32 to index
        %swap3A_375 = arith.constant 0 : index
        %swap3A_376 = tpu.vector_load %arg19[%swap3A_374, %swap3A_375] {strides = array<i32>} : memref<640x16xf32, #tpu.memory_space<vmem>>, vector<1x16xf32>,
        %swap3A_377 = vector.shape_cast %swap3A_376 : vector<1x16xf32> to vector<16xf32>
        %swap3A_378 = vector.shape_cast %mul3A_373 : vector<16xf32> to vector<1x16xf32>
        tpu.vector_store %arg19[%swap3A_374, %swap3A_375], %swap3A_378 {strides = array<i32>} : memref<640x16xf32, #tpu.memory_space<vmem>>, vector<1x16xf32>,
        %broadcast_in_dim3A_379 = arith.constant 14 : i32
        %broadcast_in_dim3A_380 = vector.broadcast %broadcast_in_dim3A_379 : i32 to vector<16x1xi32>
        %gather3A_381 = vector.shape_cast %broadcast_in_dim3A_380 : vector<16x1xi32> to vector<16xi32>
        %gather3A_382 = tpu.dynamic_gather %get3A_129[%gather3A_381] in [0] : vector<16xf32>, vector<16xi32> -> vector<16xf32>
        %mul3A_383 = arith.constant 16 : i32
        %mul3A_384 = arith.muli %scan3A_124, %mul3A_383 : i32
        %add3A_385 = arith.constant 14 : i32
        %add3A_386 = arith.addi %mul3A_384, %add3A_385 : i32
        %get3A_387 = arith.index_cast %add3A_386 : i32 to index
        %get3A_388 = arith.constant 0 : index
        %get3A_389 = tpu.vector_load %arg19[%get3A_387, %get3A_388] {strides = array<i32>} : memref<640x16xf32, #tpu.memory_space<vmem>>, vector<1x16xf32>,
        %get3A_390 = vector.shape_cast %get3A_389 : vector<1x16xf32> to vector<16xf32>
        %mul3A_391 = arith.mulf %get3A_390, %gather3A_382 : vector<16xf32>
        %swap3A_392 = arith.index_cast %add3A_386 : i32 to index
        %swap3A_393 = arith.constant 0 : index
        %swap3A_394 = tpu.vector_load %arg19[%swap3A_392, %swap3A_393] {strides = array<i32>} : memref<640x16xf32, #tpu.memory_space<vmem>>, vector<1x16xf32>,
        %swap3A_395 = vector.shape_cast %swap3A_394 : vector<1x16xf32> to vector<16xf32>
        %swap3A_396 = vector.shape_cast %mul3A_391 : vector<16xf32> to vector<1x16xf32>
        tpu.vector_store %arg19[%swap3A_392, %swap3A_393], %swap3A_396 {strides = array<i32>} : memref<640x16xf32, #tpu.memory_space<vmem>>, vector<1x16xf32>,
        %broadcast_in_dim3A_397 = arith.constant 15 : i32
        %broadcast_in_dim3A_398 = vector.broadcast %broadcast_in_dim3A_397 : i32 to vector<16x1xi32>
        %gather3A_399 = vector.shape_cast %broadcast_in_dim3A_398 : vector<16x1xi32> to vector<16xi32>
        %gather3A_400 = tpu.dynamic_gather %get3A_129[%gather3A_399] in [0] : vector<16xf32>, vector<16xi32> -> vector<16xf32>
        %mul3A_401 = arith.constant 16 : i32
        %mul3A_402 = arith.muli %scan3A_124, %mul3A_401 : i32
        %add3A_403 = arith.constant 15 : i32
        %add3A_404 = arith.addi %mul3A_402, %add3A_403 : i32
        %get3A_405 = arith.index_cast %add3A_404 : i32 to index
        %get3A_406 = arith.constant 0 : index
        %get3A_407 = tpu.vector_load %arg19[%get3A_405, %get3A_406] {strides = array<i32>} : memref<640x16xf32, #tpu.memory_space<vmem>>, vector<1x16xf32>,
        %get3A_408 = vector.shape_cast %get3A_407 : vector<1x16xf32> to vector<16xf32>
        %mul3A_409 = arith.mulf %get3A_408, %gather3A_400 : vector<16xf32>
        %swap3A_410 = arith.index_cast %add3A_404 : i32 to index
        %swap3A_411 = arith.constant 0 : index
        %swap3A_412 = tpu.vector_load %arg19[%swap3A_410, %swap3A_411] {strides = array<i32>} : memref<640x16xf32, #tpu.memory_space<vmem>>, vector<1x16xf32>,
        %swap3A_413 = vector.shape_cast %swap3A_412 : vector<1x16xf32> to vector<16xf32>
        %swap3A_414 = vector.shape_cast %mul3A_409 : vector<16xf32> to vector<1x16xf32>
        tpu.vector_store %arg19[%swap3A_410, %swap3A_411], %swap3A_414 {strides = array<i32>} : memref<640x16xf32, #tpu.memory_space<vmem>>, vector<1x16xf32>,
        %scan3A_415 = arith.constant 0 : i32
        scf.yield %scan3A_415 : i32
      }
      %scan3A_118 = arith.constant 25 : i32
      "tpu.region"() ({
        %run_scoped3A = tpu.sem_alloc : memref<!tpu.dma_semaphore, #tpu.memory_space<semaphore_mem>>
        %dma_start3A_124 = arith.constant 0 : i32
        %dma_start3A_125 = arith.constant 0 : i32
        %dma_start3A_126 = tpu.memref_slice %arg19[%dma_start3A_124, %dma_start3A_125] : memref<640x16xf32, #tpu.memory_space<vmem>> -> memref<400x16xf32, #tpu.memory_space<vmem>>
        %dma_start3A_127 = arith.constant 9600 : i32
        %dma_start3A_128 = arith.constant 0 : i32
        %dma_start3A_129 = tpu.memref_slice %arg22[%dma_start3A_127, %dma_start3A_128] : memref<10000x16xf32, #tpu.memory_space<vmem_shared>> -> memref<400x16xf32, #tpu.memory_space<vmem_shared>>
        %dma_start3A_130 = arith.constant 9600 : i32
        %dma_start3A_131 = arith.constant 0 : i32
        %dma_start3A_132 = tpu.memref_slice %arg22[%dma_start3A_130, %dma_start3A_131] : memref<10000x16xf32, #tpu.memory_space<vmem_shared>> -> memref<400x16xf32, #tpu.memory_space<vmem_shared>>
        %dma_start3A_133 = arith.constant 0 : i32
        %dma_start3A_134 = arith.constant 0 : i32
        %dma_start3A_135 = tpu.memref_slice %arg19[%dma_start3A_133, %dma_start3A_134] : memref<640x16xf32, #tpu.memory_space<vmem>> -> memref<400x16xf32, #tpu.memory_space<vmem>>
        tpu.enqueue_dma source(%dma_start3A_135 : memref<400x16xf32, #tpu.memory_space<vmem>>) target(%dma_start3A_132 : memref<400x16xf32, #tpu.memory_space<vmem_shared>>) target_semaphore(%run_scoped3A : memref<!tpu.dma_semaphore, #tpu.memory_space<semaphore_mem>>)
        %dma_wait3A_136 = arith.constant 0 : i32
        %dma_wait3A_137 = arith.constant 0 : i32
        %dma_wait3A_138 = tpu.memref_slice %arg19[%dma_wait3A_136, %dma_wait3A_137] : memref<640x16xf32, #tpu.memory_space<vmem>> -> memref<400x16xf32, #tpu.memory_space<vmem>>
        %dma_wait3A_139 = arith.constant 9600 : i32
        %dma_wait3A_140 = arith.constant 0 : i32
        %dma_wait3A_141 = tpu.memref_slice %arg22[%dma_wait3A_139, %dma_wait3A_140] : memref<10000x16xf32, #tpu.memory_space<vmem_shared>> -> memref<400x16xf32, #tpu.memory_space<vmem_shared>>
        %dma_wait3A_142 = arith.constant 9600 : i32
        %dma_wait3A_143 = arith.constant 0 : i32
        %dma_wait3A_144 = tpu.memref_slice %arg22[%dma_wait3A_142, %dma_wait3A_143] : memref<10000x16xf32, #tpu.memory_space<vmem_shared>> -> memref<400x16xf32, #tpu.memory_space<vmem_shared>>
        %dma_wait3A_145 = arith.constant 0 : i32
        %dma_wait3A_146 = arith.constant 0 : i32
        %dma_wait3A_147 = tpu.memref_slice %arg19[%dma_wait3A_145, %dma_wait3A_146] : memref<640x16xf32, #tpu.memory_space<vmem>> -> memref<400x16xf32, #tpu.memory_space<vmem>>
        tpu.wait_dma2 semaphore(%run_scoped3A : memref<!tpu.dma_semaphore, #tpu.memory_space<semaphore_mem>>) src(%dma_wait3A_147 : memref<400x16xf32, #tpu.memory_space<vmem>>) dst(%dma_wait3A_144 : memref<400x16xf32, #tpu.memory_space<vmem_shared>>)
        tpu.yield
      }) : () -> ()
      %eq3A_119 = arith.constant 0 : i32
      %eq3A_120 = arith.cmpi eq, %arg0, %eq3A_119 : i32
      %convert_element_type3A_121 = arith.extui %eq3A_120 : i1 to i32
      %cond3A_122 = arith.constant 0 : i32
      %cond3A_123 = arith.cmpi ne, %convert_element_type3A_121, %cond3A_122 : i32
      scf.if %cond3A_123 {
        "tpu.region"() ({
          %run_scoped3A = tpu.sem_alloc : memref<!tpu.dma_semaphore, #tpu.memory_space<semaphore_mem>>
          %dma_start3A_124 = arith.constant 0 : i32
          %dma_start3A_125 = arith.constant 0 : i32
          %dma_start3A_126 = tpu.memref_slice %arg19[%dma_start3A_124, %dma_start3A_125] : memref<640x16xf32, #tpu.memory_space<vmem>> -> memref<400x16xf32, #tpu.memory_space<vmem>>
          %dma_start3A_127 = arith.constant 9600 : i32
          %dma_start3A_128 = arith.constant 0 : i32
          %dma_start3A_129 = tpu.memref_slice %arg6[%dma_start3A_127, %dma_start3A_128] : memref<10000x16xf32, #tpu.memory_space<hbm>> -> memref<400x16xf32, #tpu.memory_space<hbm>>
          %dma_start3A_130 = arith.constant 9600 : i32
          %dma_start3A_131 = arith.constant 0 : i32
          %dma_start3A_132 = tpu.memref_slice %arg6[%dma_start3A_130, %dma_start3A_131] : memref<10000x16xf32, #tpu.memory_space<hbm>> -> memref<400x16xf32, #tpu.memory_space<hbm>>
          %dma_start3A_133 = arith.constant 0 : i32
          %dma_start3A_134 = arith.constant 0 : i32
          %dma_start3A_135 = tpu.memref_slice %arg19[%dma_start3A_133, %dma_start3A_134] : memref<640x16xf32, #tpu.memory_space<vmem>> -> memref<400x16xf32, #tpu.memory_space<vmem>>
          tpu.enqueue_dma source(%dma_start3A_135 : memref<400x16xf32, #tpu.memory_space<vmem>>) target(%dma_start3A_132 : memref<400x16xf32, #tpu.memory_space<hbm>>) target_semaphore(%run_scoped3A : memref<!tpu.dma_semaphore, #tpu.memory_space<semaphore_mem>>)
          %dma_wait3A_136 = arith.constant 0 : i32
          %dma_wait3A_137 = arith.constant 0 : i32
          %dma_wait3A_138 = tpu.memref_slice %arg19[%dma_wait3A_136, %dma_wait3A_137] : memref<640x16xf32, #tpu.memory_space<vmem>> -> memref<400x16xf32, #tpu.memory_space<vmem>>
          %dma_wait3A_139 = arith.constant 9600 : i32
          %dma_wait3A_140 = arith.constant 0 : i32
          %dma_wait3A_141 = tpu.memref_slice %arg6[%dma_wait3A_139, %dma_wait3A_140] : memref<10000x16xf32, #tpu.memory_space<hbm>> -> memref<400x16xf32, #tpu.memory_space<hbm>>
          %dma_wait3A_142 = arith.constant 9600 : i32
          %dma_wait3A_143 = arith.constant 0 : i32
          %dma_wait3A_144 = tpu.memref_slice %arg6[%dma_wait3A_142, %dma_wait3A_143] : memref<10000x16xf32, #tpu.memory_space<hbm>> -> memref<400x16xf32, #tpu.memory_space<hbm>>
          %dma_wait3A_145 = arith.constant 0 : i32
          %dma_wait3A_146 = arith.constant 0 : i32
          %dma_wait3A_147 = tpu.memref_slice %arg19[%dma_wait3A_145, %dma_wait3A_146] : memref<640x16xf32, #tpu.memory_space<vmem>> -> memref<400x16xf32, #tpu.memory_space<vmem>>
          tpu.wait_dma2 semaphore(%run_scoped3A : memref<!tpu.dma_semaphore, #tpu.memory_space<semaphore_mem>>) src(%dma_wait3A_147 : memref<400x16xf32, #tpu.memory_space<vmem>>) dst(%dma_wait3A_144 : memref<400x16xf32, #tpu.memory_space<hbm>>)
          tpu.yield
        }) : () -> ()
        "tpu.region"() ({
          %run_scoped3A = tpu.sem_alloc : memref<!tpu.dma_semaphore, #tpu.memory_space<semaphore_mem>>
          %dma_start3A_124 = arith.constant 0 : i32
          %dma_start3A_125 = tpu.memref_slice %arg18[%dma_start3A_124] : memref<640xf32, #tpu.memory_space<vmem>> -> memref<400xf32, #tpu.memory_space<vmem>>
          %dma_start3A_126 = arith.constant 9600 : i32
          %dma_start3A_127 = tpu.memref_slice %arg7[%dma_start3A_126] : memref<10000xf32, #tpu.memory_space<hbm>> -> memref<400xf32, #tpu.memory_space<hbm>>
          %dma_start3A_128 = arith.constant 9600 : i32
          %dma_start3A_129 = tpu.memref_slice %arg7[%dma_start3A_128] : memref<10000xf32, #tpu.memory_space<hbm>> -> memref<400xf32, #tpu.memory_space<hbm>>
          %dma_start3A_130 = arith.constant 0 : i32
          %dma_start3A_131 = tpu.memref_slice %arg18[%dma_start3A_130] : memref<640xf32, #tpu.memory_space<vmem>> -> memref<400xf32, #tpu.memory_space<vmem>>
          tpu.enqueue_dma source(%dma_start3A_131 : memref<400xf32, #tpu.memory_space<vmem>>) target(%dma_start3A_129 : memref<400xf32, #tpu.memory_space<hbm>>) target_semaphore(%run_scoped3A : memref<!tpu.dma_semaphore, #tpu.memory_space<semaphore_mem>>)
          %dma_wait3A_132 = arith.constant 0 : i32
          %dma_wait3A_133 = tpu.memref_slice %arg18[%dma_wait3A_132] : memref<640xf32, #tpu.memory_space<vmem>> -> memref<400xf32, #tpu.memory_space<vmem>>
          %dma_wait3A_134 = arith.constant 9600 : i32
          %dma_wait3A_135 = tpu.memref_slice %arg7[%dma_wait3A_134] : memref<10000xf32, #tpu.memory_space<hbm>> -> memref<400xf32, #tpu.memory_space<hbm>>
          %dma_wait3A_136 = arith.constant 9600 : i32
          %dma_wait3A_137 = tpu.memref_slice %arg7[%dma_wait3A_136] : memref<10000xf32, #tpu.memory_space<hbm>> -> memref<400xf32, #tpu.memory_space<hbm>>
          %dma_wait3A_138 = arith.constant 0 : i32
          %dma_wait3A_139 = tpu.memref_slice %arg18[%dma_wait3A_138] : memref<640xf32, #tpu.memory_space<vmem>> -> memref<400xf32, #tpu.memory_space<vmem>>
          tpu.wait_dma2 semaphore(%run_scoped3A : memref<!tpu.dma_semaphore, #tpu.memory_space<semaphore_mem>>) src(%dma_wait3A_139 : memref<400xf32, #tpu.memory_space<vmem>>) dst(%dma_wait3A_137 : memref<400xf32, #tpu.memory_space<hbm>>)
          tpu.yield
        }) : () -> ()
      } else {
      }
    } else {
    }
    %barrier3A_40 = arith.constant 0 : index
    tpu.barrier barrier_id(%barrier3A_40)
    %mul3A_41 = arith.constant 10000 : i32
    %mul3A_42 = arith.muli %add3A, %mul3A_41 : i32
    %add3A_43 = arith.constant 0 : i32
    %add3A_44 = arith.addi %mul3A_42, %add3A_43 : i32
    %multiple_of3A_45 = tpu.assume_multiple %add3A_44, 8 : i32
    "tpu.region"() ({
      %run_scoped3A = tpu.sem_alloc : memref<!tpu.dma_semaphore, #tpu.memory_space<semaphore_mem>>
      %dma_start3A_105 = tpu.memref_slice %arg3[%multiple_of3A_45] : memref<320000xi32, #tpu.memory_space<hbm>> -> memref<2000xi32, #tpu.memory_space<hbm>>
      %dma_start3A_106 = tpu.memref_slice %arg3[%multiple_of3A_45] : memref<320000xi32, #tpu.memory_space<hbm>> -> memref<2000xi32, #tpu.memory_space<hbm>>
      tpu.enqueue_dma source(%dma_start3A_106 : memref<2000xi32, #tpu.memory_space<hbm>>) target(%arg8 : memref<2000xi32, #tpu.memory_space<vmem>>) target_semaphore(%run_scoped3A : memref<!tpu.dma_semaphore, #tpu.memory_space<semaphore_mem>>)
      %dma_wait3A_107 = tpu.memref_slice %arg3[%multiple_of3A_45] : memref<320000xi32, #tpu.memory_space<hbm>> -> memref<2000xi32, #tpu.memory_space<hbm>>
      %dma_wait3A_108 = tpu.memref_slice %arg3[%multiple_of3A_45] : memref<320000xi32, #tpu.memory_space<hbm>> -> memref<2000xi32, #tpu.memory_space<hbm>>
      tpu.wait_dma2 semaphore(%run_scoped3A : memref<!tpu.dma_semaphore, #tpu.memory_space<semaphore_mem>>) src(%dma_wait3A_108 : memref<2000xi32, #tpu.memory_space<hbm>>) dst(%arg8 : memref<2000xi32, #tpu.memory_space<vmem>>)
      tpu.yield
    }) : () -> ()
    "tpu.region"() ({
      %run_scoped3A = tpu.sem_alloc : memref<!tpu.dma_semaphore, #tpu.memory_space<semaphore_mem>>
      %dma_start3A_105 = tpu.memref_slice %arg4[%multiple_of3A_45] : memref<320000xi32, #tpu.memory_space<hbm>> -> memref<2000xi32, #tpu.memory_space<hbm>>
      %dma_start3A_106 = tpu.memref_slice %arg4[%multiple_of3A_45] : memref<320000xi32, #tpu.memory_space<hbm>> -> memref<2000xi32, #tpu.memory_space<hbm>>
      tpu.enqueue_dma source(%dma_start3A_106 : memref<2000xi32, #tpu.memory_space<hbm>>) target(%arg9 : memref<2000xi32, #tpu.memory_space<vmem>>) target_semaphore(%run_scoped3A : memref<!tpu.dma_semaphore, #tpu.memory_space<semaphore_mem>>)
      %dma_wait3A_107 = tpu.memref_slice %arg4[%multiple_of3A_45] : memref<320000xi32, #tpu.memory_space<hbm>> -> memref<2000xi32, #tpu.memory_space<hbm>>
      %dma_wait3A_108 = tpu.memref_slice %arg4[%multiple_of3A_45] : memref<320000xi32, #tpu.memory_space<hbm>> -> memref<2000xi32, #tpu.memory_space<hbm>>
      tpu.wait_dma2 semaphore(%run_scoped3A : memref<!tpu.dma_semaphore, #tpu.memory_space<semaphore_mem>>) src(%dma_wait3A_108 : memref<2000xi32, #tpu.memory_space<hbm>>) dst(%arg9 : memref<2000xi32, #tpu.memory_space<vmem>>)
      tpu.yield
    }) : () -> ()
    %dma_start3A = arith.constant 0 : i32
    %dma_start3A_46 = arith.constant 0 : i32
    %dma_start3A_47 = tpu.memref_slice %arg22[%dma_start3A, %dma_start3A_46] : memref<10000x16xf32, #tpu.memory_space<vmem_shared>> -> memref<10000x16xf32, #tpu.memory_space<vmem_shared>>
    tpu.enqueue_indirect_dma source(%dma_start3A_47 : memref<10000x16xf32, #tpu.memory_space<vmem_shared>>) target(%arg10 : memref<2000x16xf32, #tpu.memory_space<vmem>>) offsets(%arg8 : memref<2000xi32, #tpu.memory_space<vmem>>) semaphore(%arg24 : memref<!tpu.dma_semaphore, #tpu.memory_space<semaphore_mem>>)
    %dma_wait3A = arith.constant 0 : i32
    %dma_wait3A_48 = arith.constant 0 : i32
    %dma_wait3A_49 = tpu.memref_slice %arg22[%dma_wait3A, %dma_wait3A_48] : memref<10000x16xf32, #tpu.memory_space<vmem_shared>> -> memref<10000x16xf32, #tpu.memory_space<vmem_shared>>
    tpu.wait_indirect_dma semaphore(%arg24 : memref<!tpu.dma_semaphore, #tpu.memory_space<semaphore_mem>>) src(%dma_wait3A_49 : memref<10000x16xf32, #tpu.memory_space<vmem_shared>>) dst(%arg10 : memref<2000x16xf32, #tpu.memory_space<vmem>>)
    %mul3A_50 = arith.constant 10000 : i32
    %mul3A_51 = arith.muli %add3A, %mul3A_50 : i32
    %add3A_52 = arith.constant 2000 : i32
    %add3A_53 = arith.addi %mul3A_51, %add3A_52 : i32
    %multiple_of3A_54 = tpu.assume_multiple %add3A_53, 8 : i32
    "tpu.region"() ({
      %run_scoped3A = tpu.sem_alloc : memref<!tpu.dma_semaphore, #tpu.memory_space<semaphore_mem>>
      %dma_start3A_105 = tpu.memref_slice %arg3[%multiple_of3A_54] : memref<320000xi32, #tpu.memory_space<hbm>> -> memref<2000xi32, #tpu.memory_space<hbm>>
      %dma_start3A_106 = tpu.memref_slice %arg3[%multiple_of3A_54] : memref<320000xi32, #tpu.memory_space<hbm>> -> memref<2000xi32, #tpu.memory_space<hbm>>
      tpu.enqueue_dma source(%dma_start3A_106 : memref<2000xi32, #tpu.memory_space<hbm>>) target(%arg11 : memref<2000xi32, #tpu.memory_space<vmem>>) target_semaphore(%run_scoped3A : memref<!tpu.dma_semaphore, #tpu.memory_space<semaphore_mem>>)
      %dma_wait3A_107 = tpu.memref_slice %arg3[%multiple_of3A_54] : memref<320000xi32, #tpu.memory_space<hbm>> -> memref<2000xi32, #tpu.memory_space<hbm>>
      %dma_wait3A_108 = tpu.memref_slice %arg3[%multiple_of3A_54] : memref<320000xi32, #tpu.memory_space<hbm>> -> memref<2000xi32, #tpu.memory_space<hbm>>
      tpu.wait_dma2 semaphore(%run_scoped3A : memref<!tpu.dma_semaphore, #tpu.memory_space<semaphore_mem>>) src(%dma_wait3A_108 : memref<2000xi32, #tpu.memory_space<hbm>>) dst(%arg11 : memref<2000xi32, #tpu.memory_space<vmem>>)
      tpu.yield
    }) : () -> ()
    "tpu.region"() ({
      %run_scoped3A = tpu.sem_alloc : memref<!tpu.dma_semaphore, #tpu.memory_space<semaphore_mem>>
      %dma_start3A_105 = tpu.memref_slice %arg4[%multiple_of3A_54] : memref<320000xi32, #tpu.memory_space<hbm>> -> memref<2000xi32, #tpu.memory_space<hbm>>
      %dma_start3A_106 = tpu.memref_slice %arg4[%multiple_of3A_54] : memref<320000xi32, #tpu.memory_space<hbm>> -> memref<2000xi32, #tpu.memory_space<hbm>>
      tpu.enqueue_dma source(%dma_start3A_106 : memref<2000xi32, #tpu.memory_space<hbm>>) target(%arg12 : memref<2000xi32, #tpu.memory_space<vmem>>) target_semaphore(%run_scoped3A : memref<!tpu.dma_semaphore, #tpu.memory_space<semaphore_mem>>)
      %dma_wait3A_107 = tpu.memref_slice %arg4[%multiple_of3A_54] : memref<320000xi32, #tpu.memory_space<hbm>> -> memref<2000xi32, #tpu.memory_space<hbm>>
      %dma_wait3A_108 = tpu.memref_slice %arg4[%multiple_of3A_54] : memref<320000xi32, #tpu.memory_space<hbm>> -> memref<2000xi32, #tpu.memory_space<hbm>>
      tpu.wait_dma2 semaphore(%run_scoped3A : memref<!tpu.dma_semaphore, #tpu.memory_space<semaphore_mem>>) src(%dma_wait3A_108 : memref<2000xi32, #tpu.memory_space<hbm>>) dst(%arg12 : memref<2000xi32, #tpu.memory_space<vmem>>)
      tpu.yield
    }) : () -> ()
    %dma_start3A_55 = arith.constant 0 : i32
    %dma_start3A_56 = arith.constant 0 : i32
    %dma_start3A_57 = tpu.memref_slice %arg22[%dma_start3A_55, %dma_start3A_56] : memref<10000x16xf32, #tpu.memory_space<vmem_shared>> -> memref<10000x16xf32, #tpu.memory_space<vmem_shared>>
    tpu.enqueue_indirect_dma source(%dma_start3A_57 : memref<10000x16xf32, #tpu.memory_space<vmem_shared>>) target(%arg13 : memref<2000x16xf32, #tpu.memory_space<vmem>>) offsets(%arg11 : memref<2000xi32, #tpu.memory_space<vmem>>) semaphore(%arg25 : memref<!tpu.dma_semaphore, #tpu.memory_space<semaphore_mem>>)
    "tpu.region"() ({
      %run_scoped3A = tpu.sem_alloc : memref<!tpu.dma_semaphore, #tpu.memory_space<semaphore_mem>>
      %dma_start3A_105 = arith.constant 0 : i32
      %dma_start3A_106 = arith.constant 0 : i32
      %dma_start3A_107 = tpu.memref_slice %arg21[%dma_start3A_105, %dma_start3A_106] : memref<10000x16xf32, #tpu.memory_space<vmem_shared>> -> memref<10000x16xf32, #tpu.memory_space<vmem_shared>>
      tpu.enqueue_indirect_dma source(%arg10 : memref<2000x16xf32, #tpu.memory_space<vmem>>) target(%dma_start3A_107 : memref<10000x16xf32, #tpu.memory_space<vmem_shared>>) offsets(%arg9 : memref<2000xi32, #tpu.memory_space<vmem>>) semaphore(%run_scoped3A : memref<!tpu.dma_semaphore, #tpu.memory_space<semaphore_mem>>) {add = true}
      %dma_wait3A_108 = arith.constant 0 : i32
      %dma_wait3A_109 = arith.constant 0 : i32
      %dma_wait3A_110 = tpu.memref_slice %arg21[%dma_wait3A_108, %dma_wait3A_109] : memref<10000x16xf32, #tpu.memory_space<vmem_shared>> -> memref<10000x16xf32, #tpu.memory_space<vmem_shared>>
      tpu.wait_indirect_dma semaphore(%run_scoped3A : memref<!tpu.dma_semaphore, #tpu.memory_space<semaphore_mem>>) src(%arg10 : memref<2000x16xf32, #tpu.memory_space<vmem>>) dst(%dma_wait3A_110 : memref<10000x16xf32, #tpu.memory_space<vmem_shared>>)
      tpu.yield
    }) : () -> ()
    %dma_wait3A_58 = arith.constant 0 : i32
    %dma_wait3A_59 = arith.constant 0 : i32
    %dma_wait3A_60 = tpu.memref_slice %arg22[%dma_wait3A_58, %dma_wait3A_59] : memref<10000x16xf32, #tpu.memory_space<vmem_shared>> -> memref<10000x16xf32, #tpu.memory_space<vmem_shared>>
    tpu.wait_indirect_dma semaphore(%arg25 : memref<!tpu.dma_semaphore, #tpu.memory_space<semaphore_mem>>) src(%dma_wait3A_60 : memref<10000x16xf32, #tpu.memory_space<vmem_shared>>) dst(%arg13 : memref<2000x16xf32, #tpu.memory_space<vmem>>)
    %mul3A_61 = arith.constant 10000 : i32
    %mul3A_62 = arith.muli %add3A, %mul3A_61 : i32
    %add3A_63 = arith.constant 4000 : i32
    %add3A_64 = arith.addi %mul3A_62, %add3A_63 : i32
    %multiple_of3A_65 = tpu.assume_multiple %add3A_64, 8 : i32
    "tpu.region"() ({
      %run_scoped3A = tpu.sem_alloc : memref<!tpu.dma_semaphore, #tpu.memory_space<semaphore_mem>>
      %dma_start3A_105 = tpu.memref_slice %arg3[%multiple_of3A_65] : memref<320000xi32, #tpu.memory_space<hbm>> -> memref<2000xi32, #tpu.memory_space<hbm>>
      %dma_start3A_106 = tpu.memref_slice %arg3[%multiple_of3A_65] : memref<320000xi32, #tpu.memory_space<hbm>> -> memref<2000xi32, #tpu.memory_space<hbm>>
      tpu.enqueue_dma source(%dma_start3A_106 : memref<2000xi32, #tpu.memory_space<hbm>>) target(%arg8 : memref<2000xi32, #tpu.memory_space<vmem>>) target_semaphore(%run_scoped3A : memref<!tpu.dma_semaphore, #tpu.memory_space<semaphore_mem>>)
      %dma_wait3A_107 = tpu.memref_slice %arg3[%multiple_of3A_65] : memref<320000xi32, #tpu.memory_space<hbm>> -> memref<2000xi32, #tpu.memory_space<hbm>>
      %dma_wait3A_108 = tpu.memref_slice %arg3[%multiple_of3A_65] : memref<320000xi32, #tpu.memory_space<hbm>> -> memref<2000xi32, #tpu.memory_space<hbm>>
      tpu.wait_dma2 semaphore(%run_scoped3A : memref<!tpu.dma_semaphore, #tpu.memory_space<semaphore_mem>>) src(%dma_wait3A_108 : memref<2000xi32, #tpu.memory_space<hbm>>) dst(%arg8 : memref<2000xi32, #tpu.memory_space<vmem>>)
      tpu.yield
    }) : () -> ()
    "tpu.region"() ({
      %run_scoped3A = tpu.sem_alloc : memref<!tpu.dma_semaphore, #tpu.memory_space<semaphore_mem>>
      %dma_start3A_105 = tpu.memref_slice %arg4[%multiple_of3A_65] : memref<320000xi32, #tpu.memory_space<hbm>> -> memref<2000xi32, #tpu.memory_space<hbm>>
      %dma_start3A_106 = tpu.memref_slice %arg4[%multiple_of3A_65] : memref<320000xi32, #tpu.memory_space<hbm>> -> memref<2000xi32, #tpu.memory_space<hbm>>
      tpu.enqueue_dma source(%dma_start3A_106 : memref<2000xi32, #tpu.memory_space<hbm>>) target(%arg9 : memref<2000xi32, #tpu.memory_space<vmem>>) target_semaphore(%run_scoped3A : memref<!tpu.dma_semaphore, #tpu.memory_space<semaphore_mem>>)
      %dma_wait3A_107 = tpu.memref_slice %arg4[%multiple_of3A_65] : memref<320000xi32, #tpu.memory_space<hbm>> -> memref<2000xi32, #tpu.memory_space<hbm>>
      %dma_wait3A_108 = tpu.memref_slice %arg4[%multiple_of3A_65] : memref<320000xi32, #tpu.memory_space<hbm>> -> memref<2000xi32, #tpu.memory_space<hbm>>
      tpu.wait_dma2 semaphore(%run_scoped3A : memref<!tpu.dma_semaphore, #tpu.memory_space<semaphore_mem>>) src(%dma_wait3A_108 : memref<2000xi32, #tpu.memory_space<hbm>>) dst(%arg9 : memref<2000xi32, #tpu.memory_space<vmem>>)
      tpu.yield
    }) : () -> ()
    %dma_start3A_66 = arith.constant 0 : i32
    %dma_start3A_67 = arith.constant 0 : i32
    %dma_start3A_68 = tpu.memref_slice %arg22[%dma_start3A_66, %dma_start3A_67] : memref<10000x16xf32, #tpu.memory_space<vmem_shared>> -> memref<10000x16xf32, #tpu.memory_space<vmem_shared>>
    tpu.enqueue_indirect_dma source(%dma_start3A_68 : memref<10000x16xf32, #tpu.memory_space<vmem_shared>>) target(%arg10 : memref<2000x16xf32, #tpu.memory_space<vmem>>) offsets(%arg8 : memref<2000xi32, #tpu.memory_space<vmem>>) semaphore(%arg24 : memref<!tpu.dma_semaphore, #tpu.memory_space<semaphore_mem>>)
    "tpu.region"() ({
      %run_scoped3A = tpu.sem_alloc : memref<!tpu.dma_semaphore, #tpu.memory_space<semaphore_mem>>
      %dma_start3A_105 = arith.constant 0 : i32
      %dma_start3A_106 = arith.constant 0 : i32
      %dma_start3A_107 = tpu.memref_slice %arg21[%dma_start3A_105, %dma_start3A_106] : memref<10000x16xf32, #tpu.memory_space<vmem_shared>> -> memref<10000x16xf32, #tpu.memory_space<vmem_shared>>
      tpu.enqueue_indirect_dma source(%arg13 : memref<2000x16xf32, #tpu.memory_space<vmem>>) target(%dma_start3A_107 : memref<10000x16xf32, #tpu.memory_space<vmem_shared>>) offsets(%arg12 : memref<2000xi32, #tpu.memory_space<vmem>>) semaphore(%run_scoped3A : memref<!tpu.dma_semaphore, #tpu.memory_space<semaphore_mem>>) {add = true}
      %dma_wait3A_108 = arith.constant 0 : i32
      %dma_wait3A_109 = arith.constant 0 : i32
      %dma_wait3A_110 = tpu.memref_slice %arg21[%dma_wait3A_108, %dma_wait3A_109] : memref<10000x16xf32, #tpu.memory_space<vmem_shared>> -> memref<10000x16xf32, #tpu.memory_space<vmem_shared>>
      tpu.wait_indirect_dma semaphore(%run_scoped3A : memref<!tpu.dma_semaphore, #tpu.memory_space<semaphore_mem>>) src(%arg13 : memref<2000x16xf32, #tpu.memory_space<vmem>>) dst(%dma_wait3A_110 : memref<10000x16xf32, #tpu.memory_space<vmem_shared>>)
      tpu.yield
    }) : () -> ()
    %dma_wait3A_69 = arith.constant 0 : i32
    %dma_wait3A_70 = arith.constant 0 : i32
    %dma_wait3A_71 = tpu.memref_slice %arg22[%dma_wait3A_69, %dma_wait3A_70] : memref<10000x16xf32, #tpu.memory_space<vmem_shared>> -> memref<10000x16xf32, #tpu.memory_space<vmem_shared>>
    tpu.wait_indirect_dma semaphore(%arg24 : memref<!tpu.dma_semaphore, #tpu.memory_space<semaphore_mem>>) src(%dma_wait3A_71 : memref<10000x16xf32, #tpu.memory_space<vmem_shared>>) dst(%arg10 : memref<2000x16xf32, #tpu.memory_space<vmem>>)
    %mul3A_72 = arith.constant 10000 : i32
    %mul3A_73 = arith.muli %add3A, %mul3A_72 : i32
    %add3A_74 = arith.constant 6000 : i32
    %add3A_75 = arith.addi %mul3A_73, %add3A_74 : i32
    %multiple_of3A_76 = tpu.assume_multiple %add3A_75, 8 : i32
    "tpu.region"() ({
      %run_scoped3A = tpu.sem_alloc : memref<!tpu.dma_semaphore, #tpu.memory_space<semaphore_mem>>
      %dma_start3A_105 = tpu.memref_slice %arg3[%multiple_of3A_76] : memref<320000xi32, #tpu.memory_space<hbm>> -> memref<2000xi32, #tpu.memory_space<hbm>>
      %dma_start3A_106 = tpu.memref_slice %arg3[%multiple_of3A_76] : memref<320000xi32, #tpu.memory_space<hbm>> -> memref<2000xi32, #tpu.memory_space<hbm>>
      tpu.enqueue_dma source(%dma_start3A_106 : memref<2000xi32, #tpu.memory_space<hbm>>) target(%arg11 : memref<2000xi32, #tpu.memory_space<vmem>>) target_semaphore(%run_scoped3A : memref<!tpu.dma_semaphore, #tpu.memory_space<semaphore_mem>>)
      %dma_wait3A_107 = tpu.memref_slice %arg3[%multiple_of3A_76] : memref<320000xi32, #tpu.memory_space<hbm>> -> memref<2000xi32, #tpu.memory_space<hbm>>
      %dma_wait3A_108 = tpu.memref_slice %arg3[%multiple_of3A_76] : memref<320000xi32, #tpu.memory_space<hbm>> -> memref<2000xi32, #tpu.memory_space<hbm>>
      tpu.wait_dma2 semaphore(%run_scoped3A : memref<!tpu.dma_semaphore, #tpu.memory_space<semaphore_mem>>) src(%dma_wait3A_108 : memref<2000xi32, #tpu.memory_space<hbm>>) dst(%arg11 : memref<2000xi32, #tpu.memory_space<vmem>>)
      tpu.yield
    }) : () -> ()
    "tpu.region"() ({
      %run_scoped3A = tpu.sem_alloc : memref<!tpu.dma_semaphore, #tpu.memory_space<semaphore_mem>>
      %dma_start3A_105 = tpu.memref_slice %arg4[%multiple_of3A_76] : memref<320000xi32, #tpu.memory_space<hbm>> -> memref<2000xi32, #tpu.memory_space<hbm>>
      %dma_start3A_106 = tpu.memref_slice %arg4[%multiple_of3A_76] : memref<320000xi32, #tpu.memory_space<hbm>> -> memref<2000xi32, #tpu.memory_space<hbm>>
      tpu.enqueue_dma source(%dma_start3A_106 : memref<2000xi32, #tpu.memory_space<hbm>>) target(%arg12 : memref<2000xi32, #tpu.memory_space<vmem>>) target_semaphore(%run_scoped3A : memref<!tpu.dma_semaphore, #tpu.memory_space<semaphore_mem>>)
      %dma_wait3A_107 = tpu.memref_slice %arg4[%multiple_of3A_76] : memref<320000xi32, #tpu.memory_space<hbm>> -> memref<2000xi32, #tpu.memory_space<hbm>>
      %dma_wait3A_108 = tpu.memref_slice %arg4[%multiple_of3A_76] : memref<320000xi32, #tpu.memory_space<hbm>> -> memref<2000xi32, #tpu.memory_space<hbm>>
      tpu.wait_dma2 semaphore(%run_scoped3A : memref<!tpu.dma_semaphore, #tpu.memory_space<semaphore_mem>>) src(%dma_wait3A_108 : memref<2000xi32, #tpu.memory_space<hbm>>) dst(%arg12 : memref<2000xi32, #tpu.memory_space<vmem>>)
      tpu.yield
    }) : () -> ()
    %dma_start3A_77 = arith.constant 0 : i32
    %dma_start3A_78 = arith.constant 0 : i32
    %dma_start3A_79 = tpu.memref_slice %arg22[%dma_start3A_77, %dma_start3A_78] : memref<10000x16xf32, #tpu.memory_space<vmem_shared>> -> memref<10000x16xf32, #tpu.memory_space<vmem_shared>>
    tpu.enqueue_indirect_dma source(%dma_start3A_79 : memref<10000x16xf32, #tpu.memory_space<vmem_shared>>) target(%arg13 : memref<2000x16xf32, #tpu.memory_space<vmem>>) offsets(%arg11 : memref<2000xi32, #tpu.memory_space<vmem>>) semaphore(%arg25 : memref<!tpu.dma_semaphore, #tpu.memory_space<semaphore_mem>>)
    "tpu.region"() ({
      %run_scoped3A = tpu.sem_alloc : memref<!tpu.dma_semaphore, #tpu.memory_space<semaphore_mem>>
      %dma_start3A_105 = arith.constant 0 : i32
      %dma_start3A_106 = arith.constant 0 : i32
      %dma_start3A_107 = tpu.memref_slice %arg21[%dma_start3A_105, %dma_start3A_106] : memref<10000x16xf32, #tpu.memory_space<vmem_shared>> -> memref<10000x16xf32, #tpu.memory_space<vmem_shared>>
      tpu.enqueue_indirect_dma source(%arg10 : memref<2000x16xf32, #tpu.memory_space<vmem>>) target(%dma_start3A_107 : memref<10000x16xf32, #tpu.memory_space<vmem_shared>>) offsets(%arg9 : memref<2000xi32, #tpu.memory_space<vmem>>) semaphore(%run_scoped3A : memref<!tpu.dma_semaphore, #tpu.memory_space<semaphore_mem>>) {add = true}
      %dma_wait3A_108 = arith.constant 0 : i32
      %dma_wait3A_109 = arith.constant 0 : i32
      %dma_wait3A_110 = tpu.memref_slice %arg21[%dma_wait3A_108, %dma_wait3A_109] : memref<10000x16xf32, #tpu.memory_space<vmem_shared>> -> memref<10000x16xf32, #tpu.memory_space<vmem_shared>>
      tpu.wait_indirect_dma semaphore(%run_scoped3A : memref<!tpu.dma_semaphore, #tpu.memory_space<semaphore_mem>>) src(%arg10 : memref<2000x16xf32, #tpu.memory_space<vmem>>) dst(%dma_wait3A_110 : memref<10000x16xf32, #tpu.memory_space<vmem_shared>>)
      tpu.yield
    }) : () -> ()
    %dma_wait3A_80 = arith.constant 0 : i32
    %dma_wait3A_81 = arith.constant 0 : i32
    %dma_wait3A_82 = tpu.memref_slice %arg22[%dma_wait3A_80, %dma_wait3A_81] : memref<10000x16xf32, #tpu.memory_space<vmem_shared>> -> memref<10000x16xf32, #tpu.memory_space<vmem_shared>>
    tpu.wait_indirect_dma semaphore(%arg25 : memref<!tpu.dma_semaphore, #tpu.memory_space<semaphore_mem>>) src(%dma_wait3A_82 : memref<10000x16xf32, #tpu.memory_space<vmem_shared>>) dst(%arg13 : memref<2000x16xf32, #tpu.memory_space<vmem>>)
    %mul3A_83 = arith.constant 10000 : i32
    %mul3A_84 = arith.muli %add3A, %mul3A_83 : i32
    %add3A_85 = arith.constant 8000 : i32
    %add3A_86 = arith.addi %mul3A_84, %add3A_85 : i32
    %multiple_of3A_87 = tpu.assume_multiple %add3A_86, 8 : i32
    "tpu.region"() ({
      %run_scoped3A = tpu.sem_alloc : memref<!tpu.dma_semaphore, #tpu.memory_space<semaphore_mem>>
      %dma_start3A_105 = tpu.memref_slice %arg3[%multiple_of3A_87] : memref<320000xi32, #tpu.memory_space<hbm>> -> memref<2000xi32, #tpu.memory_space<hbm>>
      %dma_start3A_106 = tpu.memref_slice %arg3[%multiple_of3A_87] : memref<320000xi32, #tpu.memory_space<hbm>> -> memref<2000xi32, #tpu.memory_space<hbm>>
      tpu.enqueue_dma source(%dma_start3A_106 : memref<2000xi32, #tpu.memory_space<hbm>>) target(%arg8 : memref<2000xi32, #tpu.memory_space<vmem>>) target_semaphore(%run_scoped3A : memref<!tpu.dma_semaphore, #tpu.memory_space<semaphore_mem>>)
      %dma_wait3A_107 = tpu.memref_slice %arg3[%multiple_of3A_87] : memref<320000xi32, #tpu.memory_space<hbm>> -> memref<2000xi32, #tpu.memory_space<hbm>>
      %dma_wait3A_108 = tpu.memref_slice %arg3[%multiple_of3A_87] : memref<320000xi32, #tpu.memory_space<hbm>> -> memref<2000xi32, #tpu.memory_space<hbm>>
      tpu.wait_dma2 semaphore(%run_scoped3A : memref<!tpu.dma_semaphore, #tpu.memory_space<semaphore_mem>>) src(%dma_wait3A_108 : memref<2000xi32, #tpu.memory_space<hbm>>) dst(%arg8 : memref<2000xi32, #tpu.memory_space<vmem>>)
      tpu.yield
    }) : () -> ()
    "tpu.region"() ({
      %run_scoped3A = tpu.sem_alloc : memref<!tpu.dma_semaphore, #tpu.memory_space<semaphore_mem>>
      %dma_start3A_105 = tpu.memref_slice %arg4[%multiple_of3A_87] : memref<320000xi32, #tpu.memory_space<hbm>> -> memref<2000xi32, #tpu.memory_space<hbm>>
      %dma_start3A_106 = tpu.memref_slice %arg4[%multiple_of3A_87] : memref<320000xi32, #tpu.memory_space<hbm>> -> memref<2000xi32, #tpu.memory_space<hbm>>
      tpu.enqueue_dma source(%dma_start3A_106 : memref<2000xi32, #tpu.memory_space<hbm>>) target(%arg9 : memref<2000xi32, #tpu.memory_space<vmem>>) target_semaphore(%run_scoped3A : memref<!tpu.dma_semaphore, #tpu.memory_space<semaphore_mem>>)
      %dma_wait3A_107 = tpu.memref_slice %arg4[%multiple_of3A_87] : memref<320000xi32, #tpu.memory_space<hbm>> -> memref<2000xi32, #tpu.memory_space<hbm>>
      %dma_wait3A_108 = tpu.memref_slice %arg4[%multiple_of3A_87] : memref<320000xi32, #tpu.memory_space<hbm>> -> memref<2000xi32, #tpu.memory_space<hbm>>
      tpu.wait_dma2 semaphore(%run_scoped3A : memref<!tpu.dma_semaphore, #tpu.memory_space<semaphore_mem>>) src(%dma_wait3A_108 : memref<2000xi32, #tpu.memory_space<hbm>>) dst(%arg9 : memref<2000xi32, #tpu.memory_space<vmem>>)
      tpu.yield
    }) : () -> ()
    %dma_start3A_88 = arith.constant 0 : i32
    %dma_start3A_89 = arith.constant 0 : i32
    %dma_start3A_90 = tpu.memref_slice %arg22[%dma_start3A_88, %dma_start3A_89] : memref<10000x16xf32, #tpu.memory_space<vmem_shared>> -> memref<10000x16xf32, #tpu.memory_space<vmem_shared>>
    tpu.enqueue_indirect_dma source(%dma_start3A_90 : memref<10000x16xf32, #tpu.memory_space<vmem_shared>>) target(%arg10 : memref<2000x16xf32, #tpu.memory_space<vmem>>) offsets(%arg8 : memref<2000xi32, #tpu.memory_space<vmem>>) semaphore(%arg24 : memref<!tpu.dma_semaphore, #tpu.memory_space<semaphore_mem>>)
    "tpu.region"() ({
      %run_scoped3A = tpu.sem_alloc : memref<!tpu.dma_semaphore, #tpu.memory_space<semaphore_mem>>
      %dma_start3A_105 = arith.constant 0 : i32
      %dma_start3A_106 = arith.constant 0 : i32
      %dma_start3A_107 = tpu.memref_slice %arg21[%dma_start3A_105, %dma_start3A_106] : memref<10000x16xf32, #tpu.memory_space<vmem_shared>> -> memref<10000x16xf32, #tpu.memory_space<vmem_shared>>
      tpu.enqueue_indirect_dma source(%arg13 : memref<2000x16xf32, #tpu.memory_space<vmem>>) target(%dma_start3A_107 : memref<10000x16xf32, #tpu.memory_space<vmem_shared>>) offsets(%arg12 : memref<2000xi32, #tpu.memory_space<vmem>>) semaphore(%run_scoped3A : memref<!tpu.dma_semaphore, #tpu.memory_space<semaphore_mem>>) {add = true}
      %dma_wait3A_108 = arith.constant 0 : i32
      %dma_wait3A_109 = arith.constant 0 : i32
      %dma_wait3A_110 = tpu.memref_slice %arg21[%dma_wait3A_108, %dma_wait3A_109] : memref<10000x16xf32, #tpu.memory_space<vmem_shared>> -> memref<10000x16xf32, #tpu.memory_space<vmem_shared>>
      tpu.wait_indirect_dma semaphore(%run_scoped3A : memref<!tpu.dma_semaphore, #tpu.memory_space<semaphore_mem>>) src(%arg13 : memref<2000x16xf32, #tpu.memory_space<vmem>>) dst(%dma_wait3A_110 : memref<10000x16xf32, #tpu.memory_space<vmem_shared>>)
      tpu.yield
    }) : () -> ()
    %dma_wait3A_91 = arith.constant 0 : i32
    %dma_wait3A_92 = arith.constant 0 : i32
    %dma_wait3A_93 = tpu.memref_slice %arg22[%dma_wait3A_91, %dma_wait3A_92] : memref<10000x16xf32, #tpu.memory_space<vmem_shared>> -> memref<10000x16xf32, #tpu.memory_space<vmem_shared>>
    tpu.wait_indirect_dma semaphore(%arg24 : memref<!tpu.dma_semaphore, #tpu.memory_space<semaphore_mem>>) src(%dma_wait3A_93 : memref<10000x16xf32, #tpu.memory_space<vmem_shared>>) dst(%arg10 : memref<2000x16xf32, #tpu.memory_space<vmem>>)
    "tpu.region"() ({
      %run_scoped3A = tpu.sem_alloc : memref<!tpu.dma_semaphore, #tpu.memory_space<semaphore_mem>>
      %dma_start3A_105 = arith.constant 0 : i32
      %dma_start3A_106 = arith.constant 0 : i32
      %dma_start3A_107 = tpu.memref_slice %arg21[%dma_start3A_105, %dma_start3A_106] : memref<10000x16xf32, #tpu.memory_space<vmem_shared>> -> memref<10000x16xf32, #tpu.memory_space<vmem_shared>>
      tpu.enqueue_indirect_dma source(%arg10 : memref<2000x16xf32, #tpu.memory_space<vmem>>) target(%dma_start3A_107 : memref<10000x16xf32, #tpu.memory_space<vmem_shared>>) offsets(%arg9 : memref<2000xi32, #tpu.memory_space<vmem>>) semaphore(%run_scoped3A : memref<!tpu.dma_semaphore, #tpu.memory_space<semaphore_mem>>) {add = true}
      %dma_wait3A_108 = arith.constant 0 : i32
      %dma_wait3A_109 = arith.constant 0 : i32
      %dma_wait3A_110 = tpu.memref_slice %arg21[%dma_wait3A_108, %dma_wait3A_109] : memref<10000x16xf32, #tpu.memory_space<vmem_shared>> -> memref<10000x16xf32, #tpu.memory_space<vmem_shared>>
      tpu.wait_indirect_dma semaphore(%run_scoped3A : memref<!tpu.dma_semaphore, #tpu.memory_space<semaphore_mem>>) src(%arg10 : memref<2000x16xf32, #tpu.memory_space<vmem>>) dst(%dma_wait3A_110 : memref<10000x16xf32, #tpu.memory_space<vmem_shared>>)
      tpu.yield
    }) : () -> ()
    %barrier3A_94 = arith.constant 0 : index
    tpu.barrier barrier_id(%barrier3A_94)
    %lt3A_95 = arith.constant 15 : i32
    %lt3A_96 = arith.cmpi slt, %arg1, %lt3A_95 : i32
    %convert_element_type3A_97 = arith.extui %lt3A_96 : i1 to i32
    %cond3A_98 = arith.constant 0 : i32
    %cond3A_99 = arith.cmpi ne, %convert_element_type3A_97, %cond3A_98 : i32
    scf.if %cond3A_99 {
      "tpu.region"() ({
        %run_scoped3A = tpu.sem_alloc : memref<!tpu.dma_semaphore, #tpu.memory_space<semaphore_mem>>
        %dma_start3A_105 = arith.constant 0 : i32
        %dma_start3A_106 = tpu.memref_slice %arg5[%arg0, %multiple_of3A, %dma_start3A_105] : memref<2x10000x16xf32, #tpu.memory_space<hbm>> -> memref<1x640x16xf32, #tpu.memory_space<hbm>>
        %dma_start3A_107 = tpu.memref_squeeze %dma_start3A_106 : memref<1x640x16xf32, #tpu.memory_space<hbm>> -> memref<640x16xf32, #tpu.memory_space<hbm>>
        %dma_start3A_108 = arith.constant 0 : i32
        %dma_start3A_109 = tpu.memref_slice %arg21[%multiple_of3A, %dma_start3A_108] : memref<10000x16xf32, #tpu.memory_space<vmem_shared>> -> memref<640x16xf32, #tpu.memory_space<vmem_shared>>
        tpu.enqueue_dma source(%dma_start3A_109 : memref<640x16xf32, #tpu.memory_space<vmem_shared>>) target(%dma_start3A_107 : memref<640x16xf32, #tpu.memory_space<hbm>>) target_semaphore(%run_scoped3A : memref<!tpu.dma_semaphore, #tpu.memory_space<semaphore_mem>>)
        %dma_wait3A_110 = arith.constant 0 : i32
        %dma_wait3A_111 = tpu.memref_slice %arg5[%arg0, %multiple_of3A, %dma_wait3A_110] : memref<2x10000x16xf32, #tpu.memory_space<hbm>> -> memref<1x640x16xf32, #tpu.memory_space<hbm>>
        %dma_wait3A_112 = tpu.memref_squeeze %dma_wait3A_111 : memref<1x640x16xf32, #tpu.memory_space<hbm>> -> memref<640x16xf32, #tpu.memory_space<hbm>>
        %dma_wait3A_113 = arith.constant 0 : i32
        %dma_wait3A_114 = tpu.memref_slice %arg21[%multiple_of3A, %dma_wait3A_113] : memref<10000x16xf32, #tpu.memory_space<vmem_shared>> -> memref<640x16xf32, #tpu.memory_space<vmem_shared>>
        tpu.wait_dma2 semaphore(%run_scoped3A : memref<!tpu.dma_semaphore, #tpu.memory_space<semaphore_mem>>) src(%dma_wait3A_114 : memref<640x16xf32, #tpu.memory_space<vmem_shared>>) dst(%dma_wait3A_112 : memref<640x16xf32, #tpu.memory_space<hbm>>)
        tpu.yield
      }) : () -> ()
    } else {
    }
    %eq3A_100 = arith.constant 15 : i32
    %eq3A_101 = arith.cmpi eq, %arg1, %eq3A_100 : i32
    %convert_element_type3A_102 = arith.extui %eq3A_101 : i1 to i32
    %cond3A_103 = arith.constant 0 : i32
    %cond3A_104 = arith.cmpi ne, %convert_element_type3A_102, %cond3A_103 : i32
    scf.if %cond3A_104 {
      "tpu.region"() ({
        %run_scoped3A = tpu.sem_alloc : memref<!tpu.dma_semaphore, #tpu.memory_space<semaphore_mem>>
        %dma_start3A_105 = arith.constant 9600 : i32
        %dma_start3A_106 = arith.constant 0 : i32
        %dma_start3A_107 = tpu.memref_slice %arg5[%arg0, %dma_start3A_105, %dma_start3A_106] : memref<2x10000x16xf32, #tpu.memory_space<hbm>> -> memref<1x400x16xf32, #tpu.memory_space<hbm>>
        %dma_start3A_108 = tpu.memref_squeeze %dma_start3A_107 : memref<1x400x16xf32, #tpu.memory_space<hbm>> -> memref<400x16xf32, #tpu.memory_space<hbm>>
        %dma_start3A_109 = arith.constant 9600 : i32
        %dma_start3A_110 = arith.constant 0 : i32
        %dma_start3A_111 = tpu.memref_slice %arg21[%dma_start3A_109, %dma_start3A_110] : memref<10000x16xf32, #tpu.memory_space<vmem_shared>> -> memref<400x16xf32, #tpu.memory_space<vmem_shared>>
        tpu.enqueue_dma source(%dma_start3A_111 : memref<400x16xf32, #tpu.memory_space<vmem_shared>>) target(%dma_start3A_108 : memref<400x16xf32, #tpu.memory_space<hbm>>) target_semaphore(%run_scoped3A : memref<!tpu.dma_semaphore, #tpu.memory_space<semaphore_mem>>)
        %dma_wait3A_112 = arith.constant 9600 : i32
        %dma_wait3A_113 = arith.constant 0 : i32
        %dma_wait3A_114 = tpu.memref_slice %arg5[%arg0, %dma_wait3A_112, %dma_wait3A_113] : memref<2x10000x16xf32, #tpu.memory_space<hbm>> -> memref<1x400x16xf32, #tpu.memory_space<hbm>>
        %dma_wait3A_115 = tpu.memref_squeeze %dma_wait3A_114 : memref<1x400x16xf32, #tpu.memory_space<hbm>> -> memref<400x16xf32, #tpu.memory_space<hbm>>
        %dma_wait3A_116 = arith.constant 9600 : i32
        %dma_wait3A_117 = arith.constant 0 : i32
        %dma_wait3A_118 = tpu.memref_slice %arg21[%dma_wait3A_116, %dma_wait3A_117] : memref<10000x16xf32, #tpu.memory_space<vmem_shared>> -> memref<400x16xf32, #tpu.memory_space<vmem_shared>>
        tpu.wait_dma2 semaphore(%run_scoped3A : memref<!tpu.dma_semaphore, #tpu.memory_space<semaphore_mem>>) src(%dma_wait3A_118 : memref<400x16xf32, #tpu.memory_space<vmem_shared>>) dst(%dma_wait3A_115 : memref<400x16xf32, #tpu.memory_space<hbm>>)
        tpu.yield
      }) : () -> ()
    } else {
    }
    return
  }
}

#map = affine_map<(d0, d1) -> (0, 0)>
#map1 = affine_map<(d0, d1) -> (0)>
#map2 = affine_map<(d0, d1) -> (0, 0, 0)>
module attributes {stable_mosaic.version = 14 : i64} {
  func.func @_agg_body(%arg0: i32, %arg1: i32, %arg2: memref<10000x16xf32, #tpu.memory_space<hbm>>, %arg3: memref<320000xi32, #tpu.memory_space<hbm>>, %arg4: memref<320000xi32, #tpu.memory_space<hbm>>, %arg5: memref<2x10000x16xf32, #tpu.memory_space<hbm>>, %arg6: memref<2000xi32, #tpu.memory_space<vmem>>, %arg7: memref<2000xi32, #tpu.memory_space<vmem>>, %arg8: memref<2000x16xf32, #tpu.memory_space<vmem>>, %arg9: memref<2000xi32, #tpu.memory_space<vmem>>, %arg10: memref<2000xi32, #tpu.memory_space<vmem>>, %arg11: memref<2000x16xf32, #tpu.memory_space<vmem>>, %arg12: memref<640x16xf32, #tpu.memory_space<vmem>>, %arg13: memref<10000x16xf32, #tpu.memory_space<vmem_shared>>, %arg14: memref<10000x16xf32, #tpu.memory_space<vmem_shared>>, %arg15: memref<!tpu.dma_semaphore, #tpu.memory_space<semaphore_mem>>, %arg16: memref<!tpu.dma_semaphore, #tpu.memory_space<semaphore_mem>>) attributes {dimension_semantics = [#tpu.dimension_semantics<core_parallel>, #tpu.dimension_semantics<subcore_parallel>], iteration_bounds = array<i64: 2, 16>, scalar_prefetch = 0 : i64, scratch_operands = 11 : i64, tpu.core_type = #tpu.core_type<sc_vector_subcore>, window_params = [{transform_indices = #map}, {transform_indices = #map1}, {transform_indices = #map1}, {transform_indices = #map2}]} {
    %mul3A = arith.constant 2 : i32
    %mul3A_0 = arith.muli %arg1, %mul3A : i32
    %add3A = arith.addi %mul3A_0, %arg0 : i32
    %scan3A = arith.constant 0 : i32
    %scan3A_1 = arith.constant 0 : i32
    %scan3A_2 = arith.constant 640 : i32
    %scan3A_3 = arith.addi %scan3A_1, %scan3A_2 : i32
    %scan3A_4 = arith.constant 1 : i32
    %scan3A_5 = scf.for %scan3A_71 = %scan3A_1 to %scan3A_3 step %scan3A_4 iter_args(%scan3A_72 = %scan3A) -> (i32)  : i32 {
      %broadcast_in_dim3A = arith.constant 0.000000e+00 : f32
      %broadcast_in_dim3A_73 = vector.broadcast %broadcast_in_dim3A : f32 to vector<16xf32>
      %swap3A = arith.index_cast %scan3A_71 : i32 to index
      %swap3A_74 = arith.constant 0 : index
      %swap3A_75 = tpu.vector_load %arg12[%swap3A, %swap3A_74] {strides = array<i32>} : memref<640x16xf32, #tpu.memory_space<vmem>>, vector<1x16xf32>,
      %swap3A_76 = vector.shape_cast %swap3A_75 : vector<1x16xf32> to vector<16xf32>
      %swap3A_77 = vector.shape_cast %broadcast_in_dim3A_73 : vector<16xf32> to vector<1x16xf32>
      tpu.vector_store %arg12[%swap3A, %swap3A_74], %swap3A_77 {strides = array<i32>} : memref<640x16xf32, #tpu.memory_space<vmem>>, vector<1x16xf32>,
      %scan3A_78 = arith.constant 0 : i32
      scf.yield %scan3A_78 : i32
    }
    %scan3A_6 = arith.constant 640 : i32
    %mul3A_7 = arith.constant 640 : i32
    %mul3A_8 = arith.muli %arg1, %mul3A_7 : i32
    %multiple_of3A = tpu.assume_multiple %mul3A_8, 8 : i32
    %lt3A = arith.constant 15 : i32
    %lt3A_9 = arith.cmpi slt, %arg1, %lt3A : i32
    %convert_element_type3A = arith.extui %lt3A_9 : i1 to i32
    %cond3A = arith.constant 0 : i32
    %cond3A_10 = arith.cmpi ne, %convert_element_type3A, %cond3A : i32
    scf.if %cond3A_10 {
      "tpu.region"() ({
        %run_scoped3A = tpu.sem_alloc : memref<!tpu.dma_semaphore, #tpu.memory_space<semaphore_mem>>
        %dma_start3A_71 = arith.constant 0 : i32
        %dma_start3A_72 = tpu.memref_slice %arg13[%multiple_of3A, %dma_start3A_71] : memref<10000x16xf32, #tpu.memory_space<vmem_shared>> -> memref<640x16xf32, #tpu.memory_space<vmem_shared>>
        %dma_start3A_73 = arith.constant 0 : i32
        %dma_start3A_74 = tpu.memref_slice %arg13[%multiple_of3A, %dma_start3A_73] : memref<10000x16xf32, #tpu.memory_space<vmem_shared>> -> memref<640x16xf32, #tpu.memory_space<vmem_shared>>
        tpu.enqueue_dma source(%arg12 : memref<640x16xf32, #tpu.memory_space<vmem>>) target(%dma_start3A_74 : memref<640x16xf32, #tpu.memory_space<vmem_shared>>) target_semaphore(%run_scoped3A : memref<!tpu.dma_semaphore, #tpu.memory_space<semaphore_mem>>)
        %dma_wait3A_75 = arith.constant 0 : i32
        %dma_wait3A_76 = tpu.memref_slice %arg13[%multiple_of3A, %dma_wait3A_75] : memref<10000x16xf32, #tpu.memory_space<vmem_shared>> -> memref<640x16xf32, #tpu.memory_space<vmem_shared>>
        %dma_wait3A_77 = arith.constant 0 : i32
        %dma_wait3A_78 = tpu.memref_slice %arg13[%multiple_of3A, %dma_wait3A_77] : memref<10000x16xf32, #tpu.memory_space<vmem_shared>> -> memref<640x16xf32, #tpu.memory_space<vmem_shared>>
        tpu.wait_dma2 semaphore(%run_scoped3A : memref<!tpu.dma_semaphore, #tpu.memory_space<semaphore_mem>>) src(%arg12 : memref<640x16xf32, #tpu.memory_space<vmem>>) dst(%dma_wait3A_78 : memref<640x16xf32, #tpu.memory_space<vmem_shared>>)
        tpu.yield
      }) : () -> ()
      "tpu.region"() ({
        %run_scoped3A = tpu.sem_alloc : memref<!tpu.dma_semaphore, #tpu.memory_space<semaphore_mem>>
        %dma_start3A_71 = arith.constant 0 : i32
        %dma_start3A_72 = tpu.memref_slice %arg14[%multiple_of3A, %dma_start3A_71] : memref<10000x16xf32, #tpu.memory_space<vmem_shared>> -> memref<640x16xf32, #tpu.memory_space<vmem_shared>>
        %dma_start3A_73 = arith.constant 0 : i32
        %dma_start3A_74 = tpu.memref_slice %arg2[%multiple_of3A, %dma_start3A_73] : memref<10000x16xf32, #tpu.memory_space<hbm>> -> memref<640x16xf32, #tpu.memory_space<hbm>>
        tpu.enqueue_dma source(%dma_start3A_74 : memref<640x16xf32, #tpu.memory_space<hbm>>) target(%dma_start3A_72 : memref<640x16xf32, #tpu.memory_space<vmem_shared>>) target_semaphore(%run_scoped3A : memref<!tpu.dma_semaphore, #tpu.memory_space<semaphore_mem>>)
        %dma_wait3A_75 = arith.constant 0 : i32
        %dma_wait3A_76 = tpu.memref_slice %arg14[%multiple_of3A, %dma_wait3A_75] : memref<10000x16xf32, #tpu.memory_space<vmem_shared>> -> memref<640x16xf32, #tpu.memory_space<vmem_shared>>
        %dma_wait3A_77 = arith.constant 0 : i32
        %dma_wait3A_78 = tpu.memref_slice %arg2[%multiple_of3A, %dma_wait3A_77] : memref<10000x16xf32, #tpu.memory_space<hbm>> -> memref<640x16xf32, #tpu.memory_space<hbm>>
        tpu.wait_dma2 semaphore(%run_scoped3A : memref<!tpu.dma_semaphore, #tpu.memory_space<semaphore_mem>>) src(%dma_wait3A_78 : memref<640x16xf32, #tpu.memory_space<hbm>>) dst(%dma_wait3A_76 : memref<640x16xf32, #tpu.memory_space<vmem_shared>>)
        tpu.yield
      }) : () -> ()
    } else {
    }
    %eq3A = arith.constant 15 : i32
    %eq3A_11 = arith.cmpi eq, %arg1, %eq3A : i32
    %convert_element_type3A_12 = arith.extui %eq3A_11 : i1 to i32
    %cond3A_13 = arith.constant 0 : i32
    %cond3A_14 = arith.cmpi ne, %convert_element_type3A_12, %cond3A_13 : i32
    scf.if %cond3A_14 {
      "tpu.region"() ({
        %run_scoped3A = tpu.sem_alloc : memref<!tpu.dma_semaphore, #tpu.memory_space<semaphore_mem>>
        %dma_start3A_71 = arith.constant 0 : i32
        %dma_start3A_72 = arith.constant 0 : i32
        %dma_start3A_73 = tpu.memref_slice %arg12[%dma_start3A_71, %dma_start3A_72] : memref<640x16xf32, #tpu.memory_space<vmem>> -> memref<400x16xf32, #tpu.memory_space<vmem>>
        %dma_start3A_74 = arith.constant 9600 : i32
        %dma_start3A_75 = arith.constant 0 : i32
        %dma_start3A_76 = tpu.memref_slice %arg13[%dma_start3A_74, %dma_start3A_75] : memref<10000x16xf32, #tpu.memory_space<vmem_shared>> -> memref<400x16xf32, #tpu.memory_space<vmem_shared>>
        %dma_start3A_77 = arith.constant 9600 : i32
        %dma_start3A_78 = arith.constant 0 : i32
        %dma_start3A_79 = tpu.memref_slice %arg13[%dma_start3A_77, %dma_start3A_78] : memref<10000x16xf32, #tpu.memory_space<vmem_shared>> -> memref<400x16xf32, #tpu.memory_space<vmem_shared>>
        %dma_start3A_80 = arith.constant 0 : i32
        %dma_start3A_81 = arith.constant 0 : i32
        %dma_start3A_82 = tpu.memref_slice %arg12[%dma_start3A_80, %dma_start3A_81] : memref<640x16xf32, #tpu.memory_space<vmem>> -> memref<400x16xf32, #tpu.memory_space<vmem>>
        tpu.enqueue_dma source(%dma_start3A_82 : memref<400x16xf32, #tpu.memory_space<vmem>>) target(%dma_start3A_79 : memref<400x16xf32, #tpu.memory_space<vmem_shared>>) target_semaphore(%run_scoped3A : memref<!tpu.dma_semaphore, #tpu.memory_space<semaphore_mem>>)
        %dma_wait3A_83 = arith.constant 0 : i32
        %dma_wait3A_84 = arith.constant 0 : i32
        %dma_wait3A_85 = tpu.memref_slice %arg12[%dma_wait3A_83, %dma_wait3A_84] : memref<640x16xf32, #tpu.memory_space<vmem>> -> memref<400x16xf32, #tpu.memory_space<vmem>>
        %dma_wait3A_86 = arith.constant 9600 : i32
        %dma_wait3A_87 = arith.constant 0 : i32
        %dma_wait3A_88 = tpu.memref_slice %arg13[%dma_wait3A_86, %dma_wait3A_87] : memref<10000x16xf32, #tpu.memory_space<vmem_shared>> -> memref<400x16xf32, #tpu.memory_space<vmem_shared>>
        %dma_wait3A_89 = arith.constant 9600 : i32
        %dma_wait3A_90 = arith.constant 0 : i32
        %dma_wait3A_91 = tpu.memref_slice %arg13[%dma_wait3A_89, %dma_wait3A_90] : memref<10000x16xf32, #tpu.memory_space<vmem_shared>> -> memref<400x16xf32, #tpu.memory_space<vmem_shared>>
        %dma_wait3A_92 = arith.constant 0 : i32
        %dma_wait3A_93 = arith.constant 0 : i32
        %dma_wait3A_94 = tpu.memref_slice %arg12[%dma_wait3A_92, %dma_wait3A_93] : memref<640x16xf32, #tpu.memory_space<vmem>> -> memref<400x16xf32, #tpu.memory_space<vmem>>
        tpu.wait_dma2 semaphore(%run_scoped3A : memref<!tpu.dma_semaphore, #tpu.memory_space<semaphore_mem>>) src(%dma_wait3A_94 : memref<400x16xf32, #tpu.memory_space<vmem>>) dst(%dma_wait3A_91 : memref<400x16xf32, #tpu.memory_space<vmem_shared>>)
        tpu.yield
      }) : () -> ()
      "tpu.region"() ({
        %run_scoped3A = tpu.sem_alloc : memref<!tpu.dma_semaphore, #tpu.memory_space<semaphore_mem>>
        %dma_start3A_71 = arith.constant 9600 : i32
        %dma_start3A_72 = arith.constant 0 : i32
        %dma_start3A_73 = tpu.memref_slice %arg14[%dma_start3A_71, %dma_start3A_72] : memref<10000x16xf32, #tpu.memory_space<vmem_shared>> -> memref<400x16xf32, #tpu.memory_space<vmem_shared>>
        %dma_start3A_74 = arith.constant 9600 : i32
        %dma_start3A_75 = arith.constant 0 : i32
        %dma_start3A_76 = tpu.memref_slice %arg2[%dma_start3A_74, %dma_start3A_75] : memref<10000x16xf32, #tpu.memory_space<hbm>> -> memref<400x16xf32, #tpu.memory_space<hbm>>
        tpu.enqueue_dma source(%dma_start3A_76 : memref<400x16xf32, #tpu.memory_space<hbm>>) target(%dma_start3A_73 : memref<400x16xf32, #tpu.memory_space<vmem_shared>>) target_semaphore(%run_scoped3A : memref<!tpu.dma_semaphore, #tpu.memory_space<semaphore_mem>>)
        %dma_wait3A_77 = arith.constant 9600 : i32
        %dma_wait3A_78 = arith.constant 0 : i32
        %dma_wait3A_79 = tpu.memref_slice %arg14[%dma_wait3A_77, %dma_wait3A_78] : memref<10000x16xf32, #tpu.memory_space<vmem_shared>> -> memref<400x16xf32, #tpu.memory_space<vmem_shared>>
        %dma_wait3A_80 = arith.constant 9600 : i32
        %dma_wait3A_81 = arith.constant 0 : i32
        %dma_wait3A_82 = tpu.memref_slice %arg2[%dma_wait3A_80, %dma_wait3A_81] : memref<10000x16xf32, #tpu.memory_space<hbm>> -> memref<400x16xf32, #tpu.memory_space<hbm>>
        tpu.wait_dma2 semaphore(%run_scoped3A : memref<!tpu.dma_semaphore, #tpu.memory_space<semaphore_mem>>) src(%dma_wait3A_82 : memref<400x16xf32, #tpu.memory_space<hbm>>) dst(%dma_wait3A_79 : memref<400x16xf32, #tpu.memory_space<vmem_shared>>)
        tpu.yield
      }) : () -> ()
    } else {
    }
    %barrier3A = arith.constant 0 : index
    tpu.barrier barrier_id(%barrier3A)
    %mul3A_15 = arith.constant 10000 : i32
    %mul3A_16 = arith.muli %add3A, %mul3A_15 : i32
    %add3A_17 = arith.constant 0 : i32
    %add3A_18 = arith.addi %mul3A_16, %add3A_17 : i32
    %multiple_of3A_19 = tpu.assume_multiple %add3A_18, 8 : i32
    "tpu.region"() ({
      %run_scoped3A = tpu.sem_alloc : memref<!tpu.dma_semaphore, #tpu.memory_space<semaphore_mem>>
      %dma_start3A_71 = tpu.memref_slice %arg3[%multiple_of3A_19] : memref<320000xi32, #tpu.memory_space<hbm>> -> memref<2000xi32, #tpu.memory_space<hbm>>
      %dma_start3A_72 = tpu.memref_slice %arg3[%multiple_of3A_19] : memref<320000xi32, #tpu.memory_space<hbm>> -> memref<2000xi32, #tpu.memory_space<hbm>>
      tpu.enqueue_dma source(%dma_start3A_72 : memref<2000xi32, #tpu.memory_space<hbm>>) target(%arg6 : memref<2000xi32, #tpu.memory_space<vmem>>) target_semaphore(%run_scoped3A : memref<!tpu.dma_semaphore, #tpu.memory_space<semaphore_mem>>)
      %dma_wait3A_73 = tpu.memref_slice %arg3[%multiple_of3A_19] : memref<320000xi32, #tpu.memory_space<hbm>> -> memref<2000xi32, #tpu.memory_space<hbm>>
      %dma_wait3A_74 = tpu.memref_slice %arg3[%multiple_of3A_19] : memref<320000xi32, #tpu.memory_space<hbm>> -> memref<2000xi32, #tpu.memory_space<hbm>>
      tpu.wait_dma2 semaphore(%run_scoped3A : memref<!tpu.dma_semaphore, #tpu.memory_space<semaphore_mem>>) src(%dma_wait3A_74 : memref<2000xi32, #tpu.memory_space<hbm>>) dst(%arg6 : memref<2000xi32, #tpu.memory_space<vmem>>)
      tpu.yield
    }) : () -> ()
    "tpu.region"() ({
      %run_scoped3A = tpu.sem_alloc : memref<!tpu.dma_semaphore, #tpu.memory_space<semaphore_mem>>
      %dma_start3A_71 = tpu.memref_slice %arg4[%multiple_of3A_19] : memref<320000xi32, #tpu.memory_space<hbm>> -> memref<2000xi32, #tpu.memory_space<hbm>>
      %dma_start3A_72 = tpu.memref_slice %arg4[%multiple_of3A_19] : memref<320000xi32, #tpu.memory_space<hbm>> -> memref<2000xi32, #tpu.memory_space<hbm>>
      tpu.enqueue_dma source(%dma_start3A_72 : memref<2000xi32, #tpu.memory_space<hbm>>) target(%arg7 : memref<2000xi32, #tpu.memory_space<vmem>>) target_semaphore(%run_scoped3A : memref<!tpu.dma_semaphore, #tpu.memory_space<semaphore_mem>>)
      %dma_wait3A_73 = tpu.memref_slice %arg4[%multiple_of3A_19] : memref<320000xi32, #tpu.memory_space<hbm>> -> memref<2000xi32, #tpu.memory_space<hbm>>
      %dma_wait3A_74 = tpu.memref_slice %arg4[%multiple_of3A_19] : memref<320000xi32, #tpu.memory_space<hbm>> -> memref<2000xi32, #tpu.memory_space<hbm>>
      tpu.wait_dma2 semaphore(%run_scoped3A : memref<!tpu.dma_semaphore, #tpu.memory_space<semaphore_mem>>) src(%dma_wait3A_74 : memref<2000xi32, #tpu.memory_space<hbm>>) dst(%arg7 : memref<2000xi32, #tpu.memory_space<vmem>>)
      tpu.yield
    }) : () -> ()
    %dma_start3A = arith.constant 0 : i32
    %dma_start3A_20 = arith.constant 0 : i32
    %dma_start3A_21 = tpu.memref_slice %arg14[%dma_start3A, %dma_start3A_20] : memref<10000x16xf32, #tpu.memory_space<vmem_shared>> -> memref<10000x16xf32, #tpu.memory_space<vmem_shared>>
    tpu.enqueue_indirect_dma source(%dma_start3A_21 : memref<10000x16xf32, #tpu.memory_space<vmem_shared>>) target(%arg8 : memref<2000x16xf32, #tpu.memory_space<vmem>>) offsets(%arg6 : memref<2000xi32, #tpu.memory_space<vmem>>) semaphore(%arg15 : memref<!tpu.dma_semaphore, #tpu.memory_space<semaphore_mem>>)
    %dma_wait3A = arith.constant 0 : i32
    %dma_wait3A_22 = arith.constant 0 : i32
    %dma_wait3A_23 = tpu.memref_slice %arg14[%dma_wait3A, %dma_wait3A_22] : memref<10000x16xf32, #tpu.memory_space<vmem_shared>> -> memref<10000x16xf32, #tpu.memory_space<vmem_shared>>
    tpu.wait_indirect_dma semaphore(%arg15 : memref<!tpu.dma_semaphore, #tpu.memory_space<semaphore_mem>>) src(%dma_wait3A_23 : memref<10000x16xf32, #tpu.memory_space<vmem_shared>>) dst(%arg8 : memref<2000x16xf32, #tpu.memory_space<vmem>>)
    %add3A_24 = arith.constant 2000 : i32
    %add3A_25 = arith.addi %mul3A_16, %add3A_24 : i32
    %multiple_of3A_26 = tpu.assume_multiple %add3A_25, 8 : i32
    "tpu.region"() ({
      %run_scoped3A = tpu.sem_alloc : memref<!tpu.dma_semaphore, #tpu.memory_space<semaphore_mem>>
      %dma_start3A_71 = tpu.memref_slice %arg3[%multiple_of3A_26] : memref<320000xi32, #tpu.memory_space<hbm>> -> memref<2000xi32, #tpu.memory_space<hbm>>
      %dma_start3A_72 = tpu.memref_slice %arg3[%multiple_of3A_26] : memref<320000xi32, #tpu.memory_space<hbm>> -> memref<2000xi32, #tpu.memory_space<hbm>>
      tpu.enqueue_dma source(%dma_start3A_72 : memref<2000xi32, #tpu.memory_space<hbm>>) target(%arg9 : memref<2000xi32, #tpu.memory_space<vmem>>) target_semaphore(%run_scoped3A : memref<!tpu.dma_semaphore, #tpu.memory_space<semaphore_mem>>)
      %dma_wait3A_73 = tpu.memref_slice %arg3[%multiple_of3A_26] : memref<320000xi32, #tpu.memory_space<hbm>> -> memref<2000xi32, #tpu.memory_space<hbm>>
      %dma_wait3A_74 = tpu.memref_slice %arg3[%multiple_of3A_26] : memref<320000xi32, #tpu.memory_space<hbm>> -> memref<2000xi32, #tpu.memory_space<hbm>>
      tpu.wait_dma2 semaphore(%run_scoped3A : memref<!tpu.dma_semaphore, #tpu.memory_space<semaphore_mem>>) src(%dma_wait3A_74 : memref<2000xi32, #tpu.memory_space<hbm>>) dst(%arg9 : memref<2000xi32, #tpu.memory_space<vmem>>)
      tpu.yield
    }) : () -> ()
    "tpu.region"() ({
      %run_scoped3A = tpu.sem_alloc : memref<!tpu.dma_semaphore, #tpu.memory_space<semaphore_mem>>
      %dma_start3A_71 = tpu.memref_slice %arg4[%multiple_of3A_26] : memref<320000xi32, #tpu.memory_space<hbm>> -> memref<2000xi32, #tpu.memory_space<hbm>>
      %dma_start3A_72 = tpu.memref_slice %arg4[%multiple_of3A_26] : memref<320000xi32, #tpu.memory_space<hbm>> -> memref<2000xi32, #tpu.memory_space<hbm>>
      tpu.enqueue_dma source(%dma_start3A_72 : memref<2000xi32, #tpu.memory_space<hbm>>) target(%arg10 : memref<2000xi32, #tpu.memory_space<vmem>>) target_semaphore(%run_scoped3A : memref<!tpu.dma_semaphore, #tpu.memory_space<semaphore_mem>>)
      %dma_wait3A_73 = tpu.memref_slice %arg4[%multiple_of3A_26] : memref<320000xi32, #tpu.memory_space<hbm>> -> memref<2000xi32, #tpu.memory_space<hbm>>
      %dma_wait3A_74 = tpu.memref_slice %arg4[%multiple_of3A_26] : memref<320000xi32, #tpu.memory_space<hbm>> -> memref<2000xi32, #tpu.memory_space<hbm>>
      tpu.wait_dma2 semaphore(%run_scoped3A : memref<!tpu.dma_semaphore, #tpu.memory_space<semaphore_mem>>) src(%dma_wait3A_74 : memref<2000xi32, #tpu.memory_space<hbm>>) dst(%arg10 : memref<2000xi32, #tpu.memory_space<vmem>>)
      tpu.yield
    }) : () -> ()
    %dma_start3A_27 = arith.constant 0 : i32
    %dma_start3A_28 = arith.constant 0 : i32
    %dma_start3A_29 = tpu.memref_slice %arg14[%dma_start3A_27, %dma_start3A_28] : memref<10000x16xf32, #tpu.memory_space<vmem_shared>> -> memref<10000x16xf32, #tpu.memory_space<vmem_shared>>
    tpu.enqueue_indirect_dma source(%dma_start3A_29 : memref<10000x16xf32, #tpu.memory_space<vmem_shared>>) target(%arg11 : memref<2000x16xf32, #tpu.memory_space<vmem>>) offsets(%arg9 : memref<2000xi32, #tpu.memory_space<vmem>>) semaphore(%arg16 : memref<!tpu.dma_semaphore, #tpu.memory_space<semaphore_mem>>)
    "tpu.region"() ({
      %run_scoped3A = tpu.sem_alloc : memref<!tpu.dma_semaphore, #tpu.memory_space<semaphore_mem>>
      %dma_start3A_71 = arith.constant 0 : i32
      %dma_start3A_72 = arith.constant 0 : i32
      %dma_start3A_73 = tpu.memref_slice %arg13[%dma_start3A_71, %dma_start3A_72] : memref<10000x16xf32, #tpu.memory_space<vmem_shared>> -> memref<10000x16xf32, #tpu.memory_space<vmem_shared>>
      tpu.enqueue_indirect_dma source(%arg8 : memref<2000x16xf32, #tpu.memory_space<vmem>>) target(%dma_start3A_73 : memref<10000x16xf32, #tpu.memory_space<vmem_shared>>) offsets(%arg7 : memref<2000xi32, #tpu.memory_space<vmem>>) semaphore(%run_scoped3A : memref<!tpu.dma_semaphore, #tpu.memory_space<semaphore_mem>>) {add = true}
      %dma_wait3A_74 = arith.constant 0 : i32
      %dma_wait3A_75 = arith.constant 0 : i32
      %dma_wait3A_76 = tpu.memref_slice %arg13[%dma_wait3A_74, %dma_wait3A_75] : memref<10000x16xf32, #tpu.memory_space<vmem_shared>> -> memref<10000x16xf32, #tpu.memory_space<vmem_shared>>
      tpu.wait_indirect_dma semaphore(%run_scoped3A : memref<!tpu.dma_semaphore, #tpu.memory_space<semaphore_mem>>) src(%arg8 : memref<2000x16xf32, #tpu.memory_space<vmem>>) dst(%dma_wait3A_76 : memref<10000x16xf32, #tpu.memory_space<vmem_shared>>)
      tpu.yield
    }) : () -> ()
    %dma_wait3A_30 = arith.constant 0 : i32
    %dma_wait3A_31 = arith.constant 0 : i32
    %dma_wait3A_32 = tpu.memref_slice %arg14[%dma_wait3A_30, %dma_wait3A_31] : memref<10000x16xf32, #tpu.memory_space<vmem_shared>> -> memref<10000x16xf32, #tpu.memory_space<vmem_shared>>
    tpu.wait_indirect_dma semaphore(%arg16 : memref<!tpu.dma_semaphore, #tpu.memory_space<semaphore_mem>>) src(%dma_wait3A_32 : memref<10000x16xf32, #tpu.memory_space<vmem_shared>>) dst(%arg11 : memref<2000x16xf32, #tpu.memory_space<vmem>>)
    %add3A_33 = arith.constant 4000 : i32
    %add3A_34 = arith.addi %mul3A_16, %add3A_33 : i32
    %multiple_of3A_35 = tpu.assume_multiple %add3A_34, 8 : i32
    "tpu.region"() ({
      %run_scoped3A = tpu.sem_alloc : memref<!tpu.dma_semaphore, #tpu.memory_space<semaphore_mem>>
      %dma_start3A_71 = tpu.memref_slice %arg3[%multiple_of3A_35] : memref<320000xi32, #tpu.memory_space<hbm>> -> memref<2000xi32, #tpu.memory_space<hbm>>
      %dma_start3A_72 = tpu.memref_slice %arg3[%multiple_of3A_35] : memref<320000xi32, #tpu.memory_space<hbm>> -> memref<2000xi32, #tpu.memory_space<hbm>>
      tpu.enqueue_dma source(%dma_start3A_72 : memref<2000xi32, #tpu.memory_space<hbm>>) target(%arg6 : memref<2000xi32, #tpu.memory_space<vmem>>) target_semaphore(%run_scoped3A : memref<!tpu.dma_semaphore, #tpu.memory_space<semaphore_mem>>)
      %dma_wait3A_73 = tpu.memref_slice %arg3[%multiple_of3A_35] : memref<320000xi32, #tpu.memory_space<hbm>> -> memref<2000xi32, #tpu.memory_space<hbm>>
      %dma_wait3A_74 = tpu.memref_slice %arg3[%multiple_of3A_35] : memref<320000xi32, #tpu.memory_space<hbm>> -> memref<2000xi32, #tpu.memory_space<hbm>>
      tpu.wait_dma2 semaphore(%run_scoped3A : memref<!tpu.dma_semaphore, #tpu.memory_space<semaphore_mem>>) src(%dma_wait3A_74 : memref<2000xi32, #tpu.memory_space<hbm>>) dst(%arg6 : memref<2000xi32, #tpu.memory_space<vmem>>)
      tpu.yield
    }) : () -> ()
    "tpu.region"() ({
      %run_scoped3A = tpu.sem_alloc : memref<!tpu.dma_semaphore, #tpu.memory_space<semaphore_mem>>
      %dma_start3A_71 = tpu.memref_slice %arg4[%multiple_of3A_35] : memref<320000xi32, #tpu.memory_space<hbm>> -> memref<2000xi32, #tpu.memory_space<hbm>>
      %dma_start3A_72 = tpu.memref_slice %arg4[%multiple_of3A_35] : memref<320000xi32, #tpu.memory_space<hbm>> -> memref<2000xi32, #tpu.memory_space<hbm>>
      tpu.enqueue_dma source(%dma_start3A_72 : memref<2000xi32, #tpu.memory_space<hbm>>) target(%arg7 : memref<2000xi32, #tpu.memory_space<vmem>>) target_semaphore(%run_scoped3A : memref<!tpu.dma_semaphore, #tpu.memory_space<semaphore_mem>>)
      %dma_wait3A_73 = tpu.memref_slice %arg4[%multiple_of3A_35] : memref<320000xi32, #tpu.memory_space<hbm>> -> memref<2000xi32, #tpu.memory_space<hbm>>
      %dma_wait3A_74 = tpu.memref_slice %arg4[%multiple_of3A_35] : memref<320000xi32, #tpu.memory_space<hbm>> -> memref<2000xi32, #tpu.memory_space<hbm>>
      tpu.wait_dma2 semaphore(%run_scoped3A : memref<!tpu.dma_semaphore, #tpu.memory_space<semaphore_mem>>) src(%dma_wait3A_74 : memref<2000xi32, #tpu.memory_space<hbm>>) dst(%arg7 : memref<2000xi32, #tpu.memory_space<vmem>>)
      tpu.yield
    }) : () -> ()
    %dma_start3A_36 = arith.constant 0 : i32
    %dma_start3A_37 = arith.constant 0 : i32
    %dma_start3A_38 = tpu.memref_slice %arg14[%dma_start3A_36, %dma_start3A_37] : memref<10000x16xf32, #tpu.memory_space<vmem_shared>> -> memref<10000x16xf32, #tpu.memory_space<vmem_shared>>
    tpu.enqueue_indirect_dma source(%dma_start3A_38 : memref<10000x16xf32, #tpu.memory_space<vmem_shared>>) target(%arg8 : memref<2000x16xf32, #tpu.memory_space<vmem>>) offsets(%arg6 : memref<2000xi32, #tpu.memory_space<vmem>>) semaphore(%arg15 : memref<!tpu.dma_semaphore, #tpu.memory_space<semaphore_mem>>)
    "tpu.region"() ({
      %run_scoped3A = tpu.sem_alloc : memref<!tpu.dma_semaphore, #tpu.memory_space<semaphore_mem>>
      %dma_start3A_71 = arith.constant 0 : i32
      %dma_start3A_72 = arith.constant 0 : i32
      %dma_start3A_73 = tpu.memref_slice %arg13[%dma_start3A_71, %dma_start3A_72] : memref<10000x16xf32, #tpu.memory_space<vmem_shared>> -> memref<10000x16xf32, #tpu.memory_space<vmem_shared>>
      tpu.enqueue_indirect_dma source(%arg11 : memref<2000x16xf32, #tpu.memory_space<vmem>>) target(%dma_start3A_73 : memref<10000x16xf32, #tpu.memory_space<vmem_shared>>) offsets(%arg10 : memref<2000xi32, #tpu.memory_space<vmem>>) semaphore(%run_scoped3A : memref<!tpu.dma_semaphore, #tpu.memory_space<semaphore_mem>>) {add = true}
      %dma_wait3A_74 = arith.constant 0 : i32
      %dma_wait3A_75 = arith.constant 0 : i32
      %dma_wait3A_76 = tpu.memref_slice %arg13[%dma_wait3A_74, %dma_wait3A_75] : memref<10000x16xf32, #tpu.memory_space<vmem_shared>> -> memref<10000x16xf32, #tpu.memory_space<vmem_shared>>
      tpu.wait_indirect_dma semaphore(%run_scoped3A : memref<!tpu.dma_semaphore, #tpu.memory_space<semaphore_mem>>) src(%arg11 : memref<2000x16xf32, #tpu.memory_space<vmem>>) dst(%dma_wait3A_76 : memref<10000x16xf32, #tpu.memory_space<vmem_shared>>)
      tpu.yield
    }) : () -> ()
    %dma_wait3A_39 = arith.constant 0 : i32
    %dma_wait3A_40 = arith.constant 0 : i32
    %dma_wait3A_41 = tpu.memref_slice %arg14[%dma_wait3A_39, %dma_wait3A_40] : memref<10000x16xf32, #tpu.memory_space<vmem_shared>> -> memref<10000x16xf32, #tpu.memory_space<vmem_shared>>
    tpu.wait_indirect_dma semaphore(%arg15 : memref<!tpu.dma_semaphore, #tpu.memory_space<semaphore_mem>>) src(%dma_wait3A_41 : memref<10000x16xf32, #tpu.memory_space<vmem_shared>>) dst(%arg8 : memref<2000x16xf32, #tpu.memory_space<vmem>>)
    %add3A_42 = arith.constant 6000 : i32
    %add3A_43 = arith.addi %mul3A_16, %add3A_42 : i32
    %multiple_of3A_44 = tpu.assume_multiple %add3A_43, 8 : i32
    "tpu.region"() ({
      %run_scoped3A = tpu.sem_alloc : memref<!tpu.dma_semaphore, #tpu.memory_space<semaphore_mem>>
      %dma_start3A_71 = tpu.memref_slice %arg3[%multiple_of3A_44] : memref<320000xi32, #tpu.memory_space<hbm>> -> memref<2000xi32, #tpu.memory_space<hbm>>
      %dma_start3A_72 = tpu.memref_slice %arg3[%multiple_of3A_44] : memref<320000xi32, #tpu.memory_space<hbm>> -> memref<2000xi32, #tpu.memory_space<hbm>>
      tpu.enqueue_dma source(%dma_start3A_72 : memref<2000xi32, #tpu.memory_space<hbm>>) target(%arg9 : memref<2000xi32, #tpu.memory_space<vmem>>) target_semaphore(%run_scoped3A : memref<!tpu.dma_semaphore, #tpu.memory_space<semaphore_mem>>)
      %dma_wait3A_73 = tpu.memref_slice %arg3[%multiple_of3A_44] : memref<320000xi32, #tpu.memory_space<hbm>> -> memref<2000xi32, #tpu.memory_space<hbm>>
      %dma_wait3A_74 = tpu.memref_slice %arg3[%multiple_of3A_44] : memref<320000xi32, #tpu.memory_space<hbm>> -> memref<2000xi32, #tpu.memory_space<hbm>>
      tpu.wait_dma2 semaphore(%run_scoped3A : memref<!tpu.dma_semaphore, #tpu.memory_space<semaphore_mem>>) src(%dma_wait3A_74 : memref<2000xi32, #tpu.memory_space<hbm>>) dst(%arg9 : memref<2000xi32, #tpu.memory_space<vmem>>)
      tpu.yield
    }) : () -> ()
    "tpu.region"() ({
      %run_scoped3A = tpu.sem_alloc : memref<!tpu.dma_semaphore, #tpu.memory_space<semaphore_mem>>
      %dma_start3A_71 = tpu.memref_slice %arg4[%multiple_of3A_44] : memref<320000xi32, #tpu.memory_space<hbm>> -> memref<2000xi32, #tpu.memory_space<hbm>>
      %dma_start3A_72 = tpu.memref_slice %arg4[%multiple_of3A_44] : memref<320000xi32, #tpu.memory_space<hbm>> -> memref<2000xi32, #tpu.memory_space<hbm>>
      tpu.enqueue_dma source(%dma_start3A_72 : memref<2000xi32, #tpu.memory_space<hbm>>) target(%arg10 : memref<2000xi32, #tpu.memory_space<vmem>>) target_semaphore(%run_scoped3A : memref<!tpu.dma_semaphore, #tpu.memory_space<semaphore_mem>>)
      %dma_wait3A_73 = tpu.memref_slice %arg4[%multiple_of3A_44] : memref<320000xi32, #tpu.memory_space<hbm>> -> memref<2000xi32, #tpu.memory_space<hbm>>
      %dma_wait3A_74 = tpu.memref_slice %arg4[%multiple_of3A_44] : memref<320000xi32, #tpu.memory_space<hbm>> -> memref<2000xi32, #tpu.memory_space<hbm>>
      tpu.wait_dma2 semaphore(%run_scoped3A : memref<!tpu.dma_semaphore, #tpu.memory_space<semaphore_mem>>) src(%dma_wait3A_74 : memref<2000xi32, #tpu.memory_space<hbm>>) dst(%arg10 : memref<2000xi32, #tpu.memory_space<vmem>>)
      tpu.yield
    }) : () -> ()
    %dma_start3A_45 = arith.constant 0 : i32
    %dma_start3A_46 = arith.constant 0 : i32
    %dma_start3A_47 = tpu.memref_slice %arg14[%dma_start3A_45, %dma_start3A_46] : memref<10000x16xf32, #tpu.memory_space<vmem_shared>> -> memref<10000x16xf32, #tpu.memory_space<vmem_shared>>
    tpu.enqueue_indirect_dma source(%dma_start3A_47 : memref<10000x16xf32, #tpu.memory_space<vmem_shared>>) target(%arg11 : memref<2000x16xf32, #tpu.memory_space<vmem>>) offsets(%arg9 : memref<2000xi32, #tpu.memory_space<vmem>>) semaphore(%arg16 : memref<!tpu.dma_semaphore, #tpu.memory_space<semaphore_mem>>)
    "tpu.region"() ({
      %run_scoped3A = tpu.sem_alloc : memref<!tpu.dma_semaphore, #tpu.memory_space<semaphore_mem>>
      %dma_start3A_71 = arith.constant 0 : i32
      %dma_start3A_72 = arith.constant 0 : i32
      %dma_start3A_73 = tpu.memref_slice %arg13[%dma_start3A_71, %dma_start3A_72] : memref<10000x16xf32, #tpu.memory_space<vmem_shared>> -> memref<10000x16xf32, #tpu.memory_space<vmem_shared>>
      tpu.enqueue_indirect_dma source(%arg8 : memref<2000x16xf32, #tpu.memory_space<vmem>>) target(%dma_start3A_73 : memref<10000x16xf32, #tpu.memory_space<vmem_shared>>) offsets(%arg7 : memref<2000xi32, #tpu.memory_space<vmem>>) semaphore(%run_scoped3A : memref<!tpu.dma_semaphore, #tpu.memory_space<semaphore_mem>>) {add = true}
      %dma_wait3A_74 = arith.constant 0 : i32
      %dma_wait3A_75 = arith.constant 0 : i32
      %dma_wait3A_76 = tpu.memref_slice %arg13[%dma_wait3A_74, %dma_wait3A_75] : memref<10000x16xf32, #tpu.memory_space<vmem_shared>> -> memref<10000x16xf32, #tpu.memory_space<vmem_shared>>
      tpu.wait_indirect_dma semaphore(%run_scoped3A : memref<!tpu.dma_semaphore, #tpu.memory_space<semaphore_mem>>) src(%arg8 : memref<2000x16xf32, #tpu.memory_space<vmem>>) dst(%dma_wait3A_76 : memref<10000x16xf32, #tpu.memory_space<vmem_shared>>)
      tpu.yield
    }) : () -> ()
    %dma_wait3A_48 = arith.constant 0 : i32
    %dma_wait3A_49 = arith.constant 0 : i32
    %dma_wait3A_50 = tpu.memref_slice %arg14[%dma_wait3A_48, %dma_wait3A_49] : memref<10000x16xf32, #tpu.memory_space<vmem_shared>> -> memref<10000x16xf32, #tpu.memory_space<vmem_shared>>
    tpu.wait_indirect_dma semaphore(%arg16 : memref<!tpu.dma_semaphore, #tpu.memory_space<semaphore_mem>>) src(%dma_wait3A_50 : memref<10000x16xf32, #tpu.memory_space<vmem_shared>>) dst(%arg11 : memref<2000x16xf32, #tpu.memory_space<vmem>>)
    %add3A_51 = arith.constant 8000 : i32
    %add3A_52 = arith.addi %mul3A_16, %add3A_51 : i32
    %multiple_of3A_53 = tpu.assume_multiple %add3A_52, 8 : i32
    "tpu.region"() ({
      %run_scoped3A = tpu.sem_alloc : memref<!tpu.dma_semaphore, #tpu.memory_space<semaphore_mem>>
      %dma_start3A_71 = tpu.memref_slice %arg3[%multiple_of3A_53] : memref<320000xi32, #tpu.memory_space<hbm>> -> memref<2000xi32, #tpu.memory_space<hbm>>
      %dma_start3A_72 = tpu.memref_slice %arg3[%multiple_of3A_53] : memref<320000xi32, #tpu.memory_space<hbm>> -> memref<2000xi32, #tpu.memory_space<hbm>>
      tpu.enqueue_dma source(%dma_start3A_72 : memref<2000xi32, #tpu.memory_space<hbm>>) target(%arg6 : memref<2000xi32, #tpu.memory_space<vmem>>) target_semaphore(%run_scoped3A : memref<!tpu.dma_semaphore, #tpu.memory_space<semaphore_mem>>)
      %dma_wait3A_73 = tpu.memref_slice %arg3[%multiple_of3A_53] : memref<320000xi32, #tpu.memory_space<hbm>> -> memref<2000xi32, #tpu.memory_space<hbm>>
      %dma_wait3A_74 = tpu.memref_slice %arg3[%multiple_of3A_53] : memref<320000xi32, #tpu.memory_space<hbm>> -> memref<2000xi32, #tpu.memory_space<hbm>>
      tpu.wait_dma2 semaphore(%run_scoped3A : memref<!tpu.dma_semaphore, #tpu.memory_space<semaphore_mem>>) src(%dma_wait3A_74 : memref<2000xi32, #tpu.memory_space<hbm>>) dst(%arg6 : memref<2000xi32, #tpu.memory_space<vmem>>)
      tpu.yield
    }) : () -> ()
    "tpu.region"() ({
      %run_scoped3A = tpu.sem_alloc : memref<!tpu.dma_semaphore, #tpu.memory_space<semaphore_mem>>
      %dma_start3A_71 = tpu.memref_slice %arg4[%multiple_of3A_53] : memref<320000xi32, #tpu.memory_space<hbm>> -> memref<2000xi32, #tpu.memory_space<hbm>>
      %dma_start3A_72 = tpu.memref_slice %arg4[%multiple_of3A_53] : memref<320000xi32, #tpu.memory_space<hbm>> -> memref<2000xi32, #tpu.memory_space<hbm>>
      tpu.enqueue_dma source(%dma_start3A_72 : memref<2000xi32, #tpu.memory_space<hbm>>) target(%arg7 : memref<2000xi32, #tpu.memory_space<vmem>>) target_semaphore(%run_scoped3A : memref<!tpu.dma_semaphore, #tpu.memory_space<semaphore_mem>>)
      %dma_wait3A_73 = tpu.memref_slice %arg4[%multiple_of3A_53] : memref<320000xi32, #tpu.memory_space<hbm>> -> memref<2000xi32, #tpu.memory_space<hbm>>
      %dma_wait3A_74 = tpu.memref_slice %arg4[%multiple_of3A_53] : memref<320000xi32, #tpu.memory_space<hbm>> -> memref<2000xi32, #tpu.memory_space<hbm>>
      tpu.wait_dma2 semaphore(%run_scoped3A : memref<!tpu.dma_semaphore, #tpu.memory_space<semaphore_mem>>) src(%dma_wait3A_74 : memref<2000xi32, #tpu.memory_space<hbm>>) dst(%arg7 : memref<2000xi32, #tpu.memory_space<vmem>>)
      tpu.yield
    }) : () -> ()
    %dma_start3A_54 = arith.constant 0 : i32
    %dma_start3A_55 = arith.constant 0 : i32
    %dma_start3A_56 = tpu.memref_slice %arg14[%dma_start3A_54, %dma_start3A_55] : memref<10000x16xf32, #tpu.memory_space<vmem_shared>> -> memref<10000x16xf32, #tpu.memory_space<vmem_shared>>
    tpu.enqueue_indirect_dma source(%dma_start3A_56 : memref<10000x16xf32, #tpu.memory_space<vmem_shared>>) target(%arg8 : memref<2000x16xf32, #tpu.memory_space<vmem>>) offsets(%arg6 : memref<2000xi32, #tpu.memory_space<vmem>>) semaphore(%arg15 : memref<!tpu.dma_semaphore, #tpu.memory_space<semaphore_mem>>)
    "tpu.region"() ({
      %run_scoped3A = tpu.sem_alloc : memref<!tpu.dma_semaphore, #tpu.memory_space<semaphore_mem>>
      %dma_start3A_71 = arith.constant 0 : i32
      %dma_start3A_72 = arith.constant 0 : i32
      %dma_start3A_73 = tpu.memref_slice %arg13[%dma_start3A_71, %dma_start3A_72] : memref<10000x16xf32, #tpu.memory_space<vmem_shared>> -> memref<10000x16xf32, #tpu.memory_space<vmem_shared>>
      tpu.enqueue_indirect_dma source(%arg11 : memref<2000x16xf32, #tpu.memory_space<vmem>>) target(%dma_start3A_73 : memref<10000x16xf32, #tpu.memory_space<vmem_shared>>) offsets(%arg10 : memref<2000xi32, #tpu.memory_space<vmem>>) semaphore(%run_scoped3A : memref<!tpu.dma_semaphore, #tpu.memory_space<semaphore_mem>>) {add = true}
      %dma_wait3A_74 = arith.constant 0 : i32
      %dma_wait3A_75 = arith.constant 0 : i32
      %dma_wait3A_76 = tpu.memref_slice %arg13[%dma_wait3A_74, %dma_wait3A_75] : memref<10000x16xf32, #tpu.memory_space<vmem_shared>> -> memref<10000x16xf32, #tpu.memory_space<vmem_shared>>
      tpu.wait_indirect_dma semaphore(%run_scoped3A : memref<!tpu.dma_semaphore, #tpu.memory_space<semaphore_mem>>) src(%arg11 : memref<2000x16xf32, #tpu.memory_space<vmem>>) dst(%dma_wait3A_76 : memref<10000x16xf32, #tpu.memory_space<vmem_shared>>)
      tpu.yield
    }) : () -> ()
    %dma_wait3A_57 = arith.constant 0 : i32
    %dma_wait3A_58 = arith.constant 0 : i32
    %dma_wait3A_59 = tpu.memref_slice %arg14[%dma_wait3A_57, %dma_wait3A_58] : memref<10000x16xf32, #tpu.memory_space<vmem_shared>> -> memref<10000x16xf32, #tpu.memory_space<vmem_shared>>
    tpu.wait_indirect_dma semaphore(%arg15 : memref<!tpu.dma_semaphore, #tpu.memory_space<semaphore_mem>>) src(%dma_wait3A_59 : memref<10000x16xf32, #tpu.memory_space<vmem_shared>>) dst(%arg8 : memref<2000x16xf32, #tpu.memory_space<vmem>>)
    "tpu.region"() ({
      %run_scoped3A = tpu.sem_alloc : memref<!tpu.dma_semaphore, #tpu.memory_space<semaphore_mem>>
      %dma_start3A_71 = arith.constant 0 : i32
      %dma_start3A_72 = arith.constant 0 : i32
      %dma_start3A_73 = tpu.memref_slice %arg13[%dma_start3A_71, %dma_start3A_72] : memref<10000x16xf32, #tpu.memory_space<vmem_shared>> -> memref<10000x16xf32, #tpu.memory_space<vmem_shared>>
      tpu.enqueue_indirect_dma source(%arg8 : memref<2000x16xf32, #tpu.memory_space<vmem>>) target(%dma_start3A_73 : memref<10000x16xf32, #tpu.memory_space<vmem_shared>>) offsets(%arg7 : memref<2000xi32, #tpu.memory_space<vmem>>) semaphore(%run_scoped3A : memref<!tpu.dma_semaphore, #tpu.memory_space<semaphore_mem>>) {add = true}
      %dma_wait3A_74 = arith.constant 0 : i32
      %dma_wait3A_75 = arith.constant 0 : i32
      %dma_wait3A_76 = tpu.memref_slice %arg13[%dma_wait3A_74, %dma_wait3A_75] : memref<10000x16xf32, #tpu.memory_space<vmem_shared>> -> memref<10000x16xf32, #tpu.memory_space<vmem_shared>>
      tpu.wait_indirect_dma semaphore(%run_scoped3A : memref<!tpu.dma_semaphore, #tpu.memory_space<semaphore_mem>>) src(%arg8 : memref<2000x16xf32, #tpu.memory_space<vmem>>) dst(%dma_wait3A_76 : memref<10000x16xf32, #tpu.memory_space<vmem_shared>>)
      tpu.yield
    }) : () -> ()
    %barrier3A_60 = arith.constant 0 : index
    tpu.barrier barrier_id(%barrier3A_60)
    %lt3A_61 = arith.constant 15 : i32
    %lt3A_62 = arith.cmpi slt, %arg1, %lt3A_61 : i32
    %convert_element_type3A_63 = arith.extui %lt3A_62 : i1 to i32
    %cond3A_64 = arith.constant 0 : i32
    %cond3A_65 = arith.cmpi ne, %convert_element_type3A_63, %cond3A_64 : i32
    scf.if %cond3A_65 {
      "tpu.region"() ({
        %run_scoped3A = tpu.sem_alloc : memref<!tpu.dma_semaphore, #tpu.memory_space<semaphore_mem>>
        %dma_start3A_71 = arith.constant 0 : i32
        %dma_start3A_72 = tpu.memref_slice %arg5[%arg0, %multiple_of3A, %dma_start3A_71] : memref<2x10000x16xf32, #tpu.memory_space<hbm>> -> memref<1x640x16xf32, #tpu.memory_space<hbm>>
        %dma_start3A_73 = tpu.memref_squeeze %dma_start3A_72 : memref<1x640x16xf32, #tpu.memory_space<hbm>> -> memref<640x16xf32, #tpu.memory_space<hbm>>
        %dma_start3A_74 = arith.constant 0 : i32
        %dma_start3A_75 = tpu.memref_slice %arg13[%multiple_of3A, %dma_start3A_74] : memref<10000x16xf32, #tpu.memory_space<vmem_shared>> -> memref<640x16xf32, #tpu.memory_space<vmem_shared>>
        tpu.enqueue_dma source(%dma_start3A_75 : memref<640x16xf32, #tpu.memory_space<vmem_shared>>) target(%dma_start3A_73 : memref<640x16xf32, #tpu.memory_space<hbm>>) target_semaphore(%run_scoped3A : memref<!tpu.dma_semaphore, #tpu.memory_space<semaphore_mem>>)
        %dma_wait3A_76 = arith.constant 0 : i32
        %dma_wait3A_77 = tpu.memref_slice %arg5[%arg0, %multiple_of3A, %dma_wait3A_76] : memref<2x10000x16xf32, #tpu.memory_space<hbm>> -> memref<1x640x16xf32, #tpu.memory_space<hbm>>
        %dma_wait3A_78 = tpu.memref_squeeze %dma_wait3A_77 : memref<1x640x16xf32, #tpu.memory_space<hbm>> -> memref<640x16xf32, #tpu.memory_space<hbm>>
        %dma_wait3A_79 = arith.constant 0 : i32
        %dma_wait3A_80 = tpu.memref_slice %arg13[%multiple_of3A, %dma_wait3A_79] : memref<10000x16xf32, #tpu.memory_space<vmem_shared>> -> memref<640x16xf32, #tpu.memory_space<vmem_shared>>
        tpu.wait_dma2 semaphore(%run_scoped3A : memref<!tpu.dma_semaphore, #tpu.memory_space<semaphore_mem>>) src(%dma_wait3A_80 : memref<640x16xf32, #tpu.memory_space<vmem_shared>>) dst(%dma_wait3A_78 : memref<640x16xf32, #tpu.memory_space<hbm>>)
        tpu.yield
      }) : () -> ()
    } else {
    }
    %eq3A_66 = arith.constant 15 : i32
    %eq3A_67 = arith.cmpi eq, %arg1, %eq3A_66 : i32
    %convert_element_type3A_68 = arith.extui %eq3A_67 : i1 to i32
    %cond3A_69 = arith.constant 0 : i32
    %cond3A_70 = arith.cmpi ne, %convert_element_type3A_68, %cond3A_69 : i32
    scf.if %cond3A_70 {
      "tpu.region"() ({
        %run_scoped3A = tpu.sem_alloc : memref<!tpu.dma_semaphore, #tpu.memory_space<semaphore_mem>>
        %dma_start3A_71 = arith.constant 9600 : i32
        %dma_start3A_72 = arith.constant 0 : i32
        %dma_start3A_73 = tpu.memref_slice %arg5[%arg0, %dma_start3A_71, %dma_start3A_72] : memref<2x10000x16xf32, #tpu.memory_space<hbm>> -> memref<1x400x16xf32, #tpu.memory_space<hbm>>
        %dma_start3A_74 = tpu.memref_squeeze %dma_start3A_73 : memref<1x400x16xf32, #tpu.memory_space<hbm>> -> memref<400x16xf32, #tpu.memory_space<hbm>>
        %dma_start3A_75 = arith.constant 9600 : i32
        %dma_start3A_76 = arith.constant 0 : i32
        %dma_start3A_77 = tpu.memref_slice %arg13[%dma_start3A_75, %dma_start3A_76] : memref<10000x16xf32, #tpu.memory_space<vmem_shared>> -> memref<400x16xf32, #tpu.memory_space<vmem_shared>>
        tpu.enqueue_dma source(%dma_start3A_77 : memref<400x16xf32, #tpu.memory_space<vmem_shared>>) target(%dma_start3A_74 : memref<400x16xf32, #tpu.memory_space<hbm>>) target_semaphore(%run_scoped3A : memref<!tpu.dma_semaphore, #tpu.memory_space<semaphore_mem>>)
        %dma_wait3A_78 = arith.constant 9600 : i32
        %dma_wait3A_79 = arith.constant 0 : i32
        %dma_wait3A_80 = tpu.memref_slice %arg5[%arg0, %dma_wait3A_78, %dma_wait3A_79] : memref<2x10000x16xf32, #tpu.memory_space<hbm>> -> memref<1x400x16xf32, #tpu.memory_space<hbm>>
        %dma_wait3A_81 = tpu.memref_squeeze %dma_wait3A_80 : memref<1x400x16xf32, #tpu.memory_space<hbm>> -> memref<400x16xf32, #tpu.memory_space<hbm>>
        %dma_wait3A_82 = arith.constant 9600 : i32
        %dma_wait3A_83 = arith.constant 0 : i32
        %dma_wait3A_84 = tpu.memref_slice %arg13[%dma_wait3A_82, %dma_wait3A_83] : memref<10000x16xf32, #tpu.memory_space<vmem_shared>> -> memref<400x16xf32, #tpu.memory_space<vmem_shared>>
        tpu.wait_dma2 semaphore(%run_scoped3A : memref<!tpu.dma_semaphore, #tpu.memory_space<semaphore_mem>>) src(%dma_wait3A_84 : memref<400x16xf32, #tpu.memory_space<vmem_shared>>) dst(%dma_wait3A_81 : memref<400x16xf32, #tpu.memory_space<hbm>>)
        tpu.yield
      }) : () -> ()
    } else {
    }
    return
  }
}

module attributes {stable_mosaic.version = 14 : i64} {
  func.func @_mm1_body(%arg0: i32, %arg1: memref<1000x128xf32, #tpu.memory_space<vmem>>, %arg2: memref<128x16xf32, #tpu.memory_space<vmem>>, %arg3: memref<1000x16xf32, #tpu.memory_space<vmem>>) attributes {dimension_semantics = [#tpu.dimension_semantics<arbitrary>], iteration_bounds = array<i64: 10>, scalar_prefetch = 0 : i64, scratch_operands = 0 : i64, tpu.core_type = #tpu.core_type<tc>, window_params = [{transform_indices = @transform_0, window_bounds = array<i64: 1000, 128>}, {pipeline_mode = #tpu.pipeline_mode<synchronous>, transform_indices = @transform_1, window_bounds = array<i64: 128, 16>}, {transform_indices = @transform_2, window_bounds = array<i64: 1000, 16>}]} {
    %get3A = arith.constant 0 : index
    %get3A_0 = arith.constant 0 : index
    %get3A_1 = vector.load %arg1[%get3A, %get3A_0] : memref<1000x128xf32, #tpu.memory_space<vmem>>, vector<1000x128xf32>
    %get3A_2 = arith.constant 0 : index
    %get3A_3 = arith.constant 0 : index
    %get3A_4 = vector.load %arg2[%get3A_2, %get3A_3] : memref<128x16xf32, #tpu.memory_space<vmem>>, vector<128x16xf32>
    %dot_general3A = arith.constant dense<0.000000e+00> : vector<1000x16xf32>
    %dot_general3A_5 = tpu.matmul %get3A_1, %get3A_4, %dot_general3A {dimension_numbers = #tpu.dot_dimension_numbers<[1], [0], [0], [1], [0, 0, 1, 1], [], []>, transpose_lhs_hint = false} : vector<1000x128xf32>, vector<128x16xf32>, vector<1000x16xf32> -> vector<1000x16xf32>
    %swap3A = arith.constant 0 : index
    %swap3A_6 = arith.constant 0 : index
    %swap3A_7 = vector.load %arg3[%swap3A, %swap3A_6] : memref<1000x16xf32, #tpu.memory_space<vmem>>, vector<1000x16xf32>
    tpu.vector_store %arg3[%swap3A, %swap3A_6], %dot_general3A_5 {strides = array<i32>} : memref<1000x16xf32, #tpu.memory_space<vmem>>, vector<1000x16xf32>,
    return
  }
  func.func @transform_0(%arg0: i32) -> (i32, i32) {
    %c0_i32 = arith.constant 0 : i32
    %c0_i32_0 = arith.constant 0 : i32
    return %arg0, %c0_i32 : i32, i32
  }
  func.func @transform_1(%arg0: i32) -> (i32, i32) {
    %c0_i32 = arith.constant 0 : i32
    %c0_i32_0 = arith.constant 0 : i32
    %c0_i32_1 = arith.constant 0 : i32
    return %c0_i32, %c0_i32_0 : i32, i32
  }
  func.func @transform_2(%arg0: i32) -> (i32, i32) {
    %c0_i32 = arith.constant 0 : i32
    %c0_i32_0 = arith.constant 0 : i32
    return %arg0, %c0_i32 : i32, i32
  }
}

module attributes {stable_mosaic.version = 14 : i64} {
  func.func @_stage2_body(%arg0: i32, %arg1: memref<2x1000x16xf32, #tpu.memory_space<vmem>>, %arg2: memref<1000x16xf32, #tpu.memory_space<vmem>>, %arg3: memref<1000x1xf32, #tpu.memory_space<vmem>>, %arg4: memref<1x16xf32, #tpu.memory_space<vmem>>, %arg5: memref<16x16xf32, #tpu.memory_space<vmem>>, %arg6: memref<1000x16xf32, #tpu.memory_space<vmem>>) attributes {dimension_semantics = [#tpu.dimension_semantics<arbitrary>], iteration_bounds = array<i64: 10>, scalar_prefetch = 0 : i64, scratch_operands = 0 : i64, tpu.core_type = #tpu.core_type<tc>, window_params = [{transform_indices = @transform_0, window_bounds = array<i64: 2, 1000, 16>}, {transform_indices = @transform_1, window_bounds = array<i64: 1000, 16>}, {transform_indices = @transform_2, window_bounds = array<i64: 1000, 1>}, {pipeline_mode = #tpu.pipeline_mode<synchronous>, transform_indices = @transform_3, window_bounds = array<i64: 1, 16>}, {pipeline_mode = #tpu.pipeline_mode<synchronous>, transform_indices = @transform_4, window_bounds = array<i64: 16, 16>}, {transform_indices = @transform_5, window_bounds = array<i64: 1000, 16>}]} {
    %get3A = arith.constant 0 : index
    %get3A_0 = arith.constant 0 : index
    %get3A_1 = vector.load %arg3[%get3A, %get3A_0] : memref<1000x1xf32, #tpu.memory_space<vmem>>, vector<1000x1xf32>
    %get3A_2 = arith.constant 0 : index
    %get3A_3 = arith.constant 0 : index
    %get3A_4 = arith.constant 0 : index
    %get3A_5 = vector.load %arg1[%get3A_2, %get3A_3, %get3A_4] : memref<2x1000x16xf32, #tpu.memory_space<vmem>>, vector<1x1000x16xf32>
    %get3A_6 = vector.shape_cast %get3A_5 : vector<1x1000x16xf32> to vector<1000x16xf32>
    %get3A_7 = arith.constant 1 : index
    %get3A_8 = arith.constant 0 : index
    %get3A_9 = arith.constant 0 : index
    %get3A_10 = vector.load %arg1[%get3A_7, %get3A_8, %get3A_9] : memref<2x1000x16xf32, #tpu.memory_space<vmem>>, vector<1x1000x16xf32>
    %get3A_11 = vector.shape_cast %get3A_10 : vector<1x1000x16xf32> to vector<1000x16xf32>
    %add3A = arith.addf %get3A_6, %get3A_11 : vector<1000x16xf32>
    %get3A_12 = arith.constant 0 : index
    %get3A_13 = arith.constant 0 : index
    %get3A_14 = vector.load %arg2[%get3A_12, %get3A_13] : memref<1000x16xf32, #tpu.memory_space<vmem>>, vector<1000x16xf32>
    %add3A_15 = arith.addf %add3A, %get3A_14 : vector<1000x16xf32>
    %mul3A = vector.broadcast %get3A_1 : vector<1000x1xf32> to vector<1000x16xf32>
    %mul3A_16 = arith.mulf %mul3A, %add3A_15 : vector<1000x16xf32>
    %get3A_17 = arith.constant 0 : index
    %get3A_18 = arith.constant 0 : index
    %get3A_19 = vector.load %arg4[%get3A_17, %get3A_18] : memref<1x16xf32, #tpu.memory_space<vmem>>, vector<1x16xf32>
    %add3A_20 = vector.broadcast %get3A_19 : vector<1x16xf32> to vector<1000x16xf32>
    %add3A_21 = arith.addf %mul3A_16, %add3A_20 : vector<1000x16xf32>
    %max3A = arith.constant 0.000000e+00 : f32
    %max3A_22 = vector.broadcast %max3A : f32 to vector<1000x16xf32>
    %max3A_23 = arith.maximumf %add3A_21, %max3A_22 : vector<1000x16xf32>
    %get3A_24 = arith.constant 0 : index
    %get3A_25 = arith.constant 0 : index
    %get3A_26 = vector.load %arg5[%get3A_24, %get3A_25] : memref<16x16xf32, #tpu.memory_space<vmem>>, vector<16x16xf32>
    %dot_general3A = arith.constant dense<0.000000e+00> : vector<1000x16xf32>
    %dot_general3A_27 = tpu.matmul %max3A_23, %get3A_26, %dot_general3A {dimension_numbers = #tpu.dot_dimension_numbers<[1], [0], [0], [1], [0, 0, 1, 1], [], []>, transpose_lhs_hint = false} : vector<1000x16xf32>, vector<16x16xf32>, vector<1000x16xf32> -> vector<1000x16xf32>
    %mul3A_28 = vector.broadcast %get3A_1 : vector<1000x1xf32> to vector<1000x16xf32>
    %mul3A_29 = arith.mulf %dot_general3A_27, %mul3A_28 : vector<1000x16xf32>
    %swap3A = arith.constant 0 : index
    %swap3A_30 = arith.constant 0 : index
    %swap3A_31 = vector.load %arg6[%swap3A, %swap3A_30] : memref<1000x16xf32, #tpu.memory_space<vmem>>, vector<1000x16xf32>
    tpu.vector_store %arg6[%swap3A, %swap3A_30], %mul3A_29 {strides = array<i32>} : memref<1000x16xf32, #tpu.memory_space<vmem>>, vector<1000x16xf32>,
    return
  }
  func.func @transform_0(%arg0: i32) -> (i32, i32, i32) {
    %c0_i32 = arith.constant 0 : i32
    %c0_i32_0 = arith.constant 0 : i32
    %c0_i32_1 = arith.constant 0 : i32
    return %c0_i32, %arg0, %c0_i32_0 : i32, i32, i32
  }
  func.func @transform_1(%arg0: i32) -> (i32, i32) {
    %c0_i32 = arith.constant 0 : i32
    %c0_i32_0 = arith.constant 0 : i32
    return %arg0, %c0_i32 : i32, i32
  }
  func.func @transform_2(%arg0: i32) -> (i32, i32) {
    %c0_i32 = arith.constant 0 : i32
    %c0_i32_0 = arith.constant 0 : i32
    return %arg0, %c0_i32 : i32, i32
  }
  func.func @transform_3(%arg0: i32) -> (i32, i32) {
    %c0_i32 = arith.constant 0 : i32
    %c0_i32_0 = arith.constant 0 : i32
    %c0_i32_1 = arith.constant 0 : i32
    return %c0_i32, %c0_i32_0 : i32, i32
  }
  func.func @transform_4(%arg0: i32) -> (i32, i32) {
    %c0_i32 = arith.constant 0 : i32
    %c0_i32_0 = arith.constant 0 : i32
    %c0_i32_1 = arith.constant 0 : i32
    return %c0_i32, %c0_i32_0 : i32, i32
  }
  func.func @transform_5(%arg0: i32) -> (i32, i32) {
    %c0_i32 = arith.constant 0 : i32
    %c0_i32_0 = arith.constant 0 : i32
    return %arg0, %c0_i32 : i32, i32
  }
}

module attributes {stable_mosaic.version = 14 : i64} {
  func.func @_stage3_body(%arg0: i32, %arg1: memref<2x1000x16xf32, #tpu.memory_space<vmem>>, %arg2: memref<1000x16xf32, #tpu.memory_space<vmem>>, %arg3: memref<1000x1xf32, #tpu.memory_space<vmem>>, %arg4: memref<1x16xf32, #tpu.memory_space<vmem>>, %arg5: memref<1000x16xf32, #tpu.memory_space<vmem>>) attributes {dimension_semantics = [#tpu.dimension_semantics<arbitrary>], iteration_bounds = array<i64: 10>, scalar_prefetch = 0 : i64, scratch_operands = 0 : i64, tpu.core_type = #tpu.core_type<tc>, window_params = [{transform_indices = @transform_0, window_bounds = array<i64: 2, 1000, 16>}, {transform_indices = @transform_1, window_bounds = array<i64: 1000, 16>}, {transform_indices = @transform_2, window_bounds = array<i64: 1000, 1>}, {pipeline_mode = #tpu.pipeline_mode<synchronous>, transform_indices = @transform_3, window_bounds = array<i64: 1, 16>}, {transform_indices = @transform_4, window_bounds = array<i64: 1000, 16>}]} {
    %get3A = arith.constant 0 : index
    %get3A_0 = arith.constant 0 : index
    %get3A_1 = vector.load %arg3[%get3A, %get3A_0] : memref<1000x1xf32, #tpu.memory_space<vmem>>, vector<1000x1xf32>
    %get3A_2 = arith.constant 0 : index
    %get3A_3 = arith.constant 0 : index
    %get3A_4 = arith.constant 0 : index
    %get3A_5 = vector.load %arg1[%get3A_2, %get3A_3, %get3A_4] : memref<2x1000x16xf32, #tpu.memory_space<vmem>>, vector<1x1000x16xf32>
    %get3A_6 = vector.shape_cast %get3A_5 : vector<1x1000x16xf32> to vector<1000x16xf32>
    %get3A_7 = arith.constant 1 : index
    %get3A_8 = arith.constant 0 : index
    %get3A_9 = arith.constant 0 : index
    %get3A_10 = vector.load %arg1[%get3A_7, %get3A_8, %get3A_9] : memref<2x1000x16xf32, #tpu.memory_space<vmem>>, vector<1x1000x16xf32>
    %get3A_11 = vector.shape_cast %get3A_10 : vector<1x1000x16xf32> to vector<1000x16xf32>
    %add3A = arith.addf %get3A_6, %get3A_11 : vector<1000x16xf32>
    %get3A_12 = arith.constant 0 : index
    %get3A_13 = arith.constant 0 : index
    %get3A_14 = vector.load %arg2[%get3A_12, %get3A_13] : memref<1000x16xf32, #tpu.memory_space<vmem>>, vector<1000x16xf32>
    %add3A_15 = arith.addf %add3A, %get3A_14 : vector<1000x16xf32>
    %mul3A = vector.broadcast %get3A_1 : vector<1000x1xf32> to vector<1000x16xf32>
    %mul3A_16 = arith.mulf %mul3A, %add3A_15 : vector<1000x16xf32>
    %get3A_17 = arith.constant 0 : index
    %get3A_18 = arith.constant 0 : index
    %get3A_19 = vector.load %arg4[%get3A_17, %get3A_18] : memref<1x16xf32, #tpu.memory_space<vmem>>, vector<1x16xf32>
    %add3A_20 = vector.broadcast %get3A_19 : vector<1x16xf32> to vector<1000x16xf32>
    %add3A_21 = arith.addf %mul3A_16, %add3A_20 : vector<1000x16xf32>
    %reduce_max3A = arith.constant dense<0xFF800000> : vector<1000xf32>
    %reduce_max3A_22 = vector.multi_reduction <maximumf>, %add3A_21, %reduce_max3A [1] : vector<1000x16xf32> to vector<1000xf32>
    %broadcast_in_dim3A = vector.shape_cast %reduce_max3A_22 : vector<1000xf32> to vector<1000x1xf32>
    %sub3A = vector.broadcast %broadcast_in_dim3A : vector<1000x1xf32> to vector<1000x16xf32>
    %sub3A_23 = arith.subf %add3A_21, %sub3A : vector<1000x16xf32>
    %exp3A = math.exp %sub3A_23 : vector<1000x16xf32>
    %reduce_sum3A = arith.constant dense<0.000000e+00> : vector<1000xf32>
    %reduce_sum3A_24 = vector.multi_reduction <add>, %exp3A, %reduce_sum3A [1] : vector<1000x16xf32> to vector<1000xf32>
    %broadcast_in_dim3A_25 = vector.shape_cast %reduce_sum3A_24 : vector<1000xf32> to vector<1000x1xf32>
    %log3A = math.log %broadcast_in_dim3A_25 : vector<1000x1xf32>
    %sub3A_26 = vector.broadcast %broadcast_in_dim3A : vector<1000x1xf32> to vector<1000x16xf32>
    %sub3A_27 = arith.subf %add3A_21, %sub3A_26 : vector<1000x16xf32>
    %sub3A_28 = vector.broadcast %log3A : vector<1000x1xf32> to vector<1000x16xf32>
    %sub3A_29 = arith.subf %sub3A_27, %sub3A_28 : vector<1000x16xf32>
    %swap3A = arith.constant 0 : index
    %swap3A_30 = arith.constant 0 : index
    %swap3A_31 = vector.load %arg5[%swap3A, %swap3A_30] : memref<1000x16xf32, #tpu.memory_space<vmem>>, vector<1000x16xf32>
    tpu.vector_store %arg5[%swap3A, %swap3A_30], %sub3A_29 {strides = array<i32>} : memref<1000x16xf32, #tpu.memory_space<vmem>>, vector<1000x16xf32>,
    return
  }
  func.func @transform_0(%arg0: i32) -> (i32, i32, i32) {
    %c0_i32 = arith.constant 0 : i32
    %c0_i32_0 = arith.constant 0 : i32
    %c0_i32_1 = arith.constant 0 : i32
    return %c0_i32, %arg0, %c0_i32_0 : i32, i32, i32
  }
  func.func @transform_1(%arg0: i32) -> (i32, i32) {
    %c0_i32 = arith.constant 0 : i32
    %c0_i32_0 = arith.constant 0 : i32
    return %arg0, %c0_i32 : i32, i32
  }
  func.func @transform_2(%arg0: i32) -> (i32, i32) {
    %c0_i32 = arith.constant 0 : i32
    %c0_i32_0 = arith.constant 0 : i32
    return %arg0, %c0_i32 : i32, i32
  }
  func.func @transform_3(%arg0: i32) -> (i32, i32) {
    %c0_i32 = arith.constant 0 : i32
    %c0_i32_0 = arith.constant 0 : i32
    %c0_i32_1 = arith.constant 0 : i32
    return %c0_i32, %c0_i32_0 : i32, i32
  }
  func.func @transform_4(%arg0: i32) -> (i32, i32) {
    %c0_i32 = arith.constant 0 : i32
    %c0_i32_0 = arith.constant 0 : i32
    return %arg0, %c0_i32 : i32, i32
  }
}

</mosaic_0001>

<sc_bundles>
// kernel: kernel.10.cloned.1.call-start
scs
__scs_entry_jumppad:
0x0: {  	(pc) =	sbr.rel $0x88, $3  }
0x1: {  	(tag) =	ssettag $0x0;
	lr =	simm.s32 $0x1  }
0x2: {  	[smem:$0x3F9B] =	sst lr;
	_ =	strace $0xD0000000  }
0x3: {  	_ = 	snop  }
0x4: {  	_ = 	snop  }
0x5: {  	_ = 	snop  }
0x6: {  	_ = 	snop  }
0x7: {  	_ = 	snop  }
__scs_overlays_trampoline_lowered:
0x8: {  	[smem:$0x3FAA] =	sst s0  }
0x9: {  	[smem:$0x3FAB] =	sst s1  }
0xa: {  	[smem:$0x3FAC] =	sst s2  }
0xb: {  	[smem:$0x3FAD] =	sst s3  }
0xc: {  	[smem:$0x3FAE] =	sst s4  }
0xd: {  	[smem:$0x3FAF] =	sst s5  }
0xe: {  	[smem:$0x3FB0] =	sst s6  }
0xf: {  	[smem:$0x3FB1] =	sst s7  }
0x10: {  	[smem:$0x3FB2] =	sst s8  }
0x11: {  	[smem:$0x3FB3] =	sst s9;
	s0 =	simm.s32 @!p0 $0x0  }
0x12: {  	s1 =	sld [smem:$0x3F99];
	s0 =	simm.s32 @p0 $0x1  }
0x13: {  	[smem:$0x3FB4] =	sst s0;
	s0 =	simm.s32 @!p1 $0x0  }
0x14: {  	s2 =	sld [smem:$0x3F98];
	s0 =	simm.s32 @p1 $0x1  }
0x15: {  	[smem:$0x3FB5] =	sst s0;
	s0 =	simm.s32 @!p2 $0x0  }
0x16: {  	s3 =	sld [smem:$0x3FDB];
	s0 =	simm.s32 @p2 $0x1  }
0x17: {  	s4 =	simm.s32 $0x1BF5;
	[smem:$0x3FB7] =	sst s0  }
0x18: {  	s0 =	sld [smem:$0x3F9A];
	_ =	swait.ge [sflag:s4], $0x0  }
0x19: {  	s7 =	sld [smem:$0x3F9B]  }
0x1a: {  	s8 =	sadd.s32 $0xFFFFE003, lr  }
0x1b: {  	s9 =	sadd.s32 $0xFFFFFEF7, lr;
	s5 =	simm.s32 $0xFFFFFFFF;
	p2 =	slt.u32 s8, $0xFFFFF086  }
0x1c: {  	p1 =	slt.u32 s9, $0xF7A;
	s5 =	simm.s32 @!p2 $0x0  }
0x1d: {  	s5 =	simm.s32 @p1 $0x1;
	p0 =	seq.s32 s7, s2  }
0x1e: {  	s7 =	smul.u32 @!p0 $0xF7A, s2;
	p2 =	seq.s32 @!p0 s5, $0x0  }
0x1f: {  	s9 =	smul.u32 $0xF7A, s1;
	s8 =	simm.s32 @!p0 $0x1BF5;
	p2 =	por !p2, p0  }
0x20: {  	[sflag:s8] =	ssyncset.s32 @!p0 $0xFFFFF086;
	s6 =	sadd.s32 @!p0 s3, s7;
	s7 =	simm.s32 @!p0 $0x108  }
0x21: {  	s3 =	sadd.s32 s3, s9;
	s6 =	sadd.s32 @!p0 $0x88, s6;
	s7 =	simm.s32 @p2 $0x1082  }
0x22: {  	[simem:s7], [sflag:s8] =	dma.local @!p0 [hbm:s6], $0xF7A  }
0x23: {  	s9 =	sor.u32 $0xD0000000, s2;
	s6 =	simm.s32 $0x108;
	_ =	swait.ge @!p0 [sflag:s8], $0x0  }
0x24: {  	s3 =	sadd.s32 $0x88, s3;
	s6 =	simm.s32 @!p1 $0x1082;
	[sflag:s4] =	ssyncset.s32 $0xFFFFF086  }
0x25: {  	[simem:s6], [sflag:s4] =	dma.local [hbm:s3], $0xF7A  }
0x26: {  	[smem:$0x3F9B] =	sst s1;
	(tag) =	ssettag s2;
	_ =	strace s9  }
0x27: {  	s1 =	sld [smem:$0x3FAB]  }
0x28: {  	s2 =	sld [smem:$0x3FAC]  }
0x29: {  	s4 =	sld [smem:$0x3FAE]  }
0x2a: {  	p0 =	seq.s32 s5, $0x0;
	s5 =	sld [smem:$0x3FAF]  }
0x2b: {  	s6 =	sld [smem:$0x3FB0]  }
0x2c: {  	s7 =	sld [smem:$0x3FB1]  }
0x2d: {  	s3 =	simm.s32 $0x108;
	s8 =	sld [smem:$0x3FB2]  }
0x2e: {  	s3 =	simm.s32 @!p0 $0x1082;
	s9 =	sld [smem:$0x3FB3]  }
0x2f: {  	lr =	sadd.s32 s0, s3;
	s0 =	sld [smem:$0x3FAA]  }
0x30: {  	s3 =	sld [smem:$0x3FAD]  }
0x31: {  	[smem:$0x3FB6] =	sst s10  }
0x32: {  	s10 =	sld [smem:$0x3FB4];
	_ =	sdelay $0x3  }
0x33: {  	p0 =	seq.s32 s10, $0x1;
	s10 =	sld [smem:$0x3FB6];
	_ =	sdelay $0x3  }
0x34: {  	[smem:$0x3FB6] =	sst s10  }
0x35: {  	s10 =	sld [smem:$0x3FB5];
	_ =	sdelay $0x3  }
0x36: {  	p1 =	seq.s32 s10, $0x1;
	s10 =	sld [smem:$0x3FB6];
	_ =	sdelay $0x3  }
0x37: {  	[smem:$0x3FB6] =	sst s10  }
0x38: {  	s10 =	sld [smem:$0x3FB7]  }
0x39: {  	_ = 	snop;
	(pc) =	sbr.ind lr, $3  }
0x3a: {  	_ = 	snop  }
0x3b: {  	_ = 	snop  }
0x3c: {  	p2 =	seq.s32 s10, $0x1;
	s10 =	sld [smem:$0x3FB6]  }
0x3d: {  	_ =	shalt  }
0x3e: {  	_ =	shalt  }
0x3f: {  	_ =	shalt  }
0x40: {  	_ =	shalt  }
0x41: {  	_ =	shalt  }
0x42: {  	_ =	shalt  }
0x43: {  	_ =	shalt  }
0x44: {  	_ =	shalt  }
0x45: {  	_ =	shalt  }
0x46: {  	_ =	shalt  }
0x47: {  	_ =	shalt  }
0x48: {  	_ =	shalt  }
0x49: {  	_ =	shalt  }
0x4a: {  	_ =	shalt  }
0x4b: {  	_ =	shalt  }
0x4c: {  	_ =	shalt  }
0x4d: {  	_ =	shalt  }
0x4e: {  	_ =	shalt  }
0x4f: {  	_ =	shalt  }
0x50: {  	_ =	shalt  }
0x51: {  	_ =	shalt  }
0x52: {  	_ =	shalt  }
0x53: {  	_ =	shalt  }
0x54: {  	_ =	shalt  }
0x55: {  	_ =	shalt  }
0x56: {  	_ =	shalt  }
0x57: {  	_ =	shalt  }
0x58: {  	_ =	shalt  }
0x59: {  	_ =	shalt  }
0x5a: {  	_ =	shalt  }
0x5b: {  	_ =	shalt  }
0x5c: {  	_ =	shalt  }
0x5d: {  	_ =	shalt  }
0x5e: {  	_ =	shalt  }
0x5f: {  	_ =	shalt  }
0x60: {  	_ =	shalt  }
0x61: {  	_ =	shalt  }
0x62: {  	_ =	shalt  }
0x63: {  	_ =	shalt  }
0x64: {  	_ =	shalt  }
0x65: {  	_ =	shalt  }
0x66: {  	_ =	shalt  }
0x67: {  	_ =	shalt  }
0x68: {  	_ =	shalt  }
0x69: {  	_ =	shalt  }
0x6a: {  	_ =	shalt  }
0x6b: {  	_ =	shalt  }
0x6c: {  	_ =	shalt  }
0x6d: {  	_ =	shalt  }
0x6e: {  	_ =	shalt  }
0x6f: {  	_ =	shalt  }
0x70: {  	_ =	shalt  }
0x71: {  	_ =	shalt  }
0x72: {  	_ =	shalt  }
0x73: {  	_ =	shalt  }
0x74: {  	_ =	shalt  }
0x75: {  	_ =	shalt  }
0x76: {  	_ =	shalt  }
0x77: {  	_ =	shalt  }
0x78: {  	_ =	shalt  }
0x79: {  	_ =	shalt  }
0x7a: {  	_ =	shalt  }
0x7b: {  	_ =	shalt  }
0x7c: {  	_ =	shalt  }
0x7d: {  	_ =	shalt  }
0x7e: {  	_ =	shalt  }
0x7f: {  	_ =	shalt  }
0x80: {  	_ =	shalt  }
0x81: {  	_ =	shalt  }
0x82: {  	_ =	shalt  }
0x83: {  	_ =	shalt  }
0x84: {  	_ =	shalt  }
0x85: {  	_ =	shalt  }
0x86: {  	_ =	shalt  }
0x87: {  	_ =	shalt  }
.Lfunc_end0:
.L_simem_size_0:
called_computation.1_lowered:
.L_overlay_start_0:
0x88: {  	s2 =	sld [smem:$0x3FD9]  }
0x89: {  	s3 =	sld [smem:$0x3FFE];
	_ =	sdelay $0x1  }
0x8a: {  	s1 =	srdreg.scid  }
0x8b: {  	s0 =	sand.u32 $0x1, s1  }
0x8c: {  	s17 =	sshll.u32 s0, $0xA;
	s2 =	sadd.s32 s3, s2  }
0x8d: {  	s2 =	sadd.s32 s2, s17  }
0x8e: {  	[smem:$0x3FC2] =	sst s2  }
0x8f: {  	_ = 	snop  }
0x90: {  	s2 =	sld [smem:$0x3FD0];
	(tm) =	ssettm $0x1  }
0x91: {  	s18 =	sld [smem:$0x3FFB];
	_ =	sdelay $0x3  }
0x92: {  	_ =	strace s18  }
0x93: {  	s3 =	sld [smem:$0x3FFC];
	_ =	sdelay $0x3  }
0x94: {  	_ =	strace s3  }
0x95: {  	s3 =	sld [smem:$0x3FFD];
	_ =	sdelay $0x3  }
0x96: {  	_ =	strace s3  }
0x97: {  	_ =	strace $0x8FFFFFFF  }
0x98: {  	s19 =	sld [smem:$0x3FDB];
	_ =	sdelay $0x1  }
0x99: {  	s4 =	simm.s32 $_scs_section_size  }
0x9a: {  	s5 =	simm.s32 $_size__tile_overlayer_lowered;
	s6 =	simm.s32 $_tile_overlayer_lowered  }
0x9b: {  	s22 =	simm.s32 $0x1BFF;
	s21 =	sshll.u32 s6, $0x1;
	s3 =	sadd.s32 s4, s19  }
0x9c: {  	s7 =	simm.s32 $0x0;
	s20 =	sshll.u32 s5, $0x1;
	s5 =	sadd.s32 s21, s3  }
0x9d: {  	[timem:s7], [sflag:s22] =	dma.local [hbm:s5], s20  }
0x9e: {  	_ =	swait.ge [sflag:s22], s20  }
0x9f: {  	s4 =	ssub.s32 $0x0, s20;
	[sflag:s22] =	ssyncset.done $0x0  }
0xa0: {  	[sflag:s22] =	ssyncadd.s32 s4;
	_ =	sdelay $0x1  }
0xa1: {  	s23 =	simm.s32 $0x1B8B  }
0xa2: {  	_ =	swait.ge [sflag:s23], $0x1  }
0xa3: {  	[sflag:s23] =	ssyncset.done $0x0  }
0xa4: {  	s25 =	simm.s32 $0x1B8E;
	s24 =	sld [smem:$0x3FFE];
	[sflag:s23] =	ssyncadd.s32 $0xFFFFFFFF  }
0xa5: {  	s26 =	simm.s32 $execute0_lowered;
	[smem:$0x3FD2] =	sst s25  }
0xa6: {  	s5 =	sshll.u32 s26, $0x1;
	_ =	strace $0x80000049;
	[dreg:$0x1] =	wrdreg $0xFFFFFFFF  }
0xa7: {  	s28 =	simm.s32 $_size_execute0_lowered;
	s3 =	sadd.s32 s3, s5;
	[dreg:$0x0] =	wrdreg $0x0  }
0xa8: {  	s5 =	sshll.u32 s28, $0x1;
	[dreg:$0x2] =	wrdreg s3  }
0xa9: {  	[dreg:$0x3] =	wrdreg s5  }
0xaa: {  	[dreg:$0x4] =	wrdreg $0xC0  }
0xab: {  	_ =	task [dreg:s7], $0x5FFFF  }
0xac: {  	[dreg:$0x1] =	wrdreg $0xFFFFFFFF  }
0xad: {  	[dreg:$0x0] =	wrdreg $0x60  }
0xae: {  	[dreg:$0x2] =	wrdreg s2  }
0xaf: {  	[dreg:$0x3] =	wrdreg s24  }
0xb0: {  	[dreg:$0x4] =	wrdreg $0x141400  }
0xb1: {  	[dreg:$0x5] =	wrdreg $0x168500  }
0xb2: {  	[dreg:$0x6] =	wrdreg $0x9  }
0xb3: {  	_ =	task.clear_ibuf [dreg:s7], $0x7FFFF;
	_ =	strace $0x90000049  }
0xb4: {  	s29 =	simm.s32 $0x9;
	_ =	strace $0x8000004B  }
0xb5: {  	_ =	swait.ge [sflag:s29], $0x1  }
0xb6: {  	[sflag:s29] =	ssyncadd.s32 $0xFFFFFFFF  }
0xb7: {  	_ =	strace $0x9000004B  }
0xb8: {  	_ =	sfence  }
0xb9: {  	s30 =	sld [smem:$0x0];
	_ =	sdelay $0x2  }
0xba: {  	s31 =	sshll.u32 s1, $0xD;
	s1 =	sshrl.u32 s1, $0x2  }
0xbb: {  	s3 =	sand.u32 $0x4000, s31;
	s1 =	sadd.s32 s1, s30  }
0xbc: {  	s0 =	sor.u32 s3, s0;
	s1 =	sshll.u32 s1, $0x11  }
0xbd: {  	s0 =	sor.u32 s1, s0  }
0xbe: {  	s0 =	sadd.s32 $0x8F2B, s0  }
0xbf: {  	[sflag:s0] =	ssyncadd.remote.s32 $0x1  }
0xc0: {  	_ =	sfence.sel $0xFFFF  }
0xc1: {  	[dreg:$0x0] =	wrdreg $0xFFFFFFFF;
	(pc) =	sbr.abs _section_cstart, $3  }
0xc2: {  	[dreg:$0x1] =	wrdreg $0xFFFFFFFF  }
0xc3: {  	_ =	task.clear_ibuf [dreg:s7], $0x2FFFF;
	_ =	strace $0x9FFFFFFF  }
0xc4: {  	(tm) =	ssettm $0x7FFFFFFF  }
0xc5: {  	_ =	shalt  }
tec
execute0_lowered:
.L_overlay_start_1:
0x0: {  	(tag) =	ssettag $0x1  }
0x1: {  	s0 =	rddreg [dreg:$0x0]  }
0x2: {  	s4 =	rddreg [dreg:$0x1]  }
0x3: {  	s1 =	rddreg [dreg:$0x2]  }
0x4: {  	s2 =	rddreg [dreg:$0x3]  }
0x5: {  	s3 =	simm.s32 $0x0;
	s5 =	srdreg.scid;
	s21 =	stileid.u32  }
0x6: {  	s28 =	simm.s32 $0x1;
	s29 =	simm.s32 $0x8CA0;
	s30 =	simm.s32 $0x9470  }
0x7: {  	s31 =	simm.s32 $0x9C40;
	[smem:$0x7FF] =	sst s3;
	s6 =	sadd.s32 $0xAE00, s4  }
0x8: {  	s8 =	sand.u32 $0x1, s5;
	s9 =	sadd.s32 $0x1000, s4;
	s7 =	sshll.u32 s21, $0x1  }
0x9: {  	s18 =	smul.u32 $0x2800, s21;
	s4 =	sadd.s32 $0x14C00, s4;
	s22 =	sadd.s32 $0x25800, s2  }
0xa: {  	p0 =	seq.s32 s21, $0xF;
	_ =	strace $0x8000004A;
	s5 =	ssub.s32 $0x2, s8  }
0xb: {  	s7 =	sor.u32 s8, s7;
	s8 =	smul.u32 $0x27100, s8;
	s22 =	sshrl.u32 @p0 s22, $0x3  }
0xc: {  	s10 =	sshrl.u32 s5, $0x1;
	s11 =	smul.u32 $0x2710, s7;
	s23 =	sadd.s32 s18, s2  }
0xd: {  	s12 =	sshrl.u32 s18, $0x3;
	s10 =	ssub.s32 s5, s10;
	s5 =	sadd.s32 s18, s1  }
0xe: {  	s7 =	sadd.s32 s0, s12;
	s0 =	sadd.s32 $0x4B00, s0;
	s24 =	sadd.s32 s18, s8  }
0xf: {  	s8 =	sshrl.u32 s8, $0x3;
	s23 =	sshrl.u32 @!p0 s23, $0x3;
	[dreg:$0x5] =	wrdreg s7  }
0x10: {  	s7 =	sadd.s32 $0x25800, s1;
	s17 =	sshrl.u32 s11, $0x3;
	[dreg:$0x6] =	wrdreg s0  }
0x11: {  	s25 =	sshrl.u32 s24, $0x3;
	s26 =	sadd.s32 s4, s8;
	s21 =	smax.u32 s10, $0x1  }
0x12: {  	s24 =	simm.s32 $0x3;
	s0 =	simm.s32 $0x2;
	s13 =	sadd.s32 s6, s17  }
0x13: {  	s14 =	sadd.s32 s9, s17;
	s15 =	sadd.s32 $0xFA, s17;
	[dreg:$0x7] =	wrdreg s13  }
0x14: {  	s19 =	sadd.s32 $0x2EE, s17;
	s20 =	sadd.s32 $0x3E8, s17;
	[dreg:$0x8] =	wrdreg s14  }
0x15: {  	s14 =	sadd.s32 $0x1F4, s17;
	s16 =	sadd.s32 s6, s15;
	s12 =	sadd.s32 s9, s15  }
0x16: {  	s15 =	sadd.s32 s6, s19;
	s17 =	sadd.s32 s6, s20;
	s18 =	sadd.s32 s9, s20  }
0x17: {  	s20 =	sadd.s32 $0x4B00, s26;
	s26 =	simm.s32 $0xFA0;
	[dreg:$0x9] =	wrdreg s16  }
0x18: {  	s13 =	sadd.s32 s6, s14;
	s14 =	sadd.s32 s9, s14;
	s16 =	sadd.s32 s9, s19  }
0x19: {  	v0 =	vimm.f32 $0.0e+00;
	s19 =	sadd.s32 s4, s25;
	s25 =	simm.s32 $0x7D0;
	s4 =	simm.s32 $0x0  }
.LBB2_1:
0x1a: {  	s6 =	simm.s32 $0x40;
	s8 =	simm.s32 $0x0  }
.LBB2_2:
0x1b: {  	p1 =	sne.s32 s6, $0x9FC0;
	[tilespmem:s8+$0x11940] =	vst v0;
	s8 =	smov.u32 s6;
	s6 =	sadd.s32 $0x40, s6  }
.Ltmp0:
0x1c: {  	(pc) =	sbr.rel @p1 .LBB2_2-.Ltmp0, $2  }
0x1d: {  	_ =	sdelay $0x2  }
0x1e: {  	s8 =	sshra.s32 s8, $0x2  }
0x1f: {  	[tilespmem:s8+$0x11940] =	vst v0;
	s6 =	simm.s32 @p0 $0x11940  }
0x20: {  	[spmem:s7] =	stream.linear.scatter @p0 [tilespmem:s6], [sflag:$0x3], $0x1900, $0x38;
	[tilespmem:$0x18F60] =	vst v63  }
0x21: {  	s6 =	simm.s32 @p0 $0x3  }
0x22: {  	_ =	swait.ge @p0 [sflag:s6], $0x1900  }
0x23: {  	[sflag:s6] =	ssyncset.done @p0 $0x0  }
0x24: {  	s9 =	simm.s32 @p0 $0x1FC3;
	s8 =	rddreg [dreg:$0x6];
	[sflag:s6] =	ssyncadd.s32 @p0 $0xFFFFE700  }
0x25: {  	[spmem:s22], [sflag:s9] =	dma.local @p0 [hbm:s8], $0x320  }
0x26: {  	_ =	swait.ge @p0 [sflag:s6], $0x320  }
0x27: {  	[sflag:s6] =	ssyncset.done @p0 $0x0  }
0x28: {  	s8 =	simm.s32 @!p0 $0x11940;
	[sflag:s6] =	ssyncadd.s32 @p0 $0xFFFFFCE0  }
0x29: {  	[spmem:s5] =	stream.linear.scatter @!p0 [tilespmem:s8], [sflag:$0x3], $0x2800, $0x38;
	[tilespmem:$0x18F60] =	vst v63  }
0x2a: {  	s8 =	simm.s32 @!p0 $0x3  }
0x2b: {  	s10 =	stileid.u32;
	_ =	swait.ge @!p0 [sflag:s8], $0x2800  }
0x2c: {  	s10 =	sshll.u32 @!p0 s10, $0x6;
	[sflag:s8] =	ssyncset.done @!p0 $0x0  }
0x2d: {  	s10 =	sor.u32 @!p0 $0x1C03, s10;
	s11 =	rddreg [dreg:$0x5];
	[sflag:s8] =	ssyncadd.s32 @!p0 $0xFFFFD800  }
0x2e: {  	[spmem:s23], [sflag:s10] =	dma.local @!p0 [hbm:s11], $0x500  }
0x2f: {  	_ =	swait.ge @!p0 [sflag:s8], $0x500  }
0x30: {  	[sflag:s8] =	ssyncset.done @!p0 $0x0  }
0x31: {  	[sflag:s8] =	ssyncadd.s32 @!p0 $0xFFFFFB00  }
0x32: {  	[bflag:$0x0] =	sbarrier.arrive $0xFFFF  }
0x33: {  	s11 =	rddreg [dreg:$0x7]  }
0x34: {  	[tilespmem:s3], [sflag:$0x3] =	stream.linear.gather [hbm4b:s11+s3], $0x7D0, $0x38;
	[tilespmem:$0x18F60] =	vst v63  }
0x35: {  	_ =	swait.ge [sflag:s24], $0x7D0  }
0x36: {  	[sflag:s24] =	ssyncset.done $0x0  }
0x37: {  	s11 =	rddreg [dreg:$0x8];
	[sflag:s24] =	ssyncadd.s32 $0xFFFFF830  }
0x38: {  	[tilespmem:s25], [sflag:$0x3] =	stream.linear.gather [hbm4b:s11+s3], $0x7D0, $0x38;
	[tilespmem:$0x18F60] =	vst v63  }
0x39: {  	_ =	swait.ge [sflag:s24], $0x7D0  }
0x3a: {  	[sflag:s24] =	ssyncset.done $0x0  }
0x3b: {  	[sflag:s24] =	ssyncadd.s32 $0xFFFFF830  }
0x3c: {  	[tilespmem:s26], [sflag:$0x1] =	stream.indirect.gather [spmem:s2], $0x10, s3, s25, $0xb8;
	[tilespmem:$0x18F60] =	vst v63  }
0x3d: {  	_ =	swait.ge [sflag:s28], $0x7D00  }
0x3e: {  	[sflag:s28] =	ssyncset.done $0x0  }
0x3f: {  	s11 =	rddreg [dreg:$0x9];
	[sflag:s28] =	ssyncadd.s32 $0xFFFF8300  }
0x40: {  	[tilespmem:s29], [sflag:$0x3] =	stream.linear.gather [hbm4b:s11+s3], $0x7D0, $0x38;
	[tilespmem:$0x18F60] =	vst v63  }
0x41: {  	_ =	swait.ge [sflag:s24], $0x7D0  }
0x42: {  	[sflag:s24] =	ssyncset.done $0x0  }
0x43: {  	[sflag:s24] =	ssyncadd.s32 $0xFFFFF830  }
0x44: {  	[tilespmem:s30], [sflag:$0x3] =	stream.linear.gather [hbm4b:s12+s3], $0x7D0, $0x38;
	[tilespmem:$0x18F60] =	vst v63  }
0x45: {  	_ =	swait.ge [sflag:s24], $0x7D0  }
0x46: {  	[sflag:s24] =	ssyncset.done $0x0  }
0x47: {  	[sflag:s24] =	ssyncadd.s32 $0xFFFFF830  }
0x48: {  	[tilespmem:s31], [sflag:$0x2] =	stream.indirect.gather [spmem:s2], $0x10, s29, s25, $0xb8;
	[tilespmem:$0x18F60] =	vst v63  }
0x49: {  	_ = 	snop  }
0x4a: {  	[spmem:s1] =	stream.indirect.scatter.add.f32 [tilespmem:s26], [sflag:$0x3], $0x10, s25, s25, $0xb8;
	[tilespmem:$0x18F60] =	vst v63  }
0x4b: {  	_ =	swait.ge [sflag:s24], $0x7D00  }
0x4c: {  	[sflag:s24] =	ssyncset.done $0x0  }
0x4d: {  	[sflag:s24] =	ssyncadd.s32 $0xFFFF8300  }
0x4e: {  	_ =	swait.ge [sflag:s0], $0x7D00  }
0x4f: {  	[sflag:s0] =	ssyncset.done $0x0  }
0x50: {  	[sflag:s0] =	ssyncadd.s32 $0xFFFF8300  }
0x51: {  	[tilespmem:s3], [sflag:$0x3] =	stream.linear.gather [hbm4b:s13+s3], $0x7D0, $0x38;
	[tilespmem:$0x18F60] =	vst v63  }
0x52: {  	_ =	swait.ge [sflag:s24], $0x7D0  }
0x53: {  	[sflag:s24] =	ssyncset.done $0x0  }
0x54: {  	[sflag:s24] =	ssyncadd.s32 $0xFFFFF830  }
0x55: {  	[tilespmem:s25], [sflag:$0x3] =	stream.linear.gather [hbm4b:s14+s3], $0x7D0, $0x38;
	[tilespmem:$0x18F60] =	vst v63  }
0x56: {  	_ =	swait.ge [sflag:s24], $0x7D0  }
0x57: {  	[sflag:s24] =	ssyncset.done $0x0  }
0x58: {  	[sflag:s24] =	ssyncadd.s32 $0xFFFFF830  }
0x59: {  	[tilespmem:s26], [sflag:$0x1] =	stream.indirect.gather [spmem:s2], $0x10, s3, s25, $0xb8;
	[tilespmem:$0x18F60] =	vst v63  }
0x5a: {  	_ = 	snop  }
0x5b: {  	[spmem:s1] =	stream.indirect.scatter.add.f32 [tilespmem:s31], [sflag:$0x3], $0x10, s30, s25, $0xb8;
	[tilespmem:$0x18F60] =	vst v63  }
0x5c: {  	_ =	swait.ge [sflag:s24], $0x7D00  }
0x5d: {  	[sflag:s24] =	ssyncset.done $0x0  }
0x5e: {  	[sflag:s24] =	ssyncadd.s32 $0xFFFF8300  }
0x5f: {  	_ =	swait.ge [sflag:s28], $0x7D00  }
0x60: {  	[sflag:s28] =	ssyncset.done $0x0  }
0x61: {  	[sflag:s28] =	ssyncadd.s32 $0xFFFF8300  }
0x62: {  	[tilespmem:s29], [sflag:$0x3] =	stream.linear.gather [hbm4b:s15+s3], $0x7D0, $0x38;
	[tilespmem:$0x18F60] =	vst v63  }
0x63: {  	_ =	swait.ge [sflag:s24], $0x7D0  }
0x64: {  	[sflag:s24] =	ssyncset.done $0x0  }
0x65: {  	[sflag:s24] =	ssyncadd.s32 $0xFFFFF830  }
0x66: {  	[tilespmem:s30], [sflag:$0x3] =	stream.linear.gather [hbm4b:s16+s3], $0x7D0, $0x38;
	[tilespmem:$0x18F60] =	vst v63  }
0x67: {  	_ =	swait.ge [sflag:s24], $0x7D0  }
0x68: {  	[sflag:s24] =	ssyncset.done $0x0  }
0x69: {  	[sflag:s24] =	ssyncadd.s32 $0xFFFFF830  }
0x6a: {  	[tilespmem:s31], [sflag:$0x2] =	stream.indirect.gather [spmem:s2], $0x10, s29, s25, $0xb8;
	[tilespmem:$0x18F60] =	vst v63  }
0x6b: {  	_ = 	snop  }
0x6c: {  	[spmem:s1] =	stream.indirect.scatter.add.f32 [tilespmem:s26], [sflag:$0x3], $0x10, s25, s25, $0xb8;
	[tilespmem:$0x18F60] =	vst v63  }
0x6d: {  	_ =	swait.ge [sflag:s24], $0x7D00  }
0x6e: {  	[sflag:s24] =	ssyncset.done $0x0  }
0x6f: {  	[sflag:s24] =	ssyncadd.s32 $0xFFFF8300  }
0x70: {  	_ =	swait.ge [sflag:s0], $0x7D00  }
0x71: {  	[sflag:s0] =	ssyncset.done $0x0  }
0x72: {  	[sflag:s0] =	ssyncadd.s32 $0xFFFF8300  }
0x73: {  	[tilespmem:s3], [sflag:$0x3] =	stream.linear.gather [hbm4b:s17+s3], $0x7D0, $0x38;
	[tilespmem:$0x18F60] =	vst v63  }
0x74: {  	_ =	swait.ge [sflag:s24], $0x7D0  }
0x75: {  	[sflag:s24] =	ssyncset.done $0x0  }
0x76: {  	[sflag:s24] =	ssyncadd.s32 $0xFFFFF830  }
0x77: {  	[tilespmem:s25], [sflag:$0x3] =	stream.linear.gather [hbm4b:s18+s3], $0x7D0, $0x38;
	[tilespmem:$0x18F60] =	vst v63  }
0x78: {  	_ =	swait.ge [sflag:s24], $0x7D0  }
0x79: {  	[sflag:s24] =	ssyncset.done $0x0  }
0x7a: {  	[sflag:s24] =	ssyncadd.s32 $0xFFFFF830  }
0x7b: {  	[tilespmem:s26], [sflag:$0x1] =	stream.indirect.gather [spmem:s2], $0x10, s3, s25, $0xb8;
	[tilespmem:$0x18F60] =	vst v63  }
0x7c: {  	_ = 	snop  }
0x7d: {  	[spmem:s1] =	stream.indirect.scatter.add.f32 [tilespmem:s31], [sflag:$0x3], $0x10, s30, s25, $0xb8;
	[tilespmem:$0x18F60] =	vst v63  }
0x7e: {  	_ =	swait.ge [sflag:s24], $0x7D00  }
0x7f: {  	[sflag:s24] =	ssyncset.done $0x0  }
0x80: {  	[sflag:s24] =	ssyncadd.s32 $0xFFFF8300  }
0x81: {  	_ =	swait.ge [sflag:s28], $0x7D00  }
0x82: {  	[sflag:s28] =	ssyncset.done $0x0  }
0x83: {  	[sflag:s28] =	ssyncadd.s32 $0xFFFF8300  }
0x84: {  	[spmem:s1] =	stream.indirect.scatter.add.f32 [tilespmem:s26], [sflag:$0x3], $0x10, s25, s25, $0xb8;
	[tilespmem:$0x18F60] =	vst v63  }
0x85: {  	_ =	swait.ge [sflag:s24], $0x7D00  }
0x86: {  	[sflag:s24] =	ssyncset.done $0x0  }
0x87: {  	[sflag:s24] =	ssyncadd.s32 $0xFFFF8300  }
0x88: {  	s11 =	sshrl.u32 @p0 s7, $0x3;
	[bflag:$0x0] =	sbarrier.arrive $0xFFFF  }
0x89: {  	[hbm:s20], [sflag:s9] =	dma.local @p0 [spmem:s11], $0x320  }
0x8a: {  	s4 =	sadd.s32 $0x1, s4;
	_ =	swait.ge @p0 [sflag:s6], $0x320  }
0x8b: {  	p1 =	sne.s32 s4, s21;
	[sflag:s6] =	ssyncset.done @p0 $0x0  }
.Ltmp1:
0x8c: {  	[sflag:s6] =	ssyncadd.s32 @p0 $0xFFFFFCE0;
	s6 =	sshrl.u32 @!p0 s5, $0x3;
	(pc) =	sbr.rel @p1 .LBB2_1-.Ltmp1, $4  }
0x8d: {  	[hbm:s19], [sflag:s10] =	dma.local @!p0 [spmem:s6], $0x500  }
0x8e: {  	_ =	swait.ge @!p0 [sflag:s8], $0x500  }
0x8f: {  	[sflag:s8] =	ssyncset.done @!p0 $0x0  }
0x90: {  	[sflag:s8] =	ssyncadd.s32 @!p0 $0xFFFFFB00  }
0x91: {  	_ =	sfence.sel $0x180000  }
0x92: {  	[bflag:$0x0] =	sbarrier.arrive $0xFFFF  }
0x93: {  	_ =	strace $0x9000004A  }
0x94: {  	s0 =	stileid.u32;
	[bflag:$0x2] =	sbarrier.arrive $0xFFFF  }
0x95: {  	p0 =	sne.s32 s0, $0x0;
	s0 =	rddreg [dreg:$0x4]  }
0x96: {  	s0 =	sadd.s32 @!p0 $0x100000, s0  }
0x97: {  	[sflag:s0] =	ssyncadd.tile.s32 @!p0 $0x1;
	_ =	shalt  }
.Lfunc_end2:
_tile_overlayer_lowered:
.L_overlay_start_2:
0x98: {  	(tag) =	ssettag $0x2  }
0x99: {  	s0 =	rddreg [dreg:$0x0];
	s2 =	stileid.u32  }
0x9a: {  	s1 =	rddreg [dreg:$0x1];
	p0 =	sne.s32 s2, $0x0  }
0x9b: {  	s3 =	rddreg [dreg:$0x2];
	[bflag:$0x3] =	sbarrier.arrive $0xFFFF;
	s2 =	simm.s32 @!p0 $0x1C03  }
0x9c: {  	[timem:s3], [sflag:s2] =	dma.local @!p0 [hbm:s0], s1  }
0x9d: {  	s0 =	simm.s32 @!p0 $0x3  }
0x9e: {  	_ =	swait.ge @!p0 [sflag:s0], s1  }
0x9f: {  	s1 =	ssub.s32 @!p0 $0x0, s1;
	[sflag:s0] =	ssyncset.done @!p0 $0x0  }
0xa0: {  	[sflag:s0] =	ssyncadd.s32 @!p0 s1  }
0xa1: {  	[bflag:$0x3] =	sbarrier.arrive $0xFFFF  }
0xa2: {  	_ =	shalt  }

// kernel: kernel.7.cloned.1.call-start
scs
__scs_entry_jumppad:
0x0: {  	(pc) =	sbr.rel $0x88, $3  }
0x1: {  	(tag) =	ssettag $0x0;
	lr =	simm.s32 $0x1  }
0x2: {  	[smem:$0x3F9B] =	sst lr;
	_ =	strace $0xD0000000  }
0x3: {  	_ = 	snop  }
0x4: {  	_ = 	snop  }
0x5: {  	_ = 	snop  }
0x6: {  	_ = 	snop  }
0x7: {  	_ = 	snop  }
__scs_overlays_trampoline_lowered:
0x8: {  	[smem:$0x3FAA] =	sst s0  }
0x9: {  	[smem:$0x3FAB] =	sst s1  }
0xa: {  	[smem:$0x3FAC] =	sst s2  }
0xb: {  	[smem:$0x3FAD] =	sst s3  }
0xc: {  	[smem:$0x3FAE] =	sst s4  }
0xd: {  	[smem:$0x3FAF] =	sst s5  }
0xe: {  	[smem:$0x3FB0] =	sst s6  }
0xf: {  	[smem:$0x3FB1] =	sst s7  }
0x10: {  	[smem:$0x3FB2] =	sst s8  }
0x11: {  	[smem:$0x3FB3] =	sst s9;
	s0 =	simm.s32 @!p0 $0x0  }
0x12: {  	s1 =	sld [smem:$0x3F99];
	s0 =	simm.s32 @p0 $0x1  }
0x13: {  	[smem:$0x3FB4] =	sst s0;
	s0 =	simm.s32 @!p1 $0x0  }
0x14: {  	s2 =	sld [smem:$0x3F98];
	s0 =	simm.s32 @p1 $0x1  }
0x15: {  	[smem:$0x3FB5] =	sst s0;
	s0 =	simm.s32 @!p2 $0x0  }
0x16: {  	s3 =	sld [smem:$0x3FDB];
	s0 =	simm.s32 @p2 $0x1  }
0x17: {  	s4 =	simm.s32 $0x1BF5;
	[smem:$0x3FB7] =	sst s0  }
0x18: {  	s0 =	sld [smem:$0x3F9A];
	_ =	swait.ge [sflag:s4], $0x0  }
0x19: {  	s7 =	sld [smem:$0x3F9B]  }
0x1a: {  	s8 =	sadd.s32 $0xFFFFE003, lr  }
0x1b: {  	s9 =	sadd.s32 $0xFFFFFEF7, lr;
	s5 =	simm.s32 $0xFFFFFFFF;
	p2 =	slt.u32 s8, $0xFFFFF086  }
0x1c: {  	p1 =	slt.u32 s9, $0xF7A;
	s5 =	simm.s32 @!p2 $0x0  }
0x1d: {  	s5 =	simm.s32 @p1 $0x1;
	p0 =	seq.s32 s7, s2  }
0x1e: {  	s7 =	smul.u32 @!p0 $0xF7A, s2;
	p2 =	seq.s32 @!p0 s5, $0x0  }
0x1f: {  	s9 =	smul.u32 $0xF7A, s1;
	s8 =	simm.s32 @!p0 $0x1BF5;
	p2 =	por !p2, p0  }
0x20: {  	[sflag:s8] =	ssyncset.s32 @!p0 $0xFFFFF086;
	s6 =	sadd.s32 @!p0 s3, s7;
	s7 =	simm.s32 @!p0 $0x108  }
0x21: {  	s3 =	sadd.s32 s3, s9;
	s6 =	sadd.s32 @!p0 $0x88, s6;
	s7 =	simm.s32 @p2 $0x1082  }
0x22: {  	[simem:s7], [sflag:s8] =	dma.local @!p0 [hbm:s6], $0xF7A  }
0x23: {  	s9 =	sor.u32 $0xD0000000, s2;
	s6 =	simm.s32 $0x108;
	_ =	swait.ge @!p0 [sflag:s8], $0x0  }
0x24: {  	s3 =	sadd.s32 $0x88, s3;
	s6 =	simm.s32 @!p1 $0x1082;
	[sflag:s4] =	ssyncset.s32 $0xFFFFF086  }
0x25: {  	[simem:s6], [sflag:s4] =	dma.local [hbm:s3], $0xF7A  }
0x26: {  	[smem:$0x3F9B] =	sst s1;
	(tag) =	ssettag s2;
	_ =	strace s9  }
0x27: {  	s1 =	sld [smem:$0x3FAB]  }
0x28: {  	s2 =	sld [smem:$0x3FAC]  }
0x29: {  	s4 =	sld [smem:$0x3FAE]  }
0x2a: {  	p0 =	seq.s32 s5, $0x0;
	s5 =	sld [smem:$0x3FAF]  }
0x2b: {  	s6 =	sld [smem:$0x3FB0]  }
0x2c: {  	s7 =	sld [smem:$0x3FB1]  }
0x2d: {  	s3 =	simm.s32 $0x108;
	s8 =	sld [smem:$0x3FB2]  }
0x2e: {  	s3 =	simm.s32 @!p0 $0x1082;
	s9 =	sld [smem:$0x3FB3]  }
0x2f: {  	lr =	sadd.s32 s0, s3;
	s0 =	sld [smem:$0x3FAA]  }
0x30: {  	s3 =	sld [smem:$0x3FAD]  }
0x31: {  	[smem:$0x3FB6] =	sst s10  }
0x32: {  	s10 =	sld [smem:$0x3FB4];
	_ =	sdelay $0x3  }
0x33: {  	p0 =	seq.s32 s10, $0x1;
	s10 =	sld [smem:$0x3FB6];
	_ =	sdelay $0x3  }
0x34: {  	[smem:$0x3FB6] =	sst s10  }
0x35: {  	s10 =	sld [smem:$0x3FB5];
	_ =	sdelay $0x3  }
0x36: {  	p1 =	seq.s32 s10, $0x1;
	s10 =	sld [smem:$0x3FB6];
	_ =	sdelay $0x3  }
0x37: {  	[smem:$0x3FB6] =	sst s10  }
0x38: {  	s10 =	sld [smem:$0x3FB7]  }
0x39: {  	_ = 	snop;
	(pc) =	sbr.ind lr, $3  }
0x3a: {  	_ = 	snop  }
0x3b: {  	_ = 	snop  }
0x3c: {  	p2 =	seq.s32 s10, $0x1;
	s10 =	sld [smem:$0x3FB6]  }
0x3d: {  	_ =	shalt  }
0x3e: {  	_ =	shalt  }
0x3f: {  	_ =	shalt  }
0x40: {  	_ =	shalt  }
0x41: {  	_ =	shalt  }
0x42: {  	_ =	shalt  }
0x43: {  	_ =	shalt  }
0x44: {  	_ =	shalt  }
0x45: {  	_ =	shalt  }
0x46: {  	_ =	shalt  }
0x47: {  	_ =	shalt  }
0x48: {  	_ =	shalt  }
0x49: {  	_ =	shalt  }
0x4a: {  	_ =	shalt  }
0x4b: {  	_ =	shalt  }
0x4c: {  	_ =	shalt  }
0x4d: {  	_ =	shalt  }
0x4e: {  	_ =	shalt  }
0x4f: {  	_ =	shalt  }
0x50: {  	_ =	shalt  }
0x51: {  	_ =	shalt  }
0x52: {  	_ =	shalt  }
0x53: {  	_ =	shalt  }
0x54: {  	_ =	shalt  }
0x55: {  	_ =	shalt  }
0x56: {  	_ =	shalt  }
0x57: {  	_ =	shalt  }
0x58: {  	_ =	shalt  }
0x59: {  	_ =	shalt  }
0x5a: {  	_ =	shalt  }
0x5b: {  	_ =	shalt  }
0x5c: {  	_ =	shalt  }
0x5d: {  	_ =	shalt  }
0x5e: {  	_ =	shalt  }
0x5f: {  	_ =	shalt  }
0x60: {  	_ =	shalt  }
0x61: {  	_ =	shalt  }
0x62: {  	_ =	shalt  }
0x63: {  	_ =	shalt  }
0x64: {  	_ =	shalt  }
0x65: {  	_ =	shalt  }
0x66: {  	_ =	shalt  }
0x67: {  	_ =	shalt  }
0x68: {  	_ =	shalt  }
0x69: {  	_ =	shalt  }
0x6a: {  	_ =	shalt  }
0x6b: {  	_ =	shalt  }
0x6c: {  	_ =	shalt  }
0x6d: {  	_ =	shalt  }
0x6e: {  	_ =	shalt  }
0x6f: {  	_ =	shalt  }
0x70: {  	_ =	shalt  }
0x71: {  	_ =	shalt  }
0x72: {  	_ =	shalt  }
0x73: {  	_ =	shalt  }
0x74: {  	_ =	shalt  }
0x75: {  	_ =	shalt  }
0x76: {  	_ =	shalt  }
0x77: {  	_ =	shalt  }
0x78: {  	_ =	shalt  }
0x79: {  	_ =	shalt  }
0x7a: {  	_ =	shalt  }
0x7b: {  	_ =	shalt  }
0x7c: {  	_ =	shalt  }
0x7d: {  	_ =	shalt  }
0x7e: {  	_ =	shalt  }
0x7f: {  	_ =	shalt  }
0x80: {  	_ =	shalt  }
0x81: {  	_ =	shalt  }
0x82: {  	_ =	shalt  }
0x83: {  	_ =	shalt  }
0x84: {  	_ =	shalt  }
0x85: {  	_ =	shalt  }
0x86: {  	_ =	shalt  }
0x87: {  	_ =	shalt  }
.Lfunc_end0:
.L_simem_size_0:
called_computation_lowered:
.L_overlay_start_0:
0x88: {  	s2 =	sld [smem:$0x3FD9]  }
0x89: {  	s3 =	sld [smem:$0x3FFE];
	_ =	sdelay $0x1  }
0x8a: {  	s1 =	srdreg.scid  }
0x8b: {  	s0 =	sand.u32 $0x1, s1  }
0x8c: {  	s17 =	sshll.u32 s0, $0xA;
	s2 =	sadd.s32 s3, s2  }
0x8d: {  	s2 =	sadd.s32 s2, s17  }
0x8e: {  	[smem:$0x3FC2] =	sst s2  }
0x8f: {  	_ = 	snop  }
0x90: {  	s2 =	sld [smem:$0x3FD0];
	(tm) =	ssettm $0x1  }
0x91: {  	s18 =	sld [smem:$0x3FFB];
	_ =	sdelay $0x3  }
0x92: {  	_ =	strace s18  }
0x93: {  	s3 =	sld [smem:$0x3FFC];
	_ =	sdelay $0x3  }
0x94: {  	_ =	strace s3  }
0x95: {  	s3 =	sld [smem:$0x3FFD];
	_ =	sdelay $0x3  }
0x96: {  	_ =	strace s3  }
0x97: {  	_ =	strace $0x8FFFFFFF  }
0x98: {  	s19 =	sld [smem:$0x3FDB];
	_ =	sdelay $0x1  }
0x99: {  	s4 =	simm.s32 $_scs_section_size  }
0x9a: {  	s5 =	simm.s32 $_size__tile_overlayer_lowered;
	s6 =	simm.s32 $_tile_overlayer_lowered  }
0x9b: {  	s22 =	simm.s32 $0x1BFF;
	s21 =	sshll.u32 s6, $0x1;
	s3 =	sadd.s32 s4, s19  }
0x9c: {  	s7 =	simm.s32 $0x0;
	s20 =	sshll.u32 s5, $0x1;
	s5 =	sadd.s32 s21, s3  }
0x9d: {  	[timem:s7], [sflag:s22] =	dma.local [hbm:s5], s20  }
0x9e: {  	_ =	swait.ge [sflag:s22], s20  }
0x9f: {  	s4 =	ssub.s32 $0x0, s20;
	[sflag:s22] =	ssyncset.done $0x0  }
0xa0: {  	[sflag:s22] =	ssyncadd.s32 s4;
	_ =	sdelay $0x1  }
0xa1: {  	s23 =	simm.s32 $0x1B8B  }
0xa2: {  	_ =	swait.ge [sflag:s23], $0x1  }
0xa3: {  	[sflag:s23] =	ssyncset.done $0x0  }
0xa4: {  	s25 =	simm.s32 $0x1B8E;
	s24 =	sld [smem:$0x3FFE];
	[sflag:s23] =	ssyncadd.s32 $0xFFFFFFFF  }
0xa5: {  	s26 =	simm.s32 $execute0_lowered;
	[smem:$0x3FD2] =	sst s25  }
0xa6: {  	s5 =	sshll.u32 s26, $0x1;
	_ =	strace $0x80000046;
	[dreg:$0x1] =	wrdreg $0xFFFFFFFF  }
0xa7: {  	s28 =	simm.s32 $_size_execute0_lowered;
	s3 =	sadd.s32 s3, s5;
	[dreg:$0x0] =	wrdreg $0x0  }
0xa8: {  	s5 =	sshll.u32 s28, $0x1;
	[dreg:$0x2] =	wrdreg s3  }
0xa9: {  	[dreg:$0x3] =	wrdreg s5  }
0xaa: {  	[dreg:$0x4] =	wrdreg $0xC0  }
0xab: {  	_ =	task [dreg:s7], $0x5FFFF  }
0xac: {  	[dreg:$0x1] =	wrdreg $0xFFFFFFFF  }
0xad: {  	[dreg:$0x0] =	wrdreg $0x60  }
0xae: {  	[dreg:$0x2] =	wrdreg s2  }
0xaf: {  	[dreg:$0x3] =	wrdreg s24  }
0xb0: {  	[dreg:$0x4] =	wrdreg $0x17DE00  }
0xb1: {  	[dreg:$0x5] =	wrdreg $0x1CC000  }
0xb2: {  	[dreg:$0x6] =	wrdreg $0x1A4F00  }
0xb3: {  	[dreg:$0x7] =	wrdreg $0x9  }
0xb4: {  	_ =	task.clear_ibuf [dreg:s7], $0x8FFFF;
	_ =	strace $0x90000046  }
0xb5: {  	s29 =	simm.s32 $0x9;
	_ =	strace $0x80000048  }
0xb6: {  	_ =	swait.ge [sflag:s29], $0x1  }
0xb7: {  	[sflag:s29] =	ssyncadd.s32 $0xFFFFFFFF  }
0xb8: {  	_ =	strace $0x90000048  }
0xb9: {  	_ =	sfence  }
0xba: {  	s30 =	sld [smem:$0x0];
	_ =	sdelay $0x2  }
0xbb: {  	s31 =	sshll.u32 s1, $0xD;
	s1 =	sshrl.u32 s1, $0x2  }
0xbc: {  	s3 =	sand.u32 $0x4000, s31;
	s1 =	sadd.s32 s1, s30  }
0xbd: {  	s0 =	sor.u32 s3, s0;
	s1 =	sshll.u32 s1, $0x11  }
0xbe: {  	s0 =	sor.u32 s1, s0  }
0xbf: {  	s0 =	sadd.s32 $0x8F2B, s0  }
0xc0: {  	[sflag:s0] =	ssyncadd.remote.s32 $0x1  }
0xc1: {  	_ =	sfence.sel $0xFFFF  }
0xc2: {  	[dreg:$0x0] =	wrdreg $0xFFFFFFFF;
	(pc) =	sbr.abs _section_cstart, $3  }
0xc3: {  	[dreg:$0x1] =	wrdreg $0xFFFFFFFF  }
0xc4: {  	_ =	task.clear_ibuf [dreg:s7], $0x2FFFF;
	_ =	strace $0x9FFFFFFF  }
0xc5: {  	(tm) =	ssettm $0x7FFFFFFF  }
tec
execute0_lowered:
.L_overlay_start_1:
0x0: {  	(tag) =	ssettag $0x1  }
0x1: {  	s0 =	rddreg [dreg:$0x0]  }
0x2: {  	s1 =	rddreg [dreg:$0x1]  }
0x3: {  	s2 =	rddreg [dreg:$0x2]  }
0x4: {  	s3 =	rddreg [dreg:$0x3]  }
0x5: {  	s4 =	rddreg [dreg:$0x4]  }
0x6: {  	s18 =	stileid.u32;
	s6 =	srdreg.scid;
	s5 =	simm.s32 $0x0  }
0x7: {  	s6 =	sand.u32 $0x1, s6;
	s7 =	sshll.u32 s18, $0x1;
	s8 =	smul.u32 $0x2800, s18  }
0x8: {  	[smem:$0x7FF] =	sst s5;
	s9 =	sadd.s32 $0xAE00, s1;
	s12 =	smul.u32 $0x280, s18  }
0x9: {  	s10 =	sadd.s32 $0x1000, s1;
	s11 =	sadd.s32 $0x1A200, s1;
	s15 =	smul.u32 $0x4E20, s18  }
0xa: {  	p1 =	seq.s32 s18, $0xF;
	s7 =	sor.u32 s6, s7;
	s16 =	smul.u32 $0x27100, s6  }
0xb: {  	s31 =	sadd.s32 $0x25800, s2;
	s13 =	ssub.s32 $0x2, s6;
	s7 =	smul.u32 $0x2710, s7  }
0xc: {  	p0 =	sne.s32 s6, $0x0;
	s14 =	sshrl.u32 s13, $0x1;
	s30 =	sshrl.u32 s15, $0x3  }
0xd: {  	s13 =	ssub.s32 s13, s14;
	s23 =	sadd.s32 s8, s16;
	s7 =	sshrl.u32 s7, $0x3  }
0xe: {  	s26 =	sshrl.u32 s16, $0x3;
	s16 =	sadd.s32 $0x19700, s1;
	s17 =	sadd.s32 s9, s7  }
0xf: {  	s19 =	sadd.s32 $0xFA, s7;
	s20 =	sadd.s32 s10, s7;
	[dreg:$0x6] =	wrdreg s17  }
0x10: {  	s24 =	sshrl.u32 s23, $0x3;
	[dreg:$0x7] =	wrdreg s20;
	s21 =	sadd.s32 s9, s19  }
0x11: {  	s22 =	sadd.s32 $0x1F4, s7;
	s14 =	sadd.s32 s10, s19;
	[dreg:$0x8] =	wrdreg s21  }
0x12: {  	s25 =	sadd.s32 $0x2EE, s7;
	s19 =	sadd.s32 s9, s22;
	[dreg:$0x9] =	wrdreg s14  }
0x13: {  	s23 =	smax.u32 s13, $0x1;
	s28 =	sadd.s32 s9, s25;
	[dreg:$0xa] =	wrdreg s19  }
0x14: {  	s7 =	sadd.s32 $0x3E8, s7;
	s29 =	sadd.s32 s10, s25;
	[dreg:$0xd] =	wrdreg s28  }
0x15: {  	s13 =	simm.s32 $0x8CA0;
	s9 =	sadd.s32 s9, s7;
	[dreg:$0xe] =	wrdreg s29  }
0x16: {  	s7 =	sadd.s32 s10, s7;
	s17 =	sadd.s32 s10, s30;
	[dreg:$0xf] =	wrdreg s9  }
0x17: {  	s14 =	sadd.s32 s10, s22;
	[dreg:$0x10] =	wrdreg s7;
	s10 =	sshrl.u32 s12, $0x3  }
0x18: {  	[dreg:$0xb] =	wrdreg s14;
	s14 =	sadd.s32 s11, s24;
	s6 =	sadd.s32 s10, s1  }
0x19: {  	s20 =	sadd.s32 $0x1A0B0, s1;
	[dreg:$0xc] =	wrdreg s14;
	s6 =	sadd.s32 $0x19C00, s6  }
0x1a: {  	s9 =	smul.u32 $0xA000, s18;
	_ =	strace $0x80000047;
	[dreg:$0x14] =	wrdreg s6  }
0x1b: {  	s19 =	sadd.s32 s12, s3;
	s21 =	sadd.s32 s8, s4;
	[dreg:$0x16] =	wrdreg s16  }
0x1c: {  	s25 =	sadd.s32 $0xFA, s17;
	s11 =	sadd.s32 s11, s26;
	[dreg:$0x17] =	wrdreg s20  }
0x1d: {  	s28 =	sadd.s32 $0x2EE, s17;
	s22 =	sadd.s32 $0x4B00, s11;
	[dreg:$0x18] =	wrdreg s21  }
0x1e: {  	s29 =	sadd.s32 $0x3E8, s17;
	s30 =	sadd.s32 $0x4E2, s17;
	[dreg:$0x19] =	wrdreg s22  }
0x1f: {  	s12 =	simm.s32 $0x1;
	s24 =	sadd.s32 $0x25800, s4;
	[dreg:$0x1a] =	wrdreg s23  }
0x20: {  	s18 =	simm.s32 $0x0;
	s26 =	sadd.s32 $0x1F4, s17;
	[dreg:$0x1c] =	wrdreg s24  }
0x21: {  	s10 =	simm.s32 $0x155E0;
	s7 =	sshrl.u32 s9, $0x2;
	[dreg:$0x1d] =	wrdreg s25  }
0x22: {  	s14 =	sshrl.u32 s8, $0x3;
	s11 =	simm.s32 $0xFA0;
	[dreg:$0x1e] =	wrdreg s26  }
0x23: {  	s7 =	sadd.s32 s7, s2;
	s15 =	sadd.s32 s14, s1;
	[dreg:$0x1f] =	wrdreg s28  }
0x24: {  	s9 =	sadd.s32 s0, s14;
	s0 =	sadd.s32 $0x4B00, s0;
	[smem:$0x7FC] =	sst s29  }
0x25: {  	[smem:$0x7FD] =	sst s30;
	s26 =	sadd.s32 $0x5DC, s17;
	s20 =	sadd.s32 $0x6D6, s17  }
0x26: {  	v0 =	vimm.f32 $1.000000000e+00;
	v1 =	vimm.f32 $0.0e+00;
	v2 =	vimm.s32 $0x0;
	s1 =	sadd.s32 $0x7D0, s17;
	s6 =	sadd.s32 $0x8CA, s17;
	[dreg:$0x11] =	wrdreg s7  }
.Ltmp0:
0x27: {  	v3 =	vimm.s32 $0x1;
	v4 =	vimm.s32 $0x2;
	v5 =	vimm.s32 $0x3;
	s14 =	simm.s32 $0x9470;
	[dreg:$0x12] =	wrdreg s9;
	(pc) =	sbr.rel .LBB2_1-.Ltmp0, $4  }
0x28: {  	v6 =	vimm.s32 $0x4;
	v7 =	vimm.s32 $0x5;
	v8 =	vimm.s32 $0x6;
	s16 =	simm.s32 $0x2;
	s7 =	sadd.s32 $0x14C00, s15;
	[dreg:$0x15] =	wrdreg s0  }
0x29: {  	v9 =	vimm.s32 $0x7;
	v10 =	vimm.s32 $0x8;
	v11 =	vimm.s32 $0x9;
	s0 =	sadd.s32 s8, s2;
	s8 =	simm.s32 $0x7D0;
	s9 =	simm.s32 $0x14140  }
0x2a: {  	v12 =	vimm.s32 $0xA;
	v13 =	vimm.s32 $0xB;
	v14 =	vimm.s32 $0xC;
	s15 =	simm.s32 $0x9C40;
	[dreg:$0x13] =	wrdreg s7;
	s0 =	sshrl.u32 @!p1 s0, $0x3  }
0x2b: {  	v15 =	vimm.s32 $0xD;
	v16 =	vimm.s32 $0xE;
	v17 =	vimm.s32 $0xF;
	s7 =	simm.s32 $0x3;
	[dreg:$0x1b] =	wrdreg s0;
	s0 =	sadd.s32 $0x2580, s3  }
.LBB2_10:
0x2c: {  	v19 =	vld [tilespmem:s22+$0x15360];
	_ =	sdelay $0x1  }
0x2d: {  	v20 =	vld [tilespmem:s28+$0xFFFFFF80]  }
0x2e: {  	v21 =	vld [tilespmem:s28+$0xFFFFFF90]  }
0x2f: {  	v22 =	vld [tilespmem:s28+$0xFFFFFFA0]  }
0x30: {  	v23 =	vperm.xlane v19, v2  }
0x31: {  	v26 =	vld [tilespmem:s28+$0xFFFFFFD0];
	v24 =	vperm.xlane v19, v3;
	v27 =	vperm.xlane v19, v4  }
0x32: {  	v45 =	vld [tilespmem:s28+$0xFFFFFFE0];
	v44 =	vperm.xlane v19, v5;
	v20 =	vmul.f32 v20, v23  }
0x33: {  	v49 =	vld [tilespmem:s28+$0x10];
	v46 =	vperm.xlane v19, v6;
	v21 =	vmul.f32 v21, v24  }
0x34: {  	v25 =	vld [tilespmem:s28+$0xFFFFFFC0];
	v47 =	vperm.xlane v19, v7;
	v22 =	vmul.f32 v22, v27;
	[tilespmem:s28+$0xFFFFFF80] =	vst v20  }
0x35: {  	v28 =	vld [tilespmem:s28+$0xFFFFFFF0];
	v29 =	vperm.xlane v19, v8;
	v18 =	vmul.f32 v18, v44;
	[tilespmem:s28+$0xFFFFFF90] =	vst v21  }
0x36: {  	v51 =	vld [tilespmem:s28+$0x20];
	v53 =	vperm.xlane v19, v11;
	v23 =	vmul.f32 v26, v47;
	[tilespmem:s28+$0xFFFFFFA0] =	vst v22  }
0x37: {  	v48 =	vld [tilespmem:s28+$0x0];
	v50 =	vperm.xlane v19, v9;
	v24 =	vmul.f32 v45, v29;
	[tilespmem:s28+$0xFFFFFFB0] =	vst v18  }
0x38: {  	v55 =	vld [tilespmem:s28+$0x50];
	v52 =	vperm.xlane v19, v10;
	v58 =	vmul.f32 v49, v53;
	[tilespmem:s28+$0xFFFFFFD0] =	vst v23  }
0x39: {  	v54 =	vld [tilespmem:s28+$0x40];
	v56 =	vperm.xlane v19, v12;
	v20 =	vmul.f32 v25, v46;
	[tilespmem:s28+$0xFFFFFFE0] =	vst v24  }
0x3a: {  	v57 =	vperm.xlane v19, v13;
	v18 =	vld [tilespmem:s28+$0x30];
	v22 =	vmul.f32 v28, v50;
	[tilespmem:s28+$0x10] =	vst v58  }
0x3b: {  	v60 =	vld [tilespmem:s28+$0x70];
	v62 =	vperm.xlane v19, v15;
	v25 =	vmul.f32 v51, v56;
	[tilespmem:s28+$0xFFFFFFC0] =	vst v20  }
0x3c: {  	v59 =	vld [tilespmem:s28+$0x60];
	v61 =	vperm.xlane v19, v14;
	v20 =	vmul.f32 v48, v52;
	[tilespmem:s28+$0xFFFFFFF0] =	vst v22  }
0x3d: {  	v63 =	vperm.xlane v19, v16;
	v21 =	vmul.f32 v55, v62;
	[tilespmem:s28+$0x20] =	vst v25  }
0x3e: {  	v19 =	vperm.xlane v19, v17;
	[tilespmem:s28+$0x0] =	vst v20;
	v20 =	vmul.f32 v54, v61  }
0x3f: {  	[tilespmem:s28+$0x50] =	vst v21;
	v18 =	vmul.f32 v18, v57  }
0x40: {  	v19 =	vmul.f32 v60, v19;
	[tilespmem:s28+$0x40] =	vst v20  }
0x41: {  	[tilespmem:s28+$0x30] =	vst v18;
	v18 =	vmul.f32 v59, v63  }
0x42: {  	[tilespmem:s29+$0x70] =	vst v19  }
0x43: {  	s21 =	rddreg [dreg:$0x18];
	[tilespmem:s29+$0x60] =	vst v18  }
0x44: {  	[spmem:s21] =	stream.linear.scatter [tilespmem:s10], [sflag:$0x3], $0x2800, $0x38;
	[tilespmem:$0x1CE78] =	vst v63  }
0x45: {  	_ =	swait.ge [sflag:s7], $0x2800  }
0x46: {  	s22 =	simm.s32 @!p0 $0x155E0;
	[sflag:s7] =	ssyncset.done $0x0  }
0x47: {  	s21 =	simm.s32 @!p0 $0x0;
	s23 =	rddreg [dreg:$0x13];
	[sflag:s7] =	ssyncadd.s32 $0xFFFFD800  }
0x48: {  	[hbm4b:s23+s21] =	stream.linear.scatter @!p0 [tilespmem:s22], [sflag:$0x3], $0x2800, $0x38;
	[tilespmem:$0x1CE78] =	vst v63  }
0x49: {  	s22 =	simm.s32 @!p0 $0x3  }
0x4a: {  	_ =	swait.ge @!p0 [sflag:s22], $0x2800  }
0x4b: {  	[sflag:s22] =	ssyncset.done @!p0 $0x0  }
0x4c: {  	s23 =	simm.s32 @!p0 $0x15360;
	s24 =	rddreg [dreg:$0x14];
	[sflag:s22] =	ssyncadd.s32 @!p0 $0xFFFFD800  }
0x4d: {  	[hbm4b:s24+s21] =	stream.linear.scatter @!p0 [tilespmem:s23], [sflag:$0x3], $0x280, $0x38;
	[tilespmem:$0x1CE78] =	vst v63  }
0x4e: {  	_ =	swait.ge @!p0 [sflag:s22], $0x280  }
0x4f: {  	[sflag:s22] =	ssyncset.done @!p0 $0x0  }
0x50: {  	[sflag:s22] =	ssyncadd.s32 @!p0 $0xFFFFFD80  }
.LBB2_16:
0x51: {  	[bflag:$0x0] =	sbarrier.arrive $0xFFFF  }
0x52: {  	s21 =	rddreg [dreg:$0x6]  }
0x53: {  	[tilespmem:s5], [sflag:$0x3] =	stream.linear.gather [hbm4b:s21+s5], $0x7D0, $0x38;
	[tilespmem:$0x1CE78] =	vst v63  }
0x54: {  	_ =	swait.ge [sflag:s7], $0x7D0  }
0x55: {  	[sflag:s7] =	ssyncset.done $0x0  }
0x56: {  	s28 =	rddreg [dreg:$0x7];
	[sflag:s7] =	ssyncadd.s32 $0xFFFFF830  }
0x57: {  	[tilespmem:s8], [sflag:$0x3] =	stream.linear.gather [hbm4b:s28+s5], $0x7D0, $0x38;
	[tilespmem:$0x1CE78] =	vst v63  }
0x58: {  	_ =	swait.ge [sflag:s7], $0x7D0  }
0x59: {  	[sflag:s7] =	ssyncset.done $0x0  }
0x5a: {  	[sflag:s7] =	ssyncadd.s32 $0xFFFFF830  }
0x5b: {  	[tilespmem:s11], [sflag:$0x1] =	stream.indirect.gather [spmem:s4], $0x10, s5, s8, $0xb8;
	[tilespmem:$0x1CE78] =	vst v63  }
0x5c: {  	_ =	swait.ge [sflag:s12], $0x7D00  }
0x5d: {  	[sflag:s12] =	ssyncset.done $0x0  }
0x5e: {  	s29 =	rddreg [dreg:$0x8];
	[sflag:s12] =	ssyncadd.s32 $0xFFFF8300  }
0x5f: {  	[tilespmem:s13], [sflag:$0x3] =	stream.linear.gather [hbm4b:s29+s5], $0x7D0, $0x38;
	[tilespmem:$0x1CE78] =	vst v63  }
0x60: {  	_ =	swait.ge [sflag:s7], $0x7D0  }
0x61: {  	[sflag:s7] =	ssyncset.done $0x0  }
0x62: {  	s30 =	rddreg [dreg:$0x9];
	[sflag:s7] =	ssyncadd.s32 $0xFFFFF830  }
0x63: {  	[tilespmem:s14], [sflag:$0x3] =	stream.linear.gather [hbm4b:s30+s5], $0x7D0, $0x38;
	[tilespmem:$0x1CE78] =	vst v63  }
0x64: {  	_ =	swait.ge [sflag:s7], $0x7D0  }
0x65: {  	[sflag:s7] =	ssyncset.done $0x0  }
0x66: {  	[sflag:s7] =	ssyncadd.s32 $0xFFFFF830  }
0x67: {  	[tilespmem:s15], [sflag:$0x2] =	stream.indirect.gather [spmem:s4], $0x10, s13, s8, $0xb8;
	[tilespmem:$0x1CE78] =	vst v63  }
0x68: {  	_ = 	snop  }
0x69: {  	[spmem:s2] =	stream.indirect.scatter.add.f32 [tilespmem:s11], [sflag:$0x3], $0x10, s8, s8, $0xb8;
	[tilespmem:$0x1CE78] =	vst v63  }
0x6a: {  	_ =	swait.ge [sflag:s7], $0x7D00  }
0x6b: {  	[sflag:s7] =	ssyncset.done $0x0  }
0x6c: {  	[sflag:s7] =	ssyncadd.s32 $0xFFFF8300  }
0x6d: {  	_ =	swait.ge [sflag:s16], $0x7D00  }
0x6e: {  	[sflag:s16] =	ssyncset.done $0x0  }
0x6f: {  	s22 =	rddreg [dreg:$0xa];
	[sflag:s16] =	ssyncadd.s32 $0xFFFF8300  }
0x70: {  	[tilespmem:s5], [sflag:$0x3] =	stream.linear.gather [hbm4b:s22+s5], $0x7D0, $0x38;
	[tilespmem:$0x1CE78] =	vst v63  }
0x71: {  	_ =	swait.ge [sflag:s7], $0x7D0  }
0x72: {  	[sflag:s7] =	ssyncset.done $0x0  }
0x73: {  	s23 =	rddreg [dreg:$0xb];
	[sflag:s7] =	ssyncadd.s32 $0xFFFFF830  }
0x74: {  	[tilespmem:s8], [sflag:$0x3] =	stream.linear.gather [hbm4b:s23+s5], $0x7D0, $0x38;
	[tilespmem:$0x1CE78] =	vst v63  }
0x75: {  	_ =	swait.ge [sflag:s7], $0x7D0  }
0x76: {  	[sflag:s7] =	ssyncset.done $0x0  }
0x77: {  	[sflag:s7] =	ssyncadd.s32 $0xFFFFF830  }
0x78: {  	[tilespmem:s11], [sflag:$0x1] =	stream.indirect.gather [spmem:s4], $0x10, s5, s8, $0xb8;
	[tilespmem:$0x1CE78] =	vst v63  }
0x79: {  	_ = 	snop  }
0x7a: {  	[spmem:s2] =	stream.indirect.scatter.add.f32 [tilespmem:s15], [sflag:$0x3], $0x10, s14, s8, $0xb8;
	[tilespmem:$0x1CE78] =	vst v63  }
0x7b: {  	_ =	swait.ge [sflag:s7], $0x7D00  }
0x7c: {  	[sflag:s7] =	ssyncset.done $0x0  }
0x7d: {  	[sflag:s7] =	ssyncadd.s32 $0xFFFF8300  }
0x7e: {  	_ =	swait.ge [sflag:s12], $0x7D00  }
0x7f: {  	[sflag:s12] =	ssyncset.done $0x0  }
0x80: {  	s24 =	rddreg [dreg:$0xd];
	[sflag:s12] =	ssyncadd.s32 $0xFFFF8300  }
0x81: {  	[tilespmem:s13], [sflag:$0x3] =	stream.linear.gather [hbm4b:s24+s5], $0x7D0, $0x38;
	[tilespmem:$0x1CE78] =	vst v63  }
0x82: {  	_ =	swait.ge [sflag:s7], $0x7D0  }
0x83: {  	[sflag:s7] =	ssyncset.done $0x0  }
0x84: {  	s25 =	rddreg [dreg:$0xe];
	[sflag:s7] =	ssyncadd.s32 $0xFFFFF830  }
0x85: {  	[tilespmem:s14], [sflag:$0x3] =	stream.linear.gather [hbm4b:s25+s5], $0x7D0, $0x38;
	[tilespmem:$0x1CE78] =	vst v63  }
0x86: {  	_ =	swait.ge [sflag:s7], $0x7D0  }
0x87: {  	[sflag:s7] =	ssyncset.done $0x0  }
0x88: {  	[sflag:s7] =	ssyncadd.s32 $0xFFFFF830  }
0x89: {  	[tilespmem:s15], [sflag:$0x2] =	stream.indirect.gather [spmem:s4], $0x10, s13, s8, $0xb8;
	[tilespmem:$0x1CE78] =	vst v63  }
0x8a: {  	_ = 	snop  }
0x8b: {  	[spmem:s2] =	stream.indirect.scatter.add.f32 [tilespmem:s11], [sflag:$0x3], $0x10, s8, s8, $0xb8;
	[tilespmem:$0x1CE78] =	vst v63  }
0x8c: {  	_ =	swait.ge [sflag:s7], $0x7D00  }
0x8d: {  	[sflag:s7] =	ssyncset.done $0x0  }
0x8e: {  	[sflag:s7] =	ssyncadd.s32 $0xFFFF8300  }
0x8f: {  	_ =	swait.ge [sflag:s16], $0x7D00  }
0x90: {  	[sflag:s16] =	ssyncset.done $0x0  }
0x91: {  	s28 =	rddreg [dreg:$0xf];
	[sflag:s16] =	ssyncadd.s32 $0xFFFF8300  }
0x92: {  	[tilespmem:s5], [sflag:$0x3] =	stream.linear.gather [hbm4b:s28+s5], $0x7D0, $0x38;
	[tilespmem:$0x1CE78] =	vst v63  }
0x93: {  	_ =	swait.ge [sflag:s7], $0x7D0  }
0x94: {  	[sflag:s7] =	ssyncset.done $0x0  }
0x95: {  	s29 =	rddreg [dreg:$0x10];
	[sflag:s7] =	ssyncadd.s32 $0xFFFFF830  }
0x96: {  	[tilespmem:s8], [sflag:$0x3] =	stream.linear.gather [hbm4b:s29+s5], $0x7D0, $0x38;
	[tilespmem:$0x1CE78] =	vst v63  }
0x97: {  	_ =	swait.ge [sflag:s7], $0x7D0  }
0x98: {  	[sflag:s7] =	ssyncset.done $0x0  }
0x99: {  	[sflag:s7] =	ssyncadd.s32 $0xFFFFF830  }
0x9a: {  	[tilespmem:s11], [sflag:$0x1] =	stream.indirect.gather [spmem:s4], $0x10, s5, s8, $0xb8;
	[tilespmem:$0x1CE78] =	vst v63  }
0x9b: {  	_ = 	snop  }
0x9c: {  	[spmem:s2] =	stream.indirect.scatter.add.f32 [tilespmem:s15], [sflag:$0x3], $0x10, s14, s8, $0xb8;
	[tilespmem:$0x1CE78] =	vst v63  }
0x9d: {  	_ =	swait.ge [sflag:s7], $0x7D00  }
0x9e: {  	[sflag:s7] =	ssyncset.done $0x0  }
0x9f: {  	[sflag:s7] =	ssyncadd.s32 $0xFFFF8300  }
0xa0: {  	_ =	swait.ge [sflag:s12], $0x7D00  }
0xa1: {  	[sflag:s12] =	ssyncset.done $0x0  }
0xa2: {  	[sflag:s12] =	ssyncadd.s32 $0xFFFF8300  }
0xa3: {  	[spmem:s2] =	stream.indirect.scatter.add.f32 [tilespmem:s11], [sflag:$0x3], $0x10, s8, s8, $0xb8;
	[tilespmem:$0x1CE78] =	vst v63  }
0xa4: {  	_ =	swait.ge [sflag:s7], $0x7D00  }
0xa5: {  	[sflag:s7] =	ssyncset.done $0x0  }
0xa6: {  	[sflag:s7] =	ssyncadd.s32 $0xFFFF8300  }
0xa7: {  	[bflag:$0x0] =	sbarrier.arrive $0xFFFF  }
0xa8: {  	s21 =	sshrl.u32 @p1 s31, $0x3;
	s22 =	simm.s32 @p1 $0x1FC3;
	s23 =	rddreg [dreg:$0x19]  }
0xa9: {  	[hbm:s23], [sflag:s22] =	dma.local @p1 [spmem:s21], $0x320  }
0xaa: {  	s21 =	simm.s32 @p1 $0x3  }
0xab: {  	s22 =	stileid.u32;
	_ =	swait.ge @p1 [sflag:s21], $0x320  }
0xac: {  	s22 =	sshll.u32 @!p1 s22, $0x6;
	[sflag:s21] =	ssyncset.done @p1 $0x0;
	s23 =	rddreg [dreg:$0x1b]  }
0xad: {  	[sflag:s21] =	ssyncadd.s32 @p1 $0xFFFFFCE0;
	s21 =	sor.u32 @!p1 $0x1C03, s22;
	s22 =	rddreg [dreg:$0xc]  }
0xae: {  	[hbm:s22], [sflag:s21] =	dma.local @!p1 [spmem:s23], $0x500  }
0xaf: {  	s21 =	simm.s32 @!p1 $0x3  }
0xb0: {  	_ =	swait.ge @!p1 [sflag:s21], $0x500  }
0xb1: {  	s18 =	sadd.s32 $0x1, s18;
	s30 =	rddreg [dreg:$0x1a]  }
0xb2: {  	p2 =	sne.s32 s18, s30  }
.Ltmp1:
0xb3: {  	_ = 	snop;
	(pc) =	sbr.rel @!p2 .LBB2_17-.Ltmp1, $3  }
0xb4: {  	_ =	sdelay $0x1  }
0xb5: {  	[sflag:s21] =	ssyncset.done @!p1 $0x0  }
0xb6: {  	[sflag:s21] =	ssyncadd.s32 @!p1 $0xFFFFFB00  }
.LBB2_1:
0xb7: {  	s21 =	simm.s32 $0x0  }
.LBB2_2:
0xb8: {  	p2 =	sne.s32 s21, $0x1F00  }
.Ltmp2:
0xb9: {  	_ = 	snop;
	(pc) =	sbr.rel @p2 .LBB2_2-.Ltmp2, $4  }
0xba: {  	_ = 	snop  }
0xbb: {  	s22 =	sshra.s32 s21, $0x2  }
0xbc: {  	[tilespmem:s22+$0x14140] =	vst v0  }
0xbd: {  	s21 =	sadd.s32 $0x40, s21;
	[tilespmem:s22+$0x14910] =	vst v1  }
0xbe: {  	s21 =	simm.s32 $0x40;
	s22 =	simm.s32 $0x0  }
.LBB2_4:
0xbf: {  	p2 =	sne.s32 s21, $0x9FC0;
	[tilespmem:s22+$0x11940] =	vst v1;
	s22 =	smov.u32 s21;
	s21 =	sadd.s32 $0x40, s21  }
.Ltmp3:
0xc0: {  	(pc) =	sbr.rel @p2 .LBB2_4-.Ltmp3, $2  }
0xc1: {  	_ =	sdelay $0x2  }
0xc2: {  	s22 =	sshra.s32 s22, $0x2  }
0xc3: {  	[tilespmem:s22+$0x11940] =	vst v1;
	s21 =	simm.s32 @p1 $0x11940  }
0xc4: {  	[spmem:s31] =	stream.linear.scatter @p1 [tilespmem:s21], [sflag:$0x3], $0x1900, $0x38;
	[tilespmem:$0x1CE78] =	vst v63  }
0xc5: {  	s21 =	simm.s32 @p1 $0x3  }
0xc6: {  	_ =	swait.ge @p1 [sflag:s21], $0x1900  }
0xc7: {  	[sflag:s21] =	ssyncset.done @p1 $0x0  }
0xc8: {  	s22 =	simm.s32 @p1 $0x14910;
	[sflag:s21] =	ssyncadd.s32 @p1 $0xFFFFE700  }
0xc9: {  	[spmem:s0] =	stream.linear.scatter @p1 [tilespmem:s22], [sflag:$0x3], $0x190, $0x38;
	[tilespmem:$0x1CE78] =	vst v63  }
0xca: {  	_ =	swait.ge @p1 [sflag:s21], $0x190  }
0xcb: {  	[sflag:s21] =	ssyncset.done @p1 $0x0  }
0xcc: {  	s22 =	rddreg [dreg:$0x11];
	[sflag:s21] =	ssyncadd.s32 @p1 $0xFFFFFE70;
	s21 =	simm.s32 @!p1 $0x11940  }
0xcd: {  	[spmem:s22] =	stream.linear.scatter @!p1 [tilespmem:s21], [sflag:$0x3], $0x2800, $0x38;
	[tilespmem:$0x1CE78] =	vst v63  }
0xce: {  	s21 =	simm.s32 @!p1 $0x3  }
0xcf: {  	_ =	swait.ge @!p1 [sflag:s21], $0x2800  }
0xd0: {  	[sflag:s21] =	ssyncset.done @!p1 $0x0  }
0xd1: {  	s22 =	simm.s32 @!p1 $0x14910;
	[sflag:s21] =	ssyncadd.s32 @!p1 $0xFFFFD800  }
0xd2: {  	[spmem:s19] =	stream.linear.scatter @!p1 [tilespmem:s22], [sflag:$0x3], $0x280, $0x38;
	[tilespmem:$0x1CE78] =	vst v63  }
0xd3: {  	_ =	swait.ge @!p1 [sflag:s21], $0x280  }
0xd4: {  	[sflag:s21] =	ssyncset.done @!p1 $0x0  }
0xd5: {  	[sflag:s21] =	ssyncadd.s32 @!p1 $0xFFFFFD80  }
0xd6: {  	[bflag:$0x0] =	sbarrier.arrive $0xFFFF  }
0xd7: {  	[tilespmem:s5], [sflag:$0x3] =	stream.linear.gather [hbm4b:s17+s5], $0x7D0, $0x38;
	[tilespmem:$0x1CE78] =	vst v63  }
0xd8: {  	_ =	swait.ge [sflag:s7], $0x7D0  }
0xd9: {  	[sflag:s7] =	ssyncset.done $0x0  }
0xda: {  	[sflag:s7] =	ssyncadd.s32 $0xFFFFF830  }
0xdb: {  	[spmem:s3] =	stream.indirect.scatter.add.f32 [tilespmem:s9], [sflag:$0x3], $0x1, s5, s8, $0xb8;
	[tilespmem:$0x1CE78] =	vst v63  }
0xdc: {  	_ =	swait.ge [sflag:s7], $0x7D0  }
0xdd: {  	[sflag:s7] =	ssyncset.done $0x0  }
0xde: {  	s24 =	rddreg [dreg:$0x1d];
	[sflag:s7] =	ssyncadd.s32 $0xFFFFF830  }
0xdf: {  	[tilespmem:s5], [sflag:$0x3] =	stream.linear.gather [hbm4b:s24+s5], $0x7D0, $0x38;
	[tilespmem:$0x1CE78] =	vst v63  }
0xe0: {  	_ =	swait.ge [sflag:s7], $0x7D0  }
0xe1: {  	[sflag:s7] =	ssyncset.done $0x0  }
0xe2: {  	[sflag:s7] =	ssyncadd.s32 $0xFFFFF830  }
0xe3: {  	[spmem:s3] =	stream.indirect.scatter.add.f32 [tilespmem:s9], [sflag:$0x3], $0x1, s5, s8, $0xb8;
	[tilespmem:$0x1CE78] =	vst v63  }
0xe4: {  	_ =	swait.ge [sflag:s7], $0x7D0  }
0xe5: {  	[sflag:s7] =	ssyncset.done $0x0  }
0xe6: {  	s25 =	rddreg [dreg:$0x1e];
	[sflag:s7] =	ssyncadd.s32 $0xFFFFF830  }
0xe7: {  	[tilespmem:s5], [sflag:$0x3] =	stream.linear.gather [hbm4b:s25+s5], $0x7D0, $0x38;
	[tilespmem:$0x1CE78] =	vst v63  }
0xe8: {  	_ =	swait.ge [sflag:s7], $0x7D0  }
0xe9: {  	[sflag:s7] =	ssyncset.done $0x0  }
0xea: {  	[sflag:s7] =	ssyncadd.s32 $0xFFFFF830  }
0xeb: {  	[spmem:s3] =	stream.indirect.scatter.add.f32 [tilespmem:s9], [sflag:$0x3], $0x1, s5, s8, $0xb8;
	[tilespmem:$0x1CE78] =	vst v63  }
0xec: {  	_ =	swait.ge [sflag:s7], $0x7D0  }
0xed: {  	[sflag:s7] =	ssyncset.done $0x0  }
0xee: {  	s28 =	rddreg [dreg:$0x1f];
	[sflag:s7] =	ssyncadd.s32 $0xFFFFF830  }
0xef: {  	[tilespmem:s5], [sflag:$0x3] =	stream.linear.gather [hbm4b:s28+s5], $0x7D0, $0x38;
	[tilespmem:$0x1CE78] =	vst v63  }
0xf0: {  	_ =	swait.ge [sflag:s7], $0x7D0  }
0xf1: {  	[sflag:s7] =	ssyncset.done $0x0  }
0xf2: {  	[sflag:s7] =	ssyncadd.s32 $0xFFFFF830  }
0xf3: {  	[spmem:s3] =	stream.indirect.scatter.add.f32 [tilespmem:s9], [sflag:$0x3], $0x1, s5, s8, $0xb8;
	[tilespmem:$0x1CE78] =	vst v63  }
0xf4: {  	_ =	swait.ge [sflag:s7], $0x7D0  }
0xf5: {  	s29 =	sld [smem:$0x7FC]  }
0xf6: {  	[sflag:s7] =	ssyncset.done $0x0  }
0xf7: {  	[sflag:s7] =	ssyncadd.s32 $0xFFFFF830  }
0xf8: {  	[tilespmem:s5], [sflag:$0x3] =	stream.linear.gather [hbm4b:s29+s5], $0x7D0, $0x38;
	[tilespmem:$0x1CE78] =	vst v63  }
0xf9: {  	_ =	swait.ge [sflag:s7], $0x7D0  }
0xfa: {  	[sflag:s7] =	ssyncset.done $0x0  }
0xfb: {  	[sflag:s7] =	ssyncadd.s32 $0xFFFFF830  }
0xfc: {  	[spmem:s3] =	stream.indirect.scatter.add.f32 [tilespmem:s9], [sflag:$0x3], $0x1, s5, s8, $0xb8;
	[tilespmem:$0x1CE78] =	vst v63  }
0xfd: {  	_ =	swait.ge [sflag:s7], $0x7D0  }
0xfe: {  	s30 =	sld [smem:$0x7FD]  }
0xff: {  	[sflag:s7] =	ssyncset.done $0x0  }
0x100: {  	[sflag:s7] =	ssyncadd.s32 $0xFFFFF830  }
0x101: {  	[tilespmem:s5], [sflag:$0x3] =	stream.linear.gather [hbm4b:s30+s5], $0x7D0, $0x38;
	[tilespmem:$0x1CE78] =	vst v63  }
0x102: {  	_ =	swait.ge [sflag:s7], $0x7D0  }
0x103: {  	[sflag:s7] =	ssyncset.done $0x0  }
0x104: {  	[sflag:s7] =	ssyncadd.s32 $0xFFFFF830  }
0x105: {  	[spmem:s3] =	stream.indirect.scatter.add.f32 [tilespmem:s9], [sflag:$0x3], $0x1, s5, s8, $0xb8;
	[tilespmem:$0x1CE78] =	vst v63  }
0x106: {  	_ =	swait.ge [sflag:s7], $0x7D0  }
0x107: {  	[sflag:s7] =	ssyncset.done $0x0  }
0x108: {  	[sflag:s7] =	ssyncadd.s32 $0xFFFFF830  }
0x109: {  	[tilespmem:s5], [sflag:$0x3] =	stream.linear.gather [hbm4b:s26+s5], $0x7D0, $0x38;
	[tilespmem:$0x1CE78] =	vst v63  }
0x10a: {  	_ =	swait.ge [sflag:s7], $0x7D0  }
0x10b: {  	[sflag:s7] =	ssyncset.done $0x0  }
0x10c: {  	[sflag:s7] =	ssyncadd.s32 $0xFFFFF830  }
0x10d: {  	[spmem:s3] =	stream.indirect.scatter.add.f32 [tilespmem:s9], [sflag:$0x3], $0x1, s5, s8, $0xb8;
	[tilespmem:$0x1CE78] =	vst v63  }
0x10e: {  	_ =	swait.ge [sflag:s7], $0x7D0  }
0x10f: {  	[sflag:s7] =	ssyncset.done $0x0  }
0x110: {  	[sflag:s7] =	ssyncadd.s32 $0xFFFFF830  }
0x111: {  	[tilespmem:s5], [sflag:$0x3] =	stream.linear.gather [hbm4b:s20+s5], $0x7D0, $0x38;
	[tilespmem:$0x1CE78] =	vst v63  }
0x112: {  	_ =	swait.ge [sflag:s7], $0x7D0  }
0x113: {  	[sflag:s7] =	ssyncset.done $0x0  }
0x114: {  	[sflag:s7] =	ssyncadd.s32 $0xFFFFF830  }
0x115: {  	[spmem:s3] =	stream.indirect.scatter.add.f32 [tilespmem:s9], [sflag:$0x3], $0x1, s5, s8, $0xb8;
	[tilespmem:$0x1CE78] =	vst v63  }
0x116: {  	_ =	swait.ge [sflag:s7], $0x7D0  }
0x117: {  	[sflag:s7] =	ssyncset.done $0x0  }
0x118: {  	[sflag:s7] =	ssyncadd.s32 $0xFFFFF830  }
0x119: {  	[tilespmem:s5], [sflag:$0x3] =	stream.linear.gather [hbm4b:s1+s5], $0x7D0, $0x38;
	[tilespmem:$0x1CE78] =	vst v63  }
0x11a: {  	_ =	swait.ge [sflag:s7], $0x7D0  }
0x11b: {  	[sflag:s7] =	ssyncset.done $0x0  }
0x11c: {  	[sflag:s7] =	ssyncadd.s32 $0xFFFFF830  }
0x11d: {  	[spmem:s3] =	stream.indirect.scatter.add.f32 [tilespmem:s9], [sflag:$0x3], $0x1, s5, s8, $0xb8;
	[tilespmem:$0x1CE78] =	vst v63  }
0x11e: {  	_ =	swait.ge [sflag:s7], $0x7D0  }
0x11f: {  	[sflag:s7] =	ssyncset.done $0x0  }
0x120: {  	[sflag:s7] =	ssyncadd.s32 $0xFFFFF830  }
0x121: {  	[tilespmem:s5], [sflag:$0x3] =	stream.linear.gather [hbm4b:s6+s5], $0x7D0, $0x38;
	[tilespmem:$0x1CE78] =	vst v63  }
0x122: {  	_ =	swait.ge [sflag:s7], $0x7D0  }
0x123: {  	[sflag:s7] =	ssyncset.done $0x0  }
0x124: {  	[sflag:s7] =	ssyncadd.s32 $0xFFFFF830  }
0x125: {  	[spmem:s3] =	stream.indirect.scatter.add.f32 [tilespmem:s9], [sflag:$0x3], $0x1, s5, s8, $0xb8;
	[tilespmem:$0x1CE78] =	vst v63  }
.Ltmp4:
0x126: {  	_ =	swait.ge [sflag:s7], $0x7D0;
	(pc) =	sbr.rel @!p1 .LBB2_6-.Ltmp4, $4  }
0x127: {  	[sflag:s7] =	ssyncset.done $0x0  }
0x128: {  	[sflag:s7] =	ssyncadd.s32 $0xFFFFF830  }
0x129: {  	[bflag:$0x0] =	sbarrier.arrive $0xFFFF  }
0x12a: {  	s21 =	simm.s32 $0x150E0  }
0x12b: {  	[tilespmem:s21], [sflag:$0x3] =	stream.linear.gather [spmem:s0], $0x190, $0x38;
	[tilespmem:$0x1CE78] =	vst v63  }
0x12c: {  	_ =	swait.ge [sflag:s7], $0x190  }
0x12d: {  	[sflag:s7] =	ssyncset.done $0x0  }
0x12e: {  	s29 =	simm.s32 $0x0;
	[sflag:s7] =	ssyncadd.s32 $0xFFFFFE70  }
0x12f: {  	v18 =	vld [tilespmem:s29+$0x150E0];
	_ =	sdelay $0x4  }
0x130: {  	s28 =	simm.s32 $0x10;
	v18 =	vadd.f32 $1.000000000e+00, v18  }
0x131: {  	v19 =	vld [tilespmem:s28+$0x150E0]  }
0x132: {  	v20 =	vshra.s32 v18, $0x1;
	v21 =	vmul.f32 $5.000000000e-01, v18  }
0x133: {  	v18 =	vsub.s32 $0x5F3759DF, v20  }
0x134: {  	v20 =	vmul.f32 v18, v21  }
0x135: {  	s30 =	simm.s32 $0x20  }
0x136: {  	v22 =	vld [tilespmem:s30+$0x150E0];
	v19 =	vadd.f32 $1.000000000e+00, v19;
	v20 =	vmul.f32 v18, v20;
	_ =	sdelay $0x1  }
0x137: {  	v23 =	vshra.s32 v19, $0x1;
	v25 =	vmul.f32 $5.000000000e-01, v19;
	v19 =	vsub.f32 $1.500000000e+00, v20  }
0x138: {  	v20 =	vsub.s32 $0x5F3759DF, v23  }
0x139: {  	v23 =	vmul.f32 v20, v25;
	v19 =	vmul.f32 v18, v19  }
0x13a: {  	s21 =	simm.s32 $0x30;
	v18 =	vadd.f32 $1.000000000e+00, v22  }
0x13b: {  	v22 =	vld [tilespmem:s21+$0x150E0];
	v23 =	vmul.f32 v20, v23;
	v24 =	vmul.f32 v19, v21  }
0x13c: {  	v26 =	vshra.s32 v18, $0x1;
	v18 =	vmul.f32 $5.000000000e-01, v18  }
0x13d: {  	v23 =	vsub.f32 $1.500000000e+00, v23;
	v26 =	vsub.s32 $0x5F3759DF, v26;
	v24 =	vmul.f32 v24, v19  }
0x13e: {  	v27 =	vmul.f32 v26, v18  }
0x13f: {  	v20 =	vmul.f32 v20, v23;
	v23 =	vsub.f32 $1.500000000e+00, v24  }
0x140: {  	v22 =	vadd.f32 $1.000000000e+00, v22;
	v27 =	vmul.f32 v26, v27  }
0x141: {  	s22 =	simm.s32 $0x40;
	v28 =	vmul.f32 v20, v25;
	v23 =	vmul.f32 v23, v19  }
0x142: {  	v24 =	vld [tilespmem:s22+$0x150E0];
	v29 =	vshra.s32 v22, $0x1;
	v19 =	vmul.f32 $5.000000000e-01, v22;
	v22 =	vsub.f32 $1.500000000e+00, v27  }
0x143: {  	v30 =	vsub.s32 $0x5F3759DF, v29;
	v27 =	vmul.f32 v28, v20;
	v21 =	vmul.f32 v23, v21  }
0x144: {  	v28 =	vmul.f32 v30, v19;
	v22 =	vmul.f32 v26, v22  }
0x145: {  	v26 =	vsub.f32 $1.500000000e+00, v27;
	v21 =	vmul.f32 v21, v23  }
0x146: {  	v27 =	vmul.f32 v30, v28;
	v28 =	vmul.f32 v22, v18  }
0x147: {  	s23 =	simm.s32 $0x50;
	v24 =	vadd.f32 $1.000000000e+00, v24;
	v20 =	vmul.f32 v26, v20  }
0x148: {  	v31 =	vsub.f32 $1.500000000e+00, v21;
	v32 =	vsub.f32 $1.500000000e+00, v27;
	v27 =	vmul.f32 v28, v22;
	v28 =	vld [tilespmem:s23+$0x150E0]  }
0x149: {  	v29 =	vshra.s32 v24, $0x1;
	v21 =	vmul.f32 $5.000000000e-01, v24  }
0x14a: {  	v24 =	vsub.s32 $0x5F3759DF, v29;
	v26 =	vmul.f32 v20, v25;
	v23 =	vmul.f32 v31, v23  }
0x14b: {  	s24 =	simm.s32 $0x180;
	v29 =	vmul.f32 v24, v21;
	v25 =	vmul.f32 v30, v32  }
.LBB2_12:
0x14c: {  	s25 =	sshra.s32 s24, $0x2  }
0x14d: {  	v30 =	vadd.f32 $1.000000000e+00, v28;
	v27 =	vsub.f32 $1.500000000e+00, v27;
	v26 =	vmul.f32 v26, v20;
	[tilespmem:s29+$0x15360] =	vst v23;
	s29 =	smov.u32 s28;
	s28 =	smov.u32 s30;
	p2 =	sne.s32 s24, $0x600  }
.Ltmp5:
0x14e: {  	s30 =	smov.u32 s21;
	s21 =	smov.u32 s22;
	v28 =	vld [tilespmem:s25+$0x150E0];
	v23 =	vmul.f32 v24, v29;
	v29 =	vmul.f32 v25, v19;
	(pc) =	sbr.rel @p2 .LBB2_12-.Ltmp5, $4  }
0x14f: {  	s24 =	sadd.s32 $0x40, s24;
	s22 =	smov.u32 s23;
	v31 =	vshra.s32 v30, $0x1;
	v32 =	vmul.f32 v27, v22;
	v33 =	vsub.f32 $1.500000000e+00, v26;
	v22 =	vmovc v25  }
0x150: {  	s23 =	smov.u32 s25;
	v30 =	vmul.f32 $5.000000000e-01, v30;
	v25 =	vsub.f32 $1.500000000e+00, v23;
	v27 =	vmul.f32 v29, v22  }
0x151: {  	v31 =	vsub.s32 $0x5F3759DF, v31;
	v26 =	vmul.f32 v32, v18;
	v23 =	vmul.f32 v33, v20;
	v20 =	vmovc v32;
	v18 =	vmovc v19  }
0x152: {  	v29 =	vmul.f32 v31, v30;
	v19 =	vmovc v21;
	v21 =	vmovc v30;
	v25 =	vmul.f32 v24, v25;
	v24 =	vmov v31  }
0x153: {  	v28 =	vadd.f32 $1.000000000e+00, v28;
	_ =	sdelay $0x1  }
0x154: {  	v30 =	vshra.s32 v28, $0x1;
	v28 =	vmul.f32 $5.000000000e-01, v28  }
0x155: {  	v30 =	vsub.s32 $0x5F3759DF, v30  }
0x156: {  	v31 =	vmul.f32 v30, v28  }
0x157: {  	v29 =	vmul.f32 v24, v29  }
0x158: {  	v31 =	vmul.f32 v30, v31  }
0x159: {  	v29 =	vsub.f32 $1.500000000e+00, v29  }
0x15a: {  	v31 =	vsub.f32 $1.500000000e+00, v31  }
0x15b: {  	v55 =	vmul.f32 v24, v29  }
0x15c: {  	v56 =	vmul.f32 v25, v19;
	v30 =	vmul.f32 v30, v31  }
0x15d: {  	v57 =	vmul.f32 v55, v21  }
0x15e: {  	v29 =	vmul.f32 v56, v25;
	v32 =	vmul.f32 v30, v28  }
0x15f: {  	v27 =	vsub.f32 $1.500000000e+00, v27;
	v31 =	vmul.f32 v57, v55  }
0x160: {  	v29 =	vsub.f32 $1.500000000e+00, v29;
	v32 =	vmul.f32 v32, v30  }
0x161: {  	v22 =	vmul.f32 v27, v22;
	v58 =	vsub.f32 $1.500000000e+00, v31  }
0x162: {  	v26 =	vmul.f32 v26, v20;
	v59 =	vmul.f32 v29, v25;
	v60 =	vsub.f32 $1.500000000e+00, v32  }
0x163: {  	v18 =	vmul.f32 v22, v18;
	v24 =	vmul.f32 v58, v55  }
0x164: {  	v19 =	vmul.f32 v59, v19;
	v61 =	vmul.f32 v60, v30  }
0x165: {  	v18 =	vmul.f32 v18, v22;
	v62 =	vmul.f32 v24, v21  }
0x166: {  	v26 =	vsub.f32 $1.500000000e+00, v26;
	v19 =	vmul.f32 v19, v59;
	v28 =	vmul.f32 v61, v28  }
0x167: {  	v18 =	vsub.f32 $1.500000000e+00, v18;
	v21 =	vmul.f32 v62, v24  }
0x168: {  	v20 =	vmul.f32 v26, v20;
	v19 =	vsub.f32 $1.500000000e+00, v19;
	v63 =	vmul.f32 v28, v61  }
0x169: {  	[tilespmem:s29+$0x15360] =	vst v23;
	v18 =	vmul.f32 v18, v22;
	v21 =	vsub.f32 $1.500000000e+00, v21  }
0x16a: {  	[tilespmem:s28+$0x15360] =	vst v20;
	v19 =	vmul.f32 v19, v59;
	v20 =	vsub.f32 $1.500000000e+00, v63  }
0x16b: {  	[tilespmem:s30+$0x15360] =	vst v18;
	v18 =	vmul.f32 v21, v24  }
0x16c: {  	[tilespmem:s21+$0x15360] =	vst v19;
	v19 =	vmul.f32 v20, v61  }
0x16d: {  	[tilespmem:s22+$0x15360] =	vst v18  }
0x16e: {  	s25 =	simm.s32 $0x0;
	s30 =	rddreg [dreg:$0x15];
	[tilespmem:s23+$0x15360] =	vst v19  }
0x16f: {  	[tilespmem:s10], [sflag:$0x3] =	stream.linear.gather [hbm4b:s30+s25], $0x1900, $0x38;
	[tilespmem:$0x1CE78] =	vst v63  }
0x170: {  	_ =	swait.ge [sflag:s7], $0x1900  }
0x171: {  	[sflag:s7] =	ssyncset.done $0x0  }
0x172: {  	s28 =	simm.s32 $0x15660;
	[sflag:s7] =	ssyncadd.s32 $0xFFFFE700  }
0x173: {  	s29 =	simm.s32 $0x15660;
	s21 =	simm.s32 $0x40;
	s22 =	simm.s32 $0x0;
	v18 =	vld [tilespmem:s28+$0xFFFFFFB0]  }
.LBB2_14:
0x174: {  	p2 =	sne.s32 s21, $0x600;
	v19 =	vld [tilespmem:s22+$0x15360]  }
0x175: {  	v20 =	vld [tilespmem:s28+$0xFFFFFF90]  }
0x176: {  	v21 =	vld [tilespmem:s28+$0xFFFFFF80]  }
0x177: {  	v22 =	vld [tilespmem:s28+$0xFFFFFFA0]  }
0x178: {  	v23 =	vld [tilespmem:s28+$0xFFFFFFF0]  }
0x179: {  	v24 =	vperm.xlane v19, v2;
	v25 =	vperm.xlane v19, v3;
	v26 =	vld [tilespmem:s28+$0xFFFFFFD0]  }
0x17a: {  	v27 =	vperm.xlane v19, v4;
	v28 =	vperm.xlane v19, v5;
	v29 =	vld [tilespmem:s28+$0xFFFFFFC0]  }
0x17b: {  	v21 =	vmul.f32 v21, v24;
	v20 =	vmul.f32 v20, v25;
	v24 =	vld [tilespmem:s28+$0xFFFFFFE0]  }
0x17c: {  	v18 =	vmul.f32 v18, v28;
	v22 =	vmul.f32 v22, v27;
	v25 =	vld [tilespmem:s28+$0x30]  }
0x17d: {  	v27 =	vperm.xlane v19, v7;
	[tilespmem:s28+$0xFFFFFF80] =	vst v21;
	v21 =	vperm.xlane v19, v6;
	v28 =	vld [tilespmem:s28+$0x10]  }
0x17e: {  	v30 =	vperm.xlane v19, v9;
	[tilespmem:s28+$0xFFFFFF90] =	vst v20;
	v20 =	vperm.xlane v19, v8;
	v31 =	vld [tilespmem:s28+$0x0]  }
0x17f: {  	[tilespmem:s28+$0xFFFFFFA0] =	vst v22;
	v21 =	vmul.f32 v29, v21;
	v22 =	vmul.f32 v26, v27;
	v26 =	vld [tilespmem:s28+$0x20]  }
0x180: {  	[tilespmem:s28+$0xFFFFFFB0] =	vst v18;
	v18 =	vmul.f32 v24, v20;
	v20 =	vmul.f32 v23, v30;
	v23 =	vld [tilespmem:s28+$0x70]  }
0x181: {  	v24 =	vperm.xlane v19, v11;
	[tilespmem:s28+$0xFFFFFFC0] =	vst v21;
	v21 =	vperm.xlane v19, v10;
	v27 =	vld [tilespmem:s28+$0x50]  }
0x182: {  	v29 =	vperm.xlane v19, v13;
	[tilespmem:s28+$0xFFFFFFD0] =	vst v22;
	v22 =	vperm.xlane v19, v12;
	v30 =	vld [tilespmem:s28+$0x40]  }
0x183: {  	[tilespmem:s28+$0xFFFFFFE0] =	vst v18;
	v18 =	vmul.f32 v31, v21;
	v21 =	vmul.f32 v28, v24;
	v24 =	vld [tilespmem:s28+$0x60]  }
0x184: {  	[tilespmem:s28+$0xFFFFFFF0] =	vst v20;
	v20 =	vmul.f32 v26, v22;
	v22 =	vmul.f32 v25, v29  }
0x185: {  	v25 =	vperm.xlane v19, v15;
	[tilespmem:s28+$0x0] =	vst v18;
	v18 =	vperm.xlane v19, v14  }
0x186: {  	[tilespmem:s28+$0x10] =	vst v21;
	v21 =	vperm.xlane v19, v16;
	v19 =	vperm.xlane v19, v17  }
0x187: {  	[tilespmem:s28+$0x20] =	vst v20;
	v18 =	vmul.f32 v30, v18;
	v20 =	vmul.f32 v27, v25  }
.Ltmp6:
0x188: {  	[tilespmem:s28+$0x30] =	vst v22;
	v21 =	vmul.f32 v24, v21;
	v19 =	vmul.f32 v23, v19;
	(pc) =	sbr.rel @p2 .LBB2_14-.Ltmp6, $4  }
0x189: {  	[tilespmem:s28+$0x40] =	vst v18  }
0x18a: {  	[tilespmem:s28+$0x50] =	vst v20  }
0x18b: {  	s28 =	sadd.s32 $0x100, s28;
	[tilespmem:s29+$0x60] =	vst v21  }
0x18c: {  	s22 =	sshra.s32 s21, $0x2;
	s21 =	sadd.s32 $0x40, s21;
	v18 =	vld [tilespmem:s28+$0xFFFFFFB0];
	[tilespmem:s29+$0x70] =	vst v19;
	s29 =	smov.u32 s28  }
0x18d: {  	v19 =	vld [tilespmem:s22+$0x15360];
	_ =	sdelay $0x1  }
0x18e: {  	v20 =	vld [tilespmem:s28+$0xFFFFFF80]  }
0x18f: {  	v21 =	vld [tilespmem:s28+$0xFFFFFF90]  }
0x190: {  	v22 =	vld [tilespmem:s28+$0xFFFFFFA0]  }
0x191: {  	v23 =	vperm.xlane v19, v2  }
0x192: {  	v26 =	vld [tilespmem:s28+$0xFFFFFFD0];
	v24 =	vperm.xlane v19, v3;
	v27 =	vperm.xlane v19, v4  }
0x193: {  	v45 =	vld [tilespmem:s28+$0xFFFFFFE0];
	v44 =	vperm.xlane v19, v5;
	v20 =	vmul.f32 v20, v23  }
0x194: {  	v49 =	vld [tilespmem:s28+$0x10];
	v46 =	vperm.xlane v19, v6;
	v21 =	vmul.f32 v21, v24  }
0x195: {  	v25 =	vld [tilespmem:s28+$0xFFFFFFC0];
	v47 =	vperm.xlane v19, v7;
	v22 =	vmul.f32 v22, v27;
	[tilespmem:s28+$0xFFFFFF80] =	vst v20  }
0x196: {  	v28 =	vld [tilespmem:s28+$0xFFFFFFF0];
	v29 =	vperm.xlane v19, v8;
	v18 =	vmul.f32 v18, v44;
	[tilespmem:s28+$0xFFFFFF90] =	vst v21  }
0x197: {  	v51 =	vld [tilespmem:s28+$0x20];
	v53 =	vperm.xlane v19, v11;
	v23 =	vmul.f32 v26, v47;
	[tilespmem:s28+$0xFFFFFFA0] =	vst v22  }
0x198: {  	v48 =	vld [tilespmem:s28+$0x0];
	v50 =	vperm.xlane v19, v9;
	v24 =	vmul.f32 v45, v29;
	[tilespmem:s28+$0xFFFFFFB0] =	vst v18  }
0x199: {  	v55 =	vld [tilespmem:s28+$0x50];
	v52 =	vperm.xlane v19, v10;
	v58 =	vmul.f32 v49, v53;
	[tilespmem:s28+$0xFFFFFFD0] =	vst v23  }
0x19a: {  	v54 =	vld [tilespmem:s28+$0x40];
	v56 =	vperm.xlane v19, v12;
	v20 =	vmul.f32 v25, v46;
	[tilespmem:s28+$0xFFFFFFE0] =	vst v24  }
0x19b: {  	v57 =	vperm.xlane v19, v13;
	v18 =	vld [tilespmem:s28+$0x30];
	v22 =	vmul.f32 v28, v50;
	[tilespmem:s28+$0x10] =	vst v58  }
0x19c: {  	v60 =	vld [tilespmem:s28+$0x70];
	v62 =	vperm.xlane v19, v15;
	v25 =	vmul.f32 v51, v56;
	[tilespmem:s28+$0xFFFFFFC0] =	vst v20  }
0x19d: {  	v59 =	vld [tilespmem:s28+$0x60];
	v61 =	vperm.xlane v19, v14;
	v20 =	vmul.f32 v48, v52;
	[tilespmem:s28+$0xFFFFFFF0] =	vst v22  }
0x19e: {  	v63 =	vperm.xlane v19, v16;
	v21 =	vmul.f32 v55, v62;
	[tilespmem:s28+$0x20] =	vst v25  }
0x19f: {  	v19 =	vperm.xlane v19, v17;
	[tilespmem:s28+$0x0] =	vst v20;
	v20 =	vmul.f32 v54, v61  }
0x1a0: {  	[tilespmem:s28+$0x50] =	vst v21;
	v18 =	vmul.f32 v18, v57  }
0x1a1: {  	v19 =	vmul.f32 v60, v19;
	[tilespmem:s28+$0x40] =	vst v20  }
0x1a2: {  	[tilespmem:s28+$0x30] =	vst v18;
	v18 =	vmul.f32 v59, v63  }
0x1a3: {  	[tilespmem:s29+$0x70] =	vst v19  }
0x1a4: {  	s21 =	rddreg [dreg:$0x1c];
	[tilespmem:s29+$0x60] =	vst v18  }
0x1a5: {  	[spmem:s21] =	stream.linear.scatter [tilespmem:s10], [sflag:$0x3], $0x1900, $0x38;
	[tilespmem:$0x1CE78] =	vst v63  }
0x1a6: {  	_ =	swait.ge [sflag:s7], $0x1900  }
0x1a7: {  	s22 =	simm.s32 @!p0 $0x155E0;
	[sflag:s7] =	ssyncset.done $0x0  }
0x1a8: {  	s21 =	simm.s32 @!p0 $0x0;
	s23 =	rddreg [dreg:$0x16];
	[sflag:s7] =	ssyncadd.s32 $0xFFFFE700  }
0x1a9: {  	[hbm4b:s23+s21] =	stream.linear.scatter @!p0 [tilespmem:s22], [sflag:$0x3], $0x1900, $0x38;
	[tilespmem:$0x1CE78] =	vst v63  }
0x1aa: {  	s22 =	simm.s32 @!p0 $0x3  }
0x1ab: {  	_ =	swait.ge @!p0 [sflag:s22], $0x1900  }
0x1ac: {  	s23 =	simm.s32 @!p0 $0x15360;
	[sflag:s22] =	ssyncset.done @!p0 $0x0  }
.Ltmp7:
0x1ad: {  	s24 =	rddreg [dreg:$0x17];
	[sflag:s22] =	ssyncadd.s32 @!p0 $0xFFFFE700;
	(pc) =	sbr.rel .LBB2_16-.Ltmp7, $4  }
0x1ae: {  	[hbm4b:s24+s21] =	stream.linear.scatter @!p0 [tilespmem:s23], [sflag:$0x3], $0x190, $0x38;
	[tilespmem:$0x1CE78] =	vst v63  }
0x1af: {  	_ =	swait.ge @!p0 [sflag:s22], $0x190  }
0x1b0: {  	[sflag:s22] =	ssyncset.done @!p0 $0x0  }
0x1b1: {  	[sflag:s22] =	ssyncadd.s32 @!p0 $0xFFFFFE70  }
.LBB2_6:
0x1b2: {  	[tilespmem:s21], [sflag:$0x3] =	stream.linear.gather [spmem:s19], $0x280, $0x38;
	[tilespmem:$0x1CE78] =	vst v63  }
0x1b3: {  	_ =	swait.ge [sflag:s7], $0x280  }
0x1b4: {  	[sflag:s7] =	ssyncset.done $0x0  }
0x1b5: {  	s29 =	simm.s32 $0x0;
	[sflag:s7] =	ssyncadd.s32 $0xFFFFFD80  }
0x1b6: {  	v18 =	vld [tilespmem:s29+$0x150E0];
	_ =	sdelay $0x4  }
0x1b7: {  	s28 =	simm.s32 $0x10;
	v18 =	vadd.f32 $1.000000000e+00, v18  }
0x1b8: {  	v19 =	vld [tilespmem:s28+$0x150E0]  }
0x1b9: {  	v20 =	vshra.s32 v18, $0x1;
	v21 =	vmul.f32 $5.000000000e-01, v18  }
0x1ba: {  	v18 =	vsub.s32 $0x5F3759DF, v20  }
0x1bb: {  	v20 =	vmul.f32 v18, v21  }
0x1bc: {  	s30 =	simm.s32 $0x20  }
0x1bd: {  	v22 =	vld [tilespmem:s30+$0x150E0];
	v19 =	vadd.f32 $1.000000000e+00, v19;
	v20 =	vmul.f32 v18, v20;
	_ =	sdelay $0x1  }
0x1be: {  	v23 =	vshra.s32 v19, $0x1;
	v25 =	vmul.f32 $5.000000000e-01, v19;
	v19 =	vsub.f32 $1.500000000e+00, v20  }
0x1bf: {  	v20 =	vsub.s32 $0x5F3759DF, v23  }
0x1c0: {  	v23 =	vmul.f32 v20, v25;
	v19 =	vmul.f32 v18, v19  }
0x1c1: {  	s21 =	simm.s32 $0x30;
	v18 =	vadd.f32 $1.000000000e+00, v22  }
0x1c2: {  	v22 =	vld [tilespmem:s21+$0x150E0];
	v23 =	vmul.f32 v20, v23;
	v24 =	vmul.f32 v19, v21  }
0x1c3: {  	v26 =	vshra.s32 v18, $0x1;
	v18 =	vmul.f32 $5.000000000e-01, v18  }
0x1c4: {  	v23 =	vsub.f32 $1.500000000e+00, v23;
	v26 =	vsub.s32 $0x5F3759DF, v26;
	v24 =	vmul.f32 v24, v19  }
0x1c5: {  	v27 =	vmul.f32 v26, v18  }
0x1c6: {  	v20 =	vmul.f32 v20, v23;
	v23 =	vsub.f32 $1.500000000e+00, v24  }
0x1c7: {  	v22 =	vadd.f32 $1.000000000e+00, v22;
	v27 =	vmul.f32 v26, v27  }
0x1c8: {  	s22 =	simm.s32 $0x40;
	v28 =	vmul.f32 v20, v25;
	v23 =	vmul.f32 v23, v19  }
0x1c9: {  	v24 =	vld [tilespmem:s22+$0x150E0];
	v29 =	vshra.s32 v22, $0x1;
	v19 =	vmul.f32 $5.000000000e-01, v22;
	v22 =	vsub.f32 $1.500000000e+00, v27  }
0x1ca: {  	v30 =	vsub.s32 $0x5F3759DF, v29;
	v27 =	vmul.f32 v28, v20;
	v21 =	vmul.f32 v23, v21  }
0x1cb: {  	v28 =	vmul.f32 v30, v19;
	v22 =	vmul.f32 v26, v22  }
0x1cc: {  	v26 =	vsub.f32 $1.500000000e+00, v27;
	v21 =	vmul.f32 v21, v23  }
0x1cd: {  	v27 =	vmul.f32 v30, v28;
	v28 =	vmul.f32 v22, v18  }
0x1ce: {  	s23 =	simm.s32 $0x50;
	v24 =	vadd.f32 $1.000000000e+00, v24;
	v20 =	vmul.f32 v26, v20  }
0x1cf: {  	v31 =	vsub.f32 $1.500000000e+00, v21;
	v32 =	vsub.f32 $1.500000000e+00, v27;
	v27 =	vmul.f32 v28, v22;
	v28 =	vld [tilespmem:s23+$0x150E0]  }
0x1d0: {  	v29 =	vshra.s32 v24, $0x1;
	v21 =	vmul.f32 $5.000000000e-01, v24  }
0x1d1: {  	v24 =	vsub.s32 $0x5F3759DF, v29;
	v26 =	vmul.f32 v20, v25;
	v23 =	vmul.f32 v31, v23  }
0x1d2: {  	s24 =	simm.s32 $0x180;
	v29 =	vmul.f32 v24, v21;
	v25 =	vmul.f32 v30, v32  }
.LBB2_7:
0x1d3: {  	s25 =	sshra.s32 s24, $0x2  }
0x1d4: {  	v30 =	vadd.f32 $1.000000000e+00, v28;
	v27 =	vsub.f32 $1.500000000e+00, v27;
	v26 =	vmul.f32 v26, v20;
	[tilespmem:s29+$0x15360] =	vst v23;
	s29 =	smov.u32 s28;
	s28 =	smov.u32 s30;
	p2 =	sne.s32 s24, $0x9C0  }
.Ltmp8:
0x1d5: {  	s30 =	smov.u32 s21;
	s21 =	smov.u32 s22;
	v28 =	vld [tilespmem:s25+$0x150E0];
	v23 =	vmul.f32 v24, v29;
	v29 =	vmul.f32 v25, v19;
	(pc) =	sbr.rel @p2 .LBB2_7-.Ltmp8, $4  }
0x1d6: {  	s24 =	sadd.s32 $0x40, s24;
	s22 =	smov.u32 s23;
	v31 =	vshra.s32 v30, $0x1;
	v32 =	vmul.f32 v27, v22;
	v33 =	vsub.f32 $1.500000000e+00, v26;
	v22 =	vmovc v25  }
0x1d7: {  	s23 =	smov.u32 s25;
	v30 =	vmul.f32 $5.000000000e-01, v30;
	v25 =	vsub.f32 $1.500000000e+00, v23;
	v27 =	vmul.f32 v29, v22  }
0x1d8: {  	v31 =	vsub.s32 $0x5F3759DF, v31;
	v26 =	vmul.f32 v32, v18;
	v23 =	vmul.f32 v33, v20;
	v20 =	vmovc v32;
	v18 =	vmovc v19  }
0x1d9: {  	v29 =	vmul.f32 v31, v30;
	v19 =	vmovc v21;
	v21 =	vmovc v30;
	v25 =	vmul.f32 v24, v25;
	v24 =	vmov v31  }
0x1da: {  	v28 =	vadd.f32 $1.000000000e+00, v28;
	_ =	sdelay $0x1  }
0x1db: {  	v30 =	vshra.s32 v28, $0x1;
	v28 =	vmul.f32 $5.000000000e-01, v28  }
0x1dc: {  	v30 =	vsub.s32 $0x5F3759DF, v30  }
0x1dd: {  	v31 =	vmul.f32 v30, v28  }
0x1de: {  	v29 =	vmul.f32 v24, v29  }
0x1df: {  	v31 =	vmul.f32 v30, v31  }
0x1e0: {  	v29 =	vsub.f32 $1.500000000e+00, v29  }
0x1e1: {  	v31 =	vsub.f32 $1.500000000e+00, v31  }
0x1e2: {  	v55 =	vmul.f32 v24, v29  }
0x1e3: {  	v56 =	vmul.f32 v25, v19;
	v30 =	vmul.f32 v30, v31  }
0x1e4: {  	v57 =	vmul.f32 v55, v21  }
0x1e5: {  	v29 =	vmul.f32 v56, v25;
	v32 =	vmul.f32 v30, v28  }
0x1e6: {  	v27 =	vsub.f32 $1.500000000e+00, v27;
	v31 =	vmul.f32 v57, v55  }
0x1e7: {  	v29 =	vsub.f32 $1.500000000e+00, v29;
	v32 =	vmul.f32 v32, v30  }
0x1e8: {  	v22 =	vmul.f32 v27, v22;
	v58 =	vsub.f32 $1.500000000e+00, v31  }
0x1e9: {  	v26 =	vmul.f32 v26, v20;
	v59 =	vmul.f32 v29, v25;
	v60 =	vsub.f32 $1.500000000e+00, v32  }
0x1ea: {  	v18 =	vmul.f32 v22, v18;
	v24 =	vmul.f32 v58, v55  }
0x1eb: {  	v19 =	vmul.f32 v59, v19;
	v61 =	vmul.f32 v60, v30  }
0x1ec: {  	v18 =	vmul.f32 v18, v22;
	v62 =	vmul.f32 v24, v21  }
0x1ed: {  	v26 =	vsub.f32 $1.500000000e+00, v26;
	v19 =	vmul.f32 v19, v59;
	v28 =	vmul.f32 v61, v28  }
0x1ee: {  	v18 =	vsub.f32 $1.500000000e+00, v18;
	v21 =	vmul.f32 v62, v24  }
0x1ef: {  	v20 =	vmul.f32 v26, v20;
	v19 =	vsub.f32 $1.500000000e+00, v19;
	v63 =	vmul.f32 v28, v61  }
0x1f0: {  	[tilespmem:s29+$0x15360] =	vst v23;
	v18 =	vmul.f32 v18, v22;
	v21 =	vsub.f32 $1.500000000e+00, v21  }
0x1f1: {  	[tilespmem:s28+$0x15360] =	vst v20;
	v19 =	vmul.f32 v19, v59;
	v20 =	vsub.f32 $1.500000000e+00, v63  }
0x1f2: {  	[tilespmem:s30+$0x15360] =	vst v18;
	v18 =	vmul.f32 v21, v24  }
0x1f3: {  	[tilespmem:s21+$0x15360] =	vst v19;
	v19 =	vmul.f32 v20, v61  }
0x1f4: {  	[tilespmem:s22+$0x15360] =	vst v18  }
0x1f5: {  	s25 =	simm.s32 $0x0;
	s30 =	rddreg [dreg:$0x12];
	[tilespmem:s23+$0x15360] =	vst v19  }
0x1f6: {  	[tilespmem:s10], [sflag:$0x3] =	stream.linear.gather [hbm4b:s30+s25], $0x2800, $0x38;
	[tilespmem:$0x1CE78] =	vst v63  }
0x1f7: {  	_ =	swait.ge [sflag:s7], $0x2800  }
0x1f8: {  	[sflag:s7] =	ssyncset.done $0x0  }
0x1f9: {  	s28 =	simm.s32 $0x15660;
	[sflag:s7] =	ssyncadd.s32 $0xFFFFD800  }
0x1fa: {  	s29 =	simm.s32 $0x15660;
	s21 =	simm.s32 $0x40;
	s22 =	simm.s32 $0x0;
	v18 =	vld [tilespmem:s28+$0xFFFFFFB0]  }
.LBB2_9:
0x1fb: {  	p2 =	sne.s32 s21, $0x9C0;
	v19 =	vld [tilespmem:s22+$0x15360]  }
0x1fc: {  	v20 =	vld [tilespmem:s28+$0xFFFFFF90]  }
0x1fd: {  	v21 =	vld [tilespmem:s28+$0xFFFFFF80]  }
0x1fe: {  	v22 =	vld [tilespmem:s28+$0xFFFFFFA0]  }
0x1ff: {  	v23 =	vld [tilespmem:s28+$0xFFFFFFF0]  }
0x200: {  	v24 =	vperm.xlane v19, v2;
	v25 =	vperm.xlane v19, v3;
	v26 =	vld [tilespmem:s28+$0xFFFFFFD0]  }
0x201: {  	v27 =	vperm.xlane v19, v4;
	v28 =	vperm.xlane v19, v5;
	v29 =	vld [tilespmem:s28+$0xFFFFFFC0]  }
0x202: {  	v21 =	vmul.f32 v21, v24;
	v20 =	vmul.f32 v20, v25;
	v24 =	vld [tilespmem:s28+$0xFFFFFFE0]  }
0x203: {  	v18 =	vmul.f32 v18, v28;
	v22 =	vmul.f32 v22, v27;
	v25 =	vld [tilespmem:s28+$0x30]  }
0x204: {  	v27 =	vperm.xlane v19, v7;
	[tilespmem:s28+$0xFFFFFF80] =	vst v21;
	v21 =	vperm.xlane v19, v6;
	v28 =	vld [tilespmem:s28+$0x10]  }
0x205: {  	v30 =	vperm.xlane v19, v9;
	[tilespmem:s28+$0xFFFFFF90] =	vst v20;
	v20 =	vperm.xlane v19, v8;
	v31 =	vld [tilespmem:s28+$0x0]  }
0x206: {  	[tilespmem:s28+$0xFFFFFFA0] =	vst v22;
	v21 =	vmul.f32 v29, v21;
	v22 =	vmul.f32 v26, v27;
	v26 =	vld [tilespmem:s28+$0x20]  }
0x207: {  	[tilespmem:s28+$0xFFFFFFB0] =	vst v18;
	v18 =	vmul.f32 v24, v20;
	v20 =	vmul.f32 v23, v30;
	v23 =	vld [tilespmem:s28+$0x70]  }
0x208: {  	v24 =	vperm.xlane v19, v11;
	[tilespmem:s28+$0xFFFFFFC0] =	vst v21;
	v21 =	vperm.xlane v19, v10;
	v27 =	vld [tilespmem:s28+$0x50]  }
0x209: {  	v29 =	vperm.xlane v19, v13;
	[tilespmem:s28+$0xFFFFFFD0] =	vst v22;
	v22 =	vperm.xlane v19, v12;
	v30 =	vld [tilespmem:s28+$0x40]  }
0x20a: {  	[tilespmem:s28+$0xFFFFFFE0] =	vst v18;
	v18 =	vmul.f32 v31, v21;
	v21 =	vmul.f32 v28, v24;
	v24 =	vld [tilespmem:s28+$0x60]  }
0x20b: {  	[tilespmem:s28+$0xFFFFFFF0] =	vst v20;
	v20 =	vmul.f32 v26, v22;
	v22 =	vmul.f32 v25, v29  }
0x20c: {  	v25 =	vperm.xlane v19, v15;
	[tilespmem:s28+$0x0] =	vst v18;
	v18 =	vperm.xlane v19, v14  }
0x20d: {  	[tilespmem:s28+$0x10] =	vst v21;
	v21 =	vperm.xlane v19, v16;
	v19 =	vperm.xlane v19, v17  }
0x20e: {  	[tilespmem:s28+$0x20] =	vst v20;
	v18 =	vmul.f32 v30, v18;
	v20 =	vmul.f32 v27, v25  }
.Ltmp9:
0x20f: {  	[tilespmem:s28+$0x30] =	vst v22;
	v21 =	vmul.f32 v24, v21;
	v19 =	vmul.f32 v23, v19;
	(pc) =	sbr.rel @p2 .LBB2_9-.Ltmp9, $4  }
0x210: {  	[tilespmem:s28+$0x40] =	vst v18  }
0x211: {  	[tilespmem:s28+$0x50] =	vst v20  }
0x212: {  	s28 =	sadd.s32 $0x100, s28;
	[tilespmem:s29+$0x60] =	vst v21  }
0x213: {  	s22 =	sshra.s32 s21, $0x2;
	s21 =	sadd.s32 $0x40, s21;
	v18 =	vld [tilespmem:s28+$0xFFFFFFB0];
	[tilespmem:s29+$0x70] =	vst v19;
	s29 =	smov.u32 s28  }
.Ltmp10:
0x214: {  	_ = 	snop;
	(pc) =	sbr.rel .LBB2_10-.Ltmp10, $1  }
0x215: {  	_ =	sdelay $0x3  }
.LBB2_17:
0x216: {  	_ =	sfence.sel $0x180000  }
0x217: {  	[bflag:$0x0] =	sbarrier.arrive $0xFFFF  }
0x218: {  	_ =	strace $0x90000047  }
0x219: {  	s0 =	stileid.u32;
	[bflag:$0x2] =	sbarrier.arrive $0xFFFF  }
0x21a: {  	p0 =	sne.s32 s0, $0x0;
	s0 =	rddreg [dreg:$0x5]  }
0x21b: {  	s0 =	sadd.s32 @!p0 $0x100000, s0  }
0x21c: {  	[sflag:s0] =	ssyncadd.tile.s32 @!p0 $0x1;
	_ =	shalt  }
.Lfunc_end2:
_tile_overlayer_lowered:
.L_overlay_start_2:
0x21d: {  	(tag) =	ssettag $0x2  }
0x21e: {  	s0 =	rddreg [dreg:$0x0];
	s2 =	stileid.u32  }
0x21f: {  	s1 =	rddreg [dreg:$0x1];
	p0 =	sne.s32 s2, $0x0  }
0x220: {  	s3 =	rddreg [dreg:$0x2];
	[bflag:$0x3] =	sbarrier.arrive $0xFFFF;
	s2 =	simm.s32 @!p0 $0x1C03  }
0x221: {  	[timem:s3], [sflag:s2] =	dma.local @!p0 [hbm:s0], s1  }
0x222: {  	s0 =	simm.s32 @!p0 $0x3  }
0x223: {  	_ =	swait.ge @!p0 [sflag:s0], s1  }
0x224: {  	s1 =	ssub.s32 @!p0 $0x0, s1;
	[sflag:s0] =	ssyncset.done @!p0 $0x0  }
0x225: {  	[sflag:s0] =	ssyncadd.s32 @!p0 s1  }
0x226: {  	[bflag:$0x3] =	sbarrier.arrive $0xFFFF  }
0x227: {  	_ =	shalt  }

</sc_bundles>
